<compile_context>
chip_gen: v7x
topology: tpu7x:2x2x1
jax: 0.10.2.dev20260603
libtpu: 0.0.44.dev20260713+nightly
codegen_flags: <defaults>
</compile_context>

<pallas_src>
import functools

import jax
import jax.numpy as jnp
from jax import lax
from jax.experimental import pallas as pl
from jax.experimental.pallas import tpu as pltpu
from jax.experimental.pallas import tpu_sc as plsc

_P = 10
_PPAD = 16
_LANES = 16
_NUM_CORES = 2
_NUM_SUBCORES = 16
_C = 16
_NBUF = 3


def kernel(x, embedding):
    batch, seq, d = x.shape
    rows = batch * seq
    nw = _NUM_CORES * _NUM_SUBCORES
    rpw = rows // nw
    nchunk = rpw // _C
    ngroup = (nchunk - 2) // _NBUF
    nsl = d // _LANES

    mesh = plsc.VectorSubcoreMesh(
        core_axis_name="c", subcore_axis_name="s", num_cores=_NUM_CORES
    )

    @functools.partial(
        pl.kernel,
        out_type=jax.ShapeDtypeStruct((rows, d), jnp.float32),
        mesh=mesh,
        scratch_types=(
            [pltpu.VMEM((_P, d), jnp.float32)]
            + [pltpu.VMEM((_C, d), jnp.float32)] * _NBUF
            + [pltpu.SemaphoreType.DMA] * (2 * _NBUF)
        ),
    )
    def run(x_hbm, emb_hbm, out_hbm, rot, *scratch):
        bufs = scratch[:_NBUF]
        isems = scratch[_NBUF:2 * _NBUF]
        osems = scratch[2 * _NBUF:]

        cid = lax.axis_index("c")
        sid = lax.axis_index("s")
        wid = sid * _NUM_CORES + cid
        base0 = wid * rpw
        s0 = lax.rem(base0, seq)

        def in_desc(cc, k):
            return pltpu.make_async_copy(
                x_hbm.at[pl.ds(base0 + cc * _C, _C)], bufs[k], isems[k])

        def out_desc(cc, k):
            return pltpu.make_async_copy(
                bufs[k], out_hbm.at[pl.ds(base0 + cc * _C, _C)], osems[k])

        in_desc(0, 0).start()
        in_desc(1, 1).start()

        pltpu.sync_copy(emb_hbm, bufs[_NBUF - 1])
        dgts = [lax.rem(s0 + i, _P) for i in range(_P)]

        @pl.loop(0, nsl)
        def _rot(j):
            sl = pl.ds(j * _LANES, _LANES)
            vals = [bufs[_NBUF - 1][dgts[i], sl] for i in range(_P)]
            for i in range(_P):
                rot[i, sl] = vals[i]

        def do_chunk(cc, k):
            rr = [(cc * _C + i) % _P for i in range(_P)]
            in_desc(cc, k).wait()

            @pl.loop(0, nsl, unroll=1)
            def _j(j):
                sl = pl.ds(j * _LANES, _LANES)
                vals = [rot[rr[i], sl] for i in range(_P)]
                for r in range(_C):
                    plsc.addupdate(bufs[k].at[r, sl], vals[r % _P])

            out_desc(cc, k).start()

        @pl.loop(0, ngroup)
        def _g(g):
            cc0 = g * _NBUF
            for k in range(_NBUF):
                cc = cc0 + k
                do_chunk(cc, k)
                nk = (k + _NBUF - 1) % _NBUF

                def _prefetch(cc=cc, nk=nk):
                    out_desc(cc - 1, nk).wait()

                if k == 0:
                    pl.when(g >= 1)(_prefetch)
                else:
                    _prefetch()
                in_desc(cc + _NBUF - 1, nk).start()

        do_chunk(nchunk - 2, (nchunk - 2) % _NBUF)
        do_chunk(nchunk - 1, (nchunk - 1) % _NBUF)
        for cc in range(nchunk - _NBUF, nchunk):
            out_desc(cc, cc % _NBUF).wait()

    emb_p = jnp.pad(embedding, ((0, _PPAD - _P), (0, 0)))
    out = run(x.reshape(rows, d), emb_p)
    return out.reshape(batch, seq, d)

# --- scband reference (transcript-rebuilt; emitter-appended) ---
"""Pipeline reference for scband-digit-encoding-5480378270073 (READ-ONLY COPY).

The authoritative reference and input builder live on the scoring server;
editing this copy changes nothing except your own understanding.
"""

import jax, jax.numpy as jnp
import numpy as np

BATCH = 4
SEQ_LEN = 4096
D_MODEL = 2048
PRECISION = 10


def setup_inputs(seed: int = 0) -> dict:
    key = jax.random.key(seed)
    k_x, k_w = jax.random.split(key)
    x = jax.random.normal(k_x, (BATCH, SEQ_LEN, D_MODEL), dtype=jnp.float32)
    # glorot_uniform init for embedding table of shape (precision, d_feature)
    fan_in, fan_out = PRECISION, D_MODEL
    limit = jnp.sqrt(6.0 / (fan_in + fan_out))
    embedding = jax.random.uniform(k_w, (PRECISION, D_MODEL), dtype=jnp.float32, minval=-limit, maxval=limit)
    return {"x": x, "embedding": embedding}


def reference(x, embedding):
    # DigitEncoding forward, deterministic=True (dropout_rate=0.0), decode=False
    precision = embedding.shape[0]
    weights = embedding.astype(jnp.float32)
    token_ids = jnp.arange(x.shape[1])
    digit_ids = jnp.mod(token_ids, precision)
    emb = jnp.take(weights, digit_ids, axis=0)  # gather: [seq_len, d_feature]
    emb = emb[None, :, :]
    return x + emb.astype(x.dtype)

if __name__ == "__main__":
    import jax
    _d = setup_inputs()
    print(jax.jit(kernel)(*tuple(_d.values())))

</pallas_src>

<mosaic_0001>
#map = affine_map<(d0, d1) -> (0, 0)>
module attributes {stable_mosaic.version = 14 : i64} {
  func.func @run(%arg0: i32, %arg1: i32, %arg2: memref<16384x2048xf32, #tpu.memory_space<hbm>>, %arg3: memref<16x2048xf32, #tpu.memory_space<hbm>>, %arg4: memref<16384x2048xf32, #tpu.memory_space<hbm>>, %arg5: memref<10x2048xf32, #tpu.memory_space<vmem>>, %arg6: memref<16x2048xf32, #tpu.memory_space<vmem>>, %arg7: memref<16x2048xf32, #tpu.memory_space<vmem>>, %arg8: memref<16x2048xf32, #tpu.memory_space<vmem>>, %arg9: memref<!tpu.dma_semaphore, #tpu.memory_space<semaphore_mem>>, %arg10: memref<!tpu.dma_semaphore, #tpu.memory_space<semaphore_mem>>, %arg11: memref<!tpu.dma_semaphore, #tpu.memory_space<semaphore_mem>>, %arg12: memref<!tpu.dma_semaphore, #tpu.memory_space<semaphore_mem>>, %arg13: memref<!tpu.dma_semaphore, #tpu.memory_space<semaphore_mem>>, %arg14: memref<!tpu.dma_semaphore, #tpu.memory_space<semaphore_mem>>) attributes {dimension_semantics = [#tpu.dimension_semantics<core_parallel>, #tpu.dimension_semantics<subcore_parallel>], iteration_bounds = array<i64: 2, 16>, scalar_prefetch = 0 : i64, scratch_operands = 10 : i64, tpu.core_type = #tpu.core_type<sc_vector_subcore>, window_params = [{transform_indices = #map}, {transform_indices = #map}, {transform_indices = #map}]} {
    %mul3A = arith.constant 2 : i32
    %mul3A_0 = arith.muli %arg1, %mul3A : i32
    %add3A = arith.addi %mul3A_0, %arg0 : i32
    %mul3A_1 = arith.constant 512 : i32
    %mul3A_2 = arith.muli %add3A, %mul3A_1 : i32
    %rem3A = arith.constant 4096 : i32
    %rem3A_3 = arith.remsi %mul3A_2, %rem3A : i32
    %add3A_4 = arith.constant 0 : i32
    %add3A_5 = arith.addi %mul3A_2, %add3A_4 : i32
    %dma_start3A = arith.constant 0 : i32
    %dma_start3A_6 = tpu.memref_slice %arg2[%add3A_5, %dma_start3A] : memref<16384x2048xf32, #tpu.memory_space<hbm>> -> memref<16x2048xf32, #tpu.memory_space<hbm>>
    %dma_start3A_7 = arith.constant 0 : i32
    %dma_start3A_8 = tpu.memref_slice %arg2[%add3A_5, %dma_start3A_7] : memref<16384x2048xf32, #tpu.memory_space<hbm>> -> memref<16x2048xf32, #tpu.memory_space<hbm>>
    tpu.enqueue_dma source(%dma_start3A_8 : memref<16x2048xf32, #tpu.memory_space<hbm>>) target(%arg6 : memref<16x2048xf32, #tpu.memory_space<vmem>>) target_semaphore(%arg9 : memref<!tpu.dma_semaphore, #tpu.memory_space<semaphore_mem>>)
    %add3A_9 = arith.constant 16 : i32
    %add3A_10 = arith.addi %mul3A_2, %add3A_9 : i32
    %dma_start3A_11 = arith.constant 0 : i32
    %dma_start3A_12 = tpu.memref_slice %arg2[%add3A_10, %dma_start3A_11] : memref<16384x2048xf32, #tpu.memory_space<hbm>> -> memref<16x2048xf32, #tpu.memory_space<hbm>>
    %dma_start3A_13 = arith.constant 0 : i32
    %dma_start3A_14 = tpu.memref_slice %arg2[%add3A_10, %dma_start3A_13] : memref<16384x2048xf32, #tpu.memory_space<hbm>> -> memref<16x2048xf32, #tpu.memory_space<hbm>>
    tpu.enqueue_dma source(%dma_start3A_14 : memref<16x2048xf32, #tpu.memory_space<hbm>>) target(%arg7 : memref<16x2048xf32, #tpu.memory_space<vmem>>) target_semaphore(%arg10 : memref<!tpu.dma_semaphore, #tpu.memory_space<semaphore_mem>>)
    "tpu.region"() ({
      %run_scoped3A = tpu.sem_alloc : memref<!tpu.dma_semaphore, #tpu.memory_space<semaphore_mem>>
      tpu.enqueue_dma source(%arg3 : memref<16x2048xf32, #tpu.memory_space<hbm>>) target(%arg8 : memref<16x2048xf32, #tpu.memory_space<vmem>>) target_semaphore(%run_scoped3A : memref<!tpu.dma_semaphore, #tpu.memory_space<semaphore_mem>>)
      tpu.wait_dma2 semaphore(%run_scoped3A : memref<!tpu.dma_semaphore, #tpu.memory_space<semaphore_mem>>) src(%arg3 : memref<16x2048xf32, #tpu.memory_space<hbm>>) dst(%arg8 : memref<16x2048xf32, #tpu.memory_space<vmem>>)
      tpu.yield
    }) : () -> ()
    %add3A_15 = arith.constant 0 : i32
    %add3A_16 = arith.addi %rem3A_3, %add3A_15 : i32
    %rem3A_17 = arith.constant 10 : i32
    %rem3A_18 = arith.remsi %add3A_16, %rem3A_17 : i32
    %add3A_19 = arith.constant 1 : i32
    %add3A_20 = arith.addi %rem3A_3, %add3A_19 : i32
    %rem3A_21 = arith.constant 10 : i32
    %rem3A_22 = arith.remsi %add3A_20, %rem3A_21 : i32
    %add3A_23 = arith.constant 2 : i32
    %add3A_24 = arith.addi %rem3A_3, %add3A_23 : i32
    %rem3A_25 = arith.constant 10 : i32
    %rem3A_26 = arith.remsi %add3A_24, %rem3A_25 : i32
    %add3A_27 = arith.constant 3 : i32
    %add3A_28 = arith.addi %rem3A_3, %add3A_27 : i32
    %rem3A_29 = arith.constant 10 : i32
    %rem3A_30 = arith.remsi %add3A_28, %rem3A_29 : i32
    %add3A_31 = arith.constant 4 : i32
    %add3A_32 = arith.addi %rem3A_3, %add3A_31 : i32
    %rem3A_33 = arith.constant 10 : i32
    %rem3A_34 = arith.remsi %add3A_32, %rem3A_33 : i32
    %add3A_35 = arith.constant 5 : i32
    %add3A_36 = arith.addi %rem3A_3, %add3A_35 : i32
    %rem3A_37 = arith.constant 10 : i32
    %rem3A_38 = arith.remsi %add3A_36, %rem3A_37 : i32
    %add3A_39 = arith.constant 6 : i32
    %add3A_40 = arith.addi %rem3A_3, %add3A_39 : i32
    %rem3A_41 = arith.constant 10 : i32
    %rem3A_42 = arith.remsi %add3A_40, %rem3A_41 : i32
    %add3A_43 = arith.constant 7 : i32
    %add3A_44 = arith.addi %rem3A_3, %add3A_43 : i32
    %rem3A_45 = arith.constant 10 : i32
    %rem3A_46 = arith.remsi %add3A_44, %rem3A_45 : i32
    %add3A_47 = arith.constant 8 : i32
    %add3A_48 = arith.addi %rem3A_3, %add3A_47 : i32
    %rem3A_49 = arith.constant 10 : i32
    %rem3A_50 = arith.remsi %add3A_48, %rem3A_49 : i32
    %add3A_51 = arith.constant 9 : i32
    %add3A_52 = arith.addi %rem3A_3, %add3A_51 : i32
    %rem3A_53 = arith.constant 10 : i32
    %rem3A_54 = arith.remsi %add3A_52, %rem3A_53 : i32
    %scan3A = arith.constant 0 : i32
    %scan3A_55 = arith.constant 128 : i32
    %scan3A_56 = arith.addi %scan3A, %scan3A_55 : i32
    %scan3A_57 = arith.constant 1 : i32
    scf.for %scan3A_115 = %scan3A to %scan3A_56 step %scan3A_57  : i32 {
      %mul3A_116 = arith.constant 1 : i32
      %mul3A_117 = arith.muli %scan3A_115, %mul3A_116 : i32
      %add3A_118 = arith.constant 0 : i32
      %add3A_119 = arith.addi %add3A_118, %mul3A_117 : i32
      %mul3A_120 = arith.constant 16 : i32
      %mul3A_121 = arith.muli %add3A_119, %mul3A_120 : i32
      %get3A = arith.index_cast %rem3A_18 : i32 to index
      %get3A_122 = arith.index_cast %mul3A_121 : i32 to index
      %get3A_123 = tpu.vector_load %arg8[%get3A, %get3A_122] {strides = array<i32>} : memref<16x2048xf32, #tpu.memory_space<vmem>>, vector<1x16xf32>,
      %get3A_124 = vector.shape_cast %get3A_123 : vector<1x16xf32> to vector<16xf32>
      %get3A_125 = arith.index_cast %rem3A_22 : i32 to index
      %get3A_126 = arith.index_cast %mul3A_121 : i32 to index
      %get3A_127 = tpu.vector_load %arg8[%get3A_125, %get3A_126] {strides = array<i32>} : memref<16x2048xf32, #tpu.memory_space<vmem>>, vector<1x16xf32>,
      %get3A_128 = vector.shape_cast %get3A_127 : vector<1x16xf32> to vector<16xf32>
      %get3A_129 = arith.index_cast %rem3A_26 : i32 to index
      %get3A_130 = arith.index_cast %mul3A_121 : i32 to index
      %get3A_131 = tpu.vector_load %arg8[%get3A_129, %get3A_130] {strides = array<i32>} : memref<16x2048xf32, #tpu.memory_space<vmem>>, vector<1x16xf32>,
      %get3A_132 = vector.shape_cast %get3A_131 : vector<1x16xf32> to vector<16xf32>
      %get3A_133 = arith.index_cast %rem3A_30 : i32 to index
      %get3A_134 = arith.index_cast %mul3A_121 : i32 to index
      %get3A_135 = tpu.vector_load %arg8[%get3A_133, %get3A_134] {strides = array<i32>} : memref<16x2048xf32, #tpu.memory_space<vmem>>, vector<1x16xf32>,
      %get3A_136 = vector.shape_cast %get3A_135 : vector<1x16xf32> to vector<16xf32>
      %get3A_137 = arith.index_cast %rem3A_34 : i32 to index
      %get3A_138 = arith.index_cast %mul3A_121 : i32 to index
      %get3A_139 = tpu.vector_load %arg8[%get3A_137, %get3A_138] {strides = array<i32>} : memref<16x2048xf32, #tpu.memory_space<vmem>>, vector<1x16xf32>,
      %get3A_140 = vector.shape_cast %get3A_139 : vector<1x16xf32> to vector<16xf32>
      %get3A_141 = arith.index_cast %rem3A_38 : i32 to index
      %get3A_142 = arith.index_cast %mul3A_121 : i32 to index
      %get3A_143 = tpu.vector_load %arg8[%get3A_141, %get3A_142] {strides = array<i32>} : memref<16x2048xf32, #tpu.memory_space<vmem>>, vector<1x16xf32>,
      %get3A_144 = vector.shape_cast %get3A_143 : vector<1x16xf32> to vector<16xf32>
      %get3A_145 = arith.index_cast %rem3A_42 : i32 to index
      %get3A_146 = arith.index_cast %mul3A_121 : i32 to index
      %get3A_147 = tpu.vector_load %arg8[%get3A_145, %get3A_146] {strides = array<i32>} : memref<16x2048xf32, #tpu.memory_space<vmem>>, vector<1x16xf32>,
      %get3A_148 = vector.shape_cast %get3A_147 : vector<1x16xf32> to vector<16xf32>
      %get3A_149 = arith.index_cast %rem3A_46 : i32 to index
      %get3A_150 = arith.index_cast %mul3A_121 : i32 to index
      %get3A_151 = tpu.vector_load %arg8[%get3A_149, %get3A_150] {strides = array<i32>} : memref<16x2048xf32, #tpu.memory_space<vmem>>, vector<1x16xf32>,
      %get3A_152 = vector.shape_cast %get3A_151 : vector<1x16xf32> to vector<16xf32>
      %get3A_153 = arith.index_cast %rem3A_50 : i32 to index
      %get3A_154 = arith.index_cast %mul3A_121 : i32 to index
      %get3A_155 = tpu.vector_load %arg8[%get3A_153, %get3A_154] {strides = array<i32>} : memref<16x2048xf32, #tpu.memory_space<vmem>>, vector<1x16xf32>,
      %get3A_156 = vector.shape_cast %get3A_155 : vector<1x16xf32> to vector<16xf32>
      %get3A_157 = arith.index_cast %rem3A_54 : i32 to index
      %get3A_158 = arith.index_cast %mul3A_121 : i32 to index
      %get3A_159 = tpu.vector_load %arg8[%get3A_157, %get3A_158] {strides = array<i32>} : memref<16x2048xf32, #tpu.memory_space<vmem>>, vector<1x16xf32>,
      %get3A_160 = vector.shape_cast %get3A_159 : vector<1x16xf32> to vector<16xf32>
      %swap3A = arith.constant 0 : i32
      %swap3A_161 = arith.index_cast %swap3A : i32 to index
      %swap3A_162 = arith.index_cast %mul3A_121 : i32 to index
      %swap3A_163 = tpu.vector_load %arg5[%swap3A_161, %swap3A_162] {strides = array<i32>} : memref<10x2048xf32, #tpu.memory_space<vmem>>, vector<1x16xf32>,
      %swap3A_164 = vector.shape_cast %swap3A_163 : vector<1x16xf32> to vector<16xf32>
      %swap3A_165 = vector.shape_cast %get3A_124 : vector<16xf32> to vector<1x16xf32>
      tpu.vector_store %arg5[%swap3A_161, %swap3A_162], %swap3A_165 {strides = array<i32>} : memref<10x2048xf32, #tpu.memory_space<vmem>>, vector<1x16xf32>,
      %swap3A_166 = arith.constant 1 : i32
      %swap3A_167 = arith.index_cast %swap3A_166 : i32 to index
      %swap3A_168 = arith.index_cast %mul3A_121 : i32 to index
      %swap3A_169 = tpu.vector_load %arg5[%swap3A_167, %swap3A_168] {strides = array<i32>} : memref<10x2048xf32, #tpu.memory_space<vmem>>, vector<1x16xf32>,
      %swap3A_170 = vector.shape_cast %swap3A_169 : vector<1x16xf32> to vector<16xf32>
      %swap3A_171 = vector.shape_cast %get3A_128 : vector<16xf32> to vector<1x16xf32>
      tpu.vector_store %arg5[%swap3A_167, %swap3A_168], %swap3A_171 {strides = array<i32>} : memref<10x2048xf32, #tpu.memory_space<vmem>>, vector<1x16xf32>,
      %swap3A_172 = arith.constant 2 : i32
      %swap3A_173 = arith.index_cast %swap3A_172 : i32 to index
      %swap3A_174 = arith.index_cast %mul3A_121 : i32 to index
      %swap3A_175 = tpu.vector_load %arg5[%swap3A_173, %swap3A_174] {strides = array<i32>} : memref<10x2048xf32, #tpu.memory_space<vmem>>, vector<1x16xf32>,
      %swap3A_176 = vector.shape_cast %swap3A_175 : vector<1x16xf32> to vector<16xf32>
      %swap3A_177 = vector.shape_cast %get3A_132 : vector<16xf32> to vector<1x16xf32>
      tpu.vector_store %arg5[%swap3A_173, %swap3A_174], %swap3A_177 {strides = array<i32>} : memref<10x2048xf32, #tpu.memory_space<vmem>>, vector<1x16xf32>,
      %swap3A_178 = arith.constant 3 : i32
      %swap3A_179 = arith.index_cast %swap3A_178 : i32 to index
      %swap3A_180 = arith.index_cast %mul3A_121 : i32 to index
      %swap3A_181 = tpu.vector_load %arg5[%swap3A_179, %swap3A_180] {strides = array<i32>} : memref<10x2048xf32, #tpu.memory_space<vmem>>, vector<1x16xf32>,
      %swap3A_182 = vector.shape_cast %swap3A_181 : vector<1x16xf32> to vector<16xf32>
      %swap3A_183 = vector.shape_cast %get3A_136 : vector<16xf32> to vector<1x16xf32>
      tpu.vector_store %arg5[%swap3A_179, %swap3A_180], %swap3A_183 {strides = array<i32>} : memref<10x2048xf32, #tpu.memory_space<vmem>>, vector<1x16xf32>,
      %swap3A_184 = arith.constant 4 : i32
      %swap3A_185 = arith.index_cast %swap3A_184 : i32 to index
      %swap3A_186 = arith.index_cast %mul3A_121 : i32 to index
      %swap3A_187 = tpu.vector_load %arg5[%swap3A_185, %swap3A_186] {strides = array<i32>} : memref<10x2048xf32, #tpu.memory_space<vmem>>, vector<1x16xf32>,
      %swap3A_188 = vector.shape_cast %swap3A_187 : vector<1x16xf32> to vector<16xf32>
      %swap3A_189 = vector.shape_cast %get3A_140 : vector<16xf32> to vector<1x16xf32>
      tpu.vector_store %arg5[%swap3A_185, %swap3A_186], %swap3A_189 {strides = array<i32>} : memref<10x2048xf32, #tpu.memory_space<vmem>>, vector<1x16xf32>,
      %swap3A_190 = arith.constant 5 : i32
      %swap3A_191 = arith.index_cast %swap3A_190 : i32 to index
      %swap3A_192 = arith.index_cast %mul3A_121 : i32 to index
      %swap3A_193 = tpu.vector_load %arg5[%swap3A_191, %swap3A_192] {strides = array<i32>} : memref<10x2048xf32, #tpu.memory_space<vmem>>, vector<1x16xf32>,
      %swap3A_194 = vector.shape_cast %swap3A_193 : vector<1x16xf32> to vector<16xf32>
      %swap3A_195 = vector.shape_cast %get3A_144 : vector<16xf32> to vector<1x16xf32>
      tpu.vector_store %arg5[%swap3A_191, %swap3A_192], %swap3A_195 {strides = array<i32>} : memref<10x2048xf32, #tpu.memory_space<vmem>>, vector<1x16xf32>,
      %swap3A_196 = arith.constant 6 : i32
      %swap3A_197 = arith.index_cast %swap3A_196 : i32 to index
      %swap3A_198 = arith.index_cast %mul3A_121 : i32 to index
      %swap3A_199 = tpu.vector_load %arg5[%swap3A_197, %swap3A_198] {strides = array<i32>} : memref<10x2048xf32, #tpu.memory_space<vmem>>, vector<1x16xf32>,
      %swap3A_200 = vector.shape_cast %swap3A_199 : vector<1x16xf32> to vector<16xf32>
      %swap3A_201 = vector.shape_cast %get3A_148 : vector<16xf32> to vector<1x16xf32>
      tpu.vector_store %arg5[%swap3A_197, %swap3A_198], %swap3A_201 {strides = array<i32>} : memref<10x2048xf32, #tpu.memory_space<vmem>>, vector<1x16xf32>,
      %swap3A_202 = arith.constant 7 : i32
      %swap3A_203 = arith.index_cast %swap3A_202 : i32 to index
      %swap3A_204 = arith.index_cast %mul3A_121 : i32 to index
      %swap3A_205 = tpu.vector_load %arg5[%swap3A_203, %swap3A_204] {strides = array<i32>} : memref<10x2048xf32, #tpu.memory_space<vmem>>, vector<1x16xf32>,
      %swap3A_206 = vector.shape_cast %swap3A_205 : vector<1x16xf32> to vector<16xf32>
      %swap3A_207 = vector.shape_cast %get3A_152 : vector<16xf32> to vector<1x16xf32>
      tpu.vector_store %arg5[%swap3A_203, %swap3A_204], %swap3A_207 {strides = array<i32>} : memref<10x2048xf32, #tpu.memory_space<vmem>>, vector<1x16xf32>,
      %swap3A_208 = arith.constant 8 : i32
      %swap3A_209 = arith.index_cast %swap3A_208 : i32 to index
      %swap3A_210 = arith.index_cast %mul3A_121 : i32 to index
      %swap3A_211 = tpu.vector_load %arg5[%swap3A_209, %swap3A_210] {strides = array<i32>} : memref<10x2048xf32, #tpu.memory_space<vmem>>, vector<1x16xf32>,
      %swap3A_212 = vector.shape_cast %swap3A_211 : vector<1x16xf32> to vector<16xf32>
      %swap3A_213 = vector.shape_cast %get3A_156 : vector<16xf32> to vector<1x16xf32>
      tpu.vector_store %arg5[%swap3A_209, %swap3A_210], %swap3A_213 {strides = array<i32>} : memref<10x2048xf32, #tpu.memory_space<vmem>>, vector<1x16xf32>,
      %swap3A_214 = arith.constant 9 : i32
      %swap3A_215 = arith.index_cast %swap3A_214 : i32 to index
      %swap3A_216 = arith.index_cast %mul3A_121 : i32 to index
      %swap3A_217 = tpu.vector_load %arg5[%swap3A_215, %swap3A_216] {strides = array<i32>} : memref<10x2048xf32, #tpu.memory_space<vmem>>, vector<1x16xf32>,
      %swap3A_218 = vector.shape_cast %swap3A_217 : vector<1x16xf32> to vector<16xf32>
      %swap3A_219 = vector.shape_cast %get3A_160 : vector<16xf32> to vector<1x16xf32>
      tpu.vector_store %arg5[%swap3A_215, %swap3A_216], %swap3A_219 {strides = array<i32>} : memref<10x2048xf32, #tpu.memory_space<vmem>>, vector<1x16xf32>,
    }
    %scan3A_58 = arith.constant 128 : i32
    %scan3A_59 = arith.constant 0 : i32
    %scan3A_60 = arith.constant 10 : i32
    %scan3A_61 = arith.addi %scan3A_59, %scan3A_60 : i32
    %scan3A_62 = arith.constant 1 : i32
    scf.for %scan3A_115 = %scan3A_59 to %scan3A_61 step %scan3A_62  : i32 {
      %mul3A_116 = arith.constant 1 : i32
      %mul3A_117 = arith.muli %scan3A_115, %mul3A_116 : i32
      %add3A_118 = arith.constant 0 : i32
      %add3A_119 = arith.addi %add3A_118, %mul3A_117 : i32
      %mul3A_120 = arith.constant 3 : i32
      %mul3A_121 = arith.muli %add3A_119, %mul3A_120 : i32
      %add3A_122 = arith.constant 0 : i32
      %add3A_123 = arith.addi %mul3A_121, %add3A_122 : i32
      %mul3A_124 = arith.constant 16 : i32
      %mul3A_125 = arith.muli %add3A_123, %mul3A_124 : i32
      %add3A_126 = arith.constant 0 : i32
      %add3A_127 = arith.addi %mul3A_125, %add3A_126 : i32
      %jit3A = arith.constant 10 : i32
      %eq3A = arith.constant 0 : i32
      %eq3A_128 = arith.cmpi eq, %jit3A, %eq3A : i32
      %jit3A_129 = arith.constant 1 : i32
      %select_n3A = arith.select %eq3A_128, %jit3A_129, %jit3A : i32
      %rem3A_130 = arith.remsi %add3A_127, %select_n3A : i32
      %ne3A = arith.constant 0 : i32
      %ne3A_131 = arith.cmpi ne, %rem3A_130, %ne3A : i32
      %lt3A = arith.constant 0 : i32
      %lt3A_132 = arith.cmpi slt, %rem3A_130, %lt3A : i32
      %lt3A_133 = arith.constant 0 : i32
      %lt3A_134 = arith.cmpi slt, %select_n3A, %lt3A_133 : i32
      %ne3A_135 = arith.xori %lt3A_132, %lt3A_134 : i1
      %and3A = arith.andi %ne3A_135, %ne3A_131 : i1
      %add3A_136 = arith.addi %rem3A_130, %select_n3A : i32
      %select_n3A_137 = arith.select %and3A, %add3A_136, %rem3A_130 : i32
      %mul3A_138 = arith.constant 16 : i32
      %mul3A_139 = arith.muli %add3A_123, %mul3A_138 : i32
      %add3A_140 = arith.constant 1 : i32
      %add3A_141 = arith.addi %mul3A_139, %add3A_140 : i32
      %jit3A_142 = arith.constant 10 : i32
      %eq3A_143 = arith.constant 0 : i32
      %eq3A_144 = arith.cmpi eq, %jit3A_142, %eq3A_143 : i32
      %jit3A_145 = arith.constant 1 : i32
      %select_n3A_146 = arith.select %eq3A_144, %jit3A_145, %jit3A_142 : i32
      %rem3A_147 = arith.remsi %add3A_141, %select_n3A_146 : i32
      %ne3A_148 = arith.constant 0 : i32
      %ne3A_149 = arith.cmpi ne, %rem3A_147, %ne3A_148 : i32
      %lt3A_150 = arith.constant 0 : i32
      %lt3A_151 = arith.cmpi slt, %rem3A_147, %lt3A_150 : i32
      %lt3A_152 = arith.constant 0 : i32
      %lt3A_153 = arith.cmpi slt, %select_n3A_146, %lt3A_152 : i32
      %ne3A_154 = arith.xori %lt3A_151, %lt3A_153 : i1
      %and3A_155 = arith.andi %ne3A_154, %ne3A_149 : i1
      %add3A_156 = arith.addi %rem3A_147, %select_n3A_146 : i32
      %select_n3A_157 = arith.select %and3A_155, %add3A_156, %rem3A_147 : i32
      %mul3A_158 = arith.constant 16 : i32
      %mul3A_159 = arith.muli %add3A_123, %mul3A_158 : i32
      %add3A_160 = arith.constant 2 : i32
      %add3A_161 = arith.addi %mul3A_159, %add3A_160 : i32
      %jit3A_162 = arith.constant 10 : i32
      %eq3A_163 = arith.constant 0 : i32
      %eq3A_164 = arith.cmpi eq, %jit3A_162, %eq3A_163 : i32
      %jit3A_165 = arith.constant 1 : i32
      %select_n3A_166 = arith.select %eq3A_164, %jit3A_165, %jit3A_162 : i32
      %rem3A_167 = arith.remsi %add3A_161, %select_n3A_166 : i32
      %ne3A_168 = arith.constant 0 : i32
      %ne3A_169 = arith.cmpi ne, %rem3A_167, %ne3A_168 : i32
      %lt3A_170 = arith.constant 0 : i32
      %lt3A_171 = arith.cmpi slt, %rem3A_167, %lt3A_170 : i32
      %lt3A_172 = arith.constant 0 : i32
      %lt3A_173 = arith.cmpi slt, %select_n3A_166, %lt3A_172 : i32
      %ne3A_174 = arith.xori %lt3A_171, %lt3A_173 : i1
      %and3A_175 = arith.andi %ne3A_174, %ne3A_169 : i1
      %add3A_176 = arith.addi %rem3A_167, %select_n3A_166 : i32
      %select_n3A_177 = arith.select %and3A_175, %add3A_176, %rem3A_167 : i32
      %mul3A_178 = arith.constant 16 : i32
      %mul3A_179 = arith.muli %add3A_123, %mul3A_178 : i32
      %add3A_180 = arith.constant 3 : i32
      %add3A_181 = arith.addi %mul3A_179, %add3A_180 : i32
      %jit3A_182 = arith.constant 10 : i32
      %eq3A_183 = arith.constant 0 : i32
      %eq3A_184 = arith.cmpi eq, %jit3A_182, %eq3A_183 : i32
      %jit3A_185 = arith.constant 1 : i32
      %select_n3A_186 = arith.select %eq3A_184, %jit3A_185, %jit3A_182 : i32
      %rem3A_187 = arith.remsi %add3A_181, %select_n3A_186 : i32
      %ne3A_188 = arith.constant 0 : i32
      %ne3A_189 = arith.cmpi ne, %rem3A_187, %ne3A_188 : i32
      %lt3A_190 = arith.constant 0 : i32
      %lt3A_191 = arith.cmpi slt, %rem3A_187, %lt3A_190 : i32
      %lt3A_192 = arith.constant 0 : i32
      %lt3A_193 = arith.cmpi slt, %select_n3A_186, %lt3A_192 : i32
      %ne3A_194 = arith.xori %lt3A_191, %lt3A_193 : i1
      %and3A_195 = arith.andi %ne3A_194, %ne3A_189 : i1
      %add3A_196 = arith.addi %rem3A_187, %select_n3A_186 : i32
      %select_n3A_197 = arith.select %and3A_195, %add3A_196, %rem3A_187 : i32
      %mul3A_198 = arith.constant 16 : i32
      %mul3A_199 = arith.muli %add3A_123, %mul3A_198 : i32
      %add3A_200 = arith.constant 4 : i32
      %add3A_201 = arith.addi %mul3A_199, %add3A_200 : i32
      %jit3A_202 = arith.constant 10 : i32
      %eq3A_203 = arith.constant 0 : i32
      %eq3A_204 = arith.cmpi eq, %jit3A_202, %eq3A_203 : i32
      %jit3A_205 = arith.constant 1 : i32
      %select_n3A_206 = arith.select %eq3A_204, %jit3A_205, %jit3A_202 : i32
      %rem3A_207 = arith.remsi %add3A_201, %select_n3A_206 : i32
      %ne3A_208 = arith.constant 0 : i32
      %ne3A_209 = arith.cmpi ne, %rem3A_207, %ne3A_208 : i32
      %lt3A_210 = arith.constant 0 : i32
      %lt3A_211 = arith.cmpi slt, %rem3A_207, %lt3A_210 : i32
      %lt3A_212 = arith.constant 0 : i32
      %lt3A_213 = arith.cmpi slt, %select_n3A_206, %lt3A_212 : i32
      %ne3A_214 = arith.xori %lt3A_211, %lt3A_213 : i1
      %and3A_215 = arith.andi %ne3A_214, %ne3A_209 : i1
      %add3A_216 = arith.addi %rem3A_207, %select_n3A_206 : i32
      %select_n3A_217 = arith.select %and3A_215, %add3A_216, %rem3A_207 : i32
      %mul3A_218 = arith.constant 16 : i32
      %mul3A_219 = arith.muli %add3A_123, %mul3A_218 : i32
      %add3A_220 = arith.constant 5 : i32
      %add3A_221 = arith.addi %mul3A_219, %add3A_220 : i32
      %jit3A_222 = arith.constant 10 : i32
      %eq3A_223 = arith.constant 0 : i32
      %eq3A_224 = arith.cmpi eq, %jit3A_222, %eq3A_223 : i32
      %jit3A_225 = arith.constant 1 : i32
      %select_n3A_226 = arith.select %eq3A_224, %jit3A_225, %jit3A_222 : i32
      %rem3A_227 = arith.remsi %add3A_221, %select_n3A_226 : i32
      %ne3A_228 = arith.constant 0 : i32
      %ne3A_229 = arith.cmpi ne, %rem3A_227, %ne3A_228 : i32
      %lt3A_230 = arith.constant 0 : i32
      %lt3A_231 = arith.cmpi slt, %rem3A_227, %lt3A_230 : i32
      %lt3A_232 = arith.constant 0 : i32
      %lt3A_233 = arith.cmpi slt, %select_n3A_226, %lt3A_232 : i32
      %ne3A_234 = arith.xori %lt3A_231, %lt3A_233 : i1
      %and3A_235 = arith.andi %ne3A_234, %ne3A_229 : i1
      %add3A_236 = arith.addi %rem3A_227, %select_n3A_226 : i32
      %select_n3A_237 = arith.select %and3A_235, %add3A_236, %rem3A_227 : i32
      %mul3A_238 = arith.constant 16 : i32
      %mul3A_239 = arith.muli %add3A_123, %mul3A_238 : i32
      %add3A_240 = arith.constant 6 : i32
      %add3A_241 = arith.addi %mul3A_239, %add3A_240 : i32
      %jit3A_242 = arith.constant 10 : i32
      %eq3A_243 = arith.constant 0 : i32
      %eq3A_244 = arith.cmpi eq, %jit3A_242, %eq3A_243 : i32
      %jit3A_245 = arith.constant 1 : i32
      %select_n3A_246 = arith.select %eq3A_244, %jit3A_245, %jit3A_242 : i32
      %rem3A_247 = arith.remsi %add3A_241, %select_n3A_246 : i32
      %ne3A_248 = arith.constant 0 : i32
      %ne3A_249 = arith.cmpi ne, %rem3A_247, %ne3A_248 : i32
      %lt3A_250 = arith.constant 0 : i32
      %lt3A_251 = arith.cmpi slt, %rem3A_247, %lt3A_250 : i32
      %lt3A_252 = arith.constant 0 : i32
      %lt3A_253 = arith.cmpi slt, %select_n3A_246, %lt3A_252 : i32
      %ne3A_254 = arith.xori %lt3A_251, %lt3A_253 : i1
      %and3A_255 = arith.andi %ne3A_254, %ne3A_249 : i1
      %add3A_256 = arith.addi %rem3A_247, %select_n3A_246 : i32
      %select_n3A_257 = arith.select %and3A_255, %add3A_256, %rem3A_247 : i32
      %mul3A_258 = arith.constant 16 : i32
      %mul3A_259 = arith.muli %add3A_123, %mul3A_258 : i32
      %add3A_260 = arith.constant 7 : i32
      %add3A_261 = arith.addi %mul3A_259, %add3A_260 : i32
      %jit3A_262 = arith.constant 10 : i32
      %eq3A_263 = arith.constant 0 : i32
      %eq3A_264 = arith.cmpi eq, %jit3A_262, %eq3A_263 : i32
      %jit3A_265 = arith.constant 1 : i32
      %select_n3A_266 = arith.select %eq3A_264, %jit3A_265, %jit3A_262 : i32
      %rem3A_267 = arith.remsi %add3A_261, %select_n3A_266 : i32
      %ne3A_268 = arith.constant 0 : i32
      %ne3A_269 = arith.cmpi ne, %rem3A_267, %ne3A_268 : i32
      %lt3A_270 = arith.constant 0 : i32
      %lt3A_271 = arith.cmpi slt, %rem3A_267, %lt3A_270 : i32
      %lt3A_272 = arith.constant 0 : i32
      %lt3A_273 = arith.cmpi slt, %select_n3A_266, %lt3A_272 : i32
      %ne3A_274 = arith.xori %lt3A_271, %lt3A_273 : i1
      %and3A_275 = arith.andi %ne3A_274, %ne3A_269 : i1
      %add3A_276 = arith.addi %rem3A_267, %select_n3A_266 : i32
      %select_n3A_277 = arith.select %and3A_275, %add3A_276, %rem3A_267 : i32
      %mul3A_278 = arith.constant 16 : i32
      %mul3A_279 = arith.muli %add3A_123, %mul3A_278 : i32
      %add3A_280 = arith.constant 8 : i32
      %add3A_281 = arith.addi %mul3A_279, %add3A_280 : i32
      %jit3A_282 = arith.constant 10 : i32
      %eq3A_283 = arith.constant 0 : i32
      %eq3A_284 = arith.cmpi eq, %jit3A_282, %eq3A_283 : i32
      %jit3A_285 = arith.constant 1 : i32
      %select_n3A_286 = arith.select %eq3A_284, %jit3A_285, %jit3A_282 : i32
      %rem3A_287 = arith.remsi %add3A_281, %select_n3A_286 : i32
      %ne3A_288 = arith.constant 0 : i32
      %ne3A_289 = arith.cmpi ne, %rem3A_287, %ne3A_288 : i32
      %lt3A_290 = arith.constant 0 : i32
      %lt3A_291 = arith.cmpi slt, %rem3A_287, %lt3A_290 : i32
      %lt3A_292 = arith.constant 0 : i32
      %lt3A_293 = arith.cmpi slt, %select_n3A_286, %lt3A_292 : i32
      %ne3A_294 = arith.xori %lt3A_291, %lt3A_293 : i1
      %and3A_295 = arith.andi %ne3A_294, %ne3A_289 : i1
      %add3A_296 = arith.addi %rem3A_287, %select_n3A_286 : i32
      %select_n3A_297 = arith.select %and3A_295, %add3A_296, %rem3A_287 : i32
      %mul3A_298 = arith.constant 16 : i32
      %mul3A_299 = arith.muli %add3A_123, %mul3A_298 : i32
      %add3A_300 = arith.constant 9 : i32
      %add3A_301 = arith.addi %mul3A_299, %add3A_300 : i32
      %jit3A_302 = arith.constant 10 : i32
      %eq3A_303 = arith.constant 0 : i32
      %eq3A_304 = arith.cmpi eq, %jit3A_302, %eq3A_303 : i32
      %jit3A_305 = arith.constant 1 : i32
      %select_n3A_306 = arith.select %eq3A_304, %jit3A_305, %jit3A_302 : i32
      %rem3A_307 = arith.remsi %add3A_301, %select_n3A_306 : i32
      %ne3A_308 = arith.constant 0 : i32
      %ne3A_309 = arith.cmpi ne, %rem3A_307, %ne3A_308 : i32
      %lt3A_310 = arith.constant 0 : i32
      %lt3A_311 = arith.cmpi slt, %rem3A_307, %lt3A_310 : i32
      %lt3A_312 = arith.constant 0 : i32
      %lt3A_313 = arith.cmpi slt, %select_n3A_306, %lt3A_312 : i32
      %ne3A_314 = arith.xori %lt3A_311, %lt3A_313 : i1
      %and3A_315 = arith.andi %ne3A_314, %ne3A_309 : i1
      %add3A_316 = arith.addi %rem3A_307, %select_n3A_306 : i32
      %select_n3A_317 = arith.select %and3A_315, %add3A_316, %rem3A_307 : i32
      %mul3A_318 = arith.constant 16 : i32
      %mul3A_319 = arith.muli %add3A_123, %mul3A_318 : i32
      %add3A_320 = arith.addi %mul3A_2, %mul3A_319 : i32
      %dma_wait3A_321 = arith.constant 0 : i32
      %dma_wait3A_322 = tpu.memref_slice %arg2[%add3A_320, %dma_wait3A_321] : memref<16384x2048xf32, #tpu.memory_space<hbm>> -> memref<16x2048xf32, #tpu.memory_space<hbm>>
      %dma_wait3A_323 = arith.constant 0 : i32
      %dma_wait3A_324 = tpu.memref_slice %arg2[%add3A_320, %dma_wait3A_323] : memref<16384x2048xf32, #tpu.memory_space<hbm>> -> memref<16x2048xf32, #tpu.memory_space<hbm>>
      tpu.wait_dma2 semaphore(%arg9 : memref<!tpu.dma_semaphore, #tpu.memory_space<semaphore_mem>>) src(%dma_wait3A_324 : memref<16x2048xf32, #tpu.memory_space<hbm>>) dst(%arg6 : memref<16x2048xf32, #tpu.memory_space<vmem>>)
      %scan3A_325 = arith.constant 0 : i32
      %scan3A_326 = arith.constant 128 : i32
      %scan3A_327 = arith.addi %scan3A_325, %scan3A_326 : i32
      %scan3A_328 = arith.constant 1 : i32
      scf.for %scan3A_831 = %scan3A_325 to %scan3A_327 step %scan3A_328  : i32 {
        %mul3A_832 = arith.constant 1 : i32
        %mul3A_833 = arith.muli %scan3A_831, %mul3A_832 : i32
        %add3A_834 = arith.constant 0 : i32
        %add3A_835 = arith.addi %add3A_834, %mul3A_833 : i32
        %mul3A_836 = arith.constant 16 : i32
        %mul3A_837 = arith.muli %add3A_835, %mul3A_836 : i32
        %get3A = arith.index_cast %select_n3A_137 : i32 to index
        %get3A_838 = arith.index_cast %mul3A_837 : i32 to index
        %get3A_839 = tpu.vector_load %arg5[%get3A, %get3A_838] {strides = array<i32>} : memref<10x2048xf32, #tpu.memory_space<vmem>>, vector<1x16xf32>,
        %get3A_840 = vector.shape_cast %get3A_839 : vector<1x16xf32> to vector<16xf32>
        %get3A_841 = arith.index_cast %select_n3A_157 : i32 to index
        %get3A_842 = arith.index_cast %mul3A_837 : i32 to index
        %get3A_843 = tpu.vector_load %arg5[%get3A_841, %get3A_842] {strides = array<i32>} : memref<10x2048xf32, #tpu.memory_space<vmem>>, vector<1x16xf32>,
        %get3A_844 = vector.shape_cast %get3A_843 : vector<1x16xf32> to vector<16xf32>
        %get3A_845 = arith.index_cast %select_n3A_177 : i32 to index
        %get3A_846 = arith.index_cast %mul3A_837 : i32 to index
        %get3A_847 = tpu.vector_load %arg5[%get3A_845, %get3A_846] {strides = array<i32>} : memref<10x2048xf32, #tpu.memory_space<vmem>>, vector<1x16xf32>,
        %get3A_848 = vector.shape_cast %get3A_847 : vector<1x16xf32> to vector<16xf32>
        %get3A_849 = arith.index_cast %select_n3A_197 : i32 to index
        %get3A_850 = arith.index_cast %mul3A_837 : i32 to index
        %get3A_851 = tpu.vector_load %arg5[%get3A_849, %get3A_850] {strides = array<i32>} : memref<10x2048xf32, #tpu.memory_space<vmem>>, vector<1x16xf32>,
        %get3A_852 = vector.shape_cast %get3A_851 : vector<1x16xf32> to vector<16xf32>
        %get3A_853 = arith.index_cast %select_n3A_217 : i32 to index
        %get3A_854 = arith.index_cast %mul3A_837 : i32 to index
        %get3A_855 = tpu.vector_load %arg5[%get3A_853, %get3A_854] {strides = array<i32>} : memref<10x2048xf32, #tpu.memory_space<vmem>>, vector<1x16xf32>,
        %get3A_856 = vector.shape_cast %get3A_855 : vector<1x16xf32> to vector<16xf32>
        %get3A_857 = arith.index_cast %select_n3A_237 : i32 to index
        %get3A_858 = arith.index_cast %mul3A_837 : i32 to index
        %get3A_859 = tpu.vector_load %arg5[%get3A_857, %get3A_858] {strides = array<i32>} : memref<10x2048xf32, #tpu.memory_space<vmem>>, vector<1x16xf32>,
        %get3A_860 = vector.shape_cast %get3A_859 : vector<1x16xf32> to vector<16xf32>
        %get3A_861 = arith.index_cast %select_n3A_257 : i32 to index
        %get3A_862 = arith.index_cast %mul3A_837 : i32 to index
        %get3A_863 = tpu.vector_load %arg5[%get3A_861, %get3A_862] {strides = array<i32>} : memref<10x2048xf32, #tpu.memory_space<vmem>>, vector<1x16xf32>,
        %get3A_864 = vector.shape_cast %get3A_863 : vector<1x16xf32> to vector<16xf32>
        %get3A_865 = arith.index_cast %select_n3A_277 : i32 to index
        %get3A_866 = arith.index_cast %mul3A_837 : i32 to index
        %get3A_867 = tpu.vector_load %arg5[%get3A_865, %get3A_866] {strides = array<i32>} : memref<10x2048xf32, #tpu.memory_space<vmem>>, vector<1x16xf32>,
        %get3A_868 = vector.shape_cast %get3A_867 : vector<1x16xf32> to vector<16xf32>
        %get3A_869 = arith.index_cast %select_n3A_297 : i32 to index
        %get3A_870 = arith.index_cast %mul3A_837 : i32 to index
        %get3A_871 = tpu.vector_load %arg5[%get3A_869, %get3A_870] {strides = array<i32>} : memref<10x2048xf32, #tpu.memory_space<vmem>>, vector<1x16xf32>,
        %get3A_872 = vector.shape_cast %get3A_871 : vector<1x16xf32> to vector<16xf32>
        %get3A_873 = arith.index_cast %select_n3A_317 : i32 to index
        %get3A_874 = arith.index_cast %mul3A_837 : i32 to index
        %get3A_875 = tpu.vector_load %arg5[%get3A_873, %get3A_874] {strides = array<i32>} : memref<10x2048xf32, #tpu.memory_space<vmem>>, vector<1x16xf32>,
        %get3A_876 = vector.shape_cast %get3A_875 : vector<1x16xf32> to vector<16xf32>
        %swap3A = arith.constant 0 : i32
        %swap3A_877 = arith.index_cast %swap3A : i32 to index
        %swap3A_878 = arith.index_cast %mul3A_837 : i32 to index
        %swap3A_879 = tpu.vector_load %arg6[%swap3A_877, %swap3A_878] {strides = array<i32>} : memref<16x2048xf32, #tpu.memory_space<vmem>>, vector<1x16xf32>,
        %swap3A_880 = vector.shape_cast %swap3A_879 : vector<1x16xf32> to vector<16xf32>
        %swap3A_881 = vector.shape_cast %get3A_840 : vector<16xf32> to vector<1x16xf32>
        tpu.vector_store %arg6[%swap3A_877, %swap3A_878], %swap3A_881 {add = true, strides = array<i32>} : memref<16x2048xf32, #tpu.memory_space<vmem>>, vector<1x16xf32>,
        %swap3A_882 = arith.constant 1 : i32
        %swap3A_883 = arith.index_cast %swap3A_882 : i32 to index
        %swap3A_884 = arith.index_cast %mul3A_837 : i32 to index
        %swap3A_885 = tpu.vector_load %arg6[%swap3A_883, %swap3A_884] {strides = array<i32>} : memref<16x2048xf32, #tpu.memory_space<vmem>>, vector<1x16xf32>,
        %swap3A_886 = vector.shape_cast %swap3A_885 : vector<1x16xf32> to vector<16xf32>
        %swap3A_887 = vector.shape_cast %get3A_844 : vector<16xf32> to vector<1x16xf32>
        tpu.vector_store %arg6[%swap3A_883, %swap3A_884], %swap3A_887 {add = true, strides = array<i32>} : memref<16x2048xf32, #tpu.memory_space<vmem>>, vector<1x16xf32>,
        %swap3A_888 = arith.constant 2 : i32
        %swap3A_889 = arith.index_cast %swap3A_888 : i32 to index
        %swap3A_890 = arith.index_cast %mul3A_837 : i32 to index
        %swap3A_891 = tpu.vector_load %arg6[%swap3A_889, %swap3A_890] {strides = array<i32>} : memref<16x2048xf32, #tpu.memory_space<vmem>>, vector<1x16xf32>,
        %swap3A_892 = vector.shape_cast %swap3A_891 : vector<1x16xf32> to vector<16xf32>
        %swap3A_893 = vector.shape_cast %get3A_848 : vector<16xf32> to vector<1x16xf32>
        tpu.vector_store %arg6[%swap3A_889, %swap3A_890], %swap3A_893 {add = true, strides = array<i32>} : memref<16x2048xf32, #tpu.memory_space<vmem>>, vector<1x16xf32>,
        %swap3A_894 = arith.constant 3 : i32
        %swap3A_895 = arith.index_cast %swap3A_894 : i32 to index
        %swap3A_896 = arith.index_cast %mul3A_837 : i32 to index
        %swap3A_897 = tpu.vector_load %arg6[%swap3A_895, %swap3A_896] {strides = array<i32>} : memref<16x2048xf32, #tpu.memory_space<vmem>>, vector<1x16xf32>,
        %swap3A_898 = vector.shape_cast %swap3A_897 : vector<1x16xf32> to vector<16xf32>
        %swap3A_899 = vector.shape_cast %get3A_852 : vector<16xf32> to vector<1x16xf32>
        tpu.vector_store %arg6[%swap3A_895, %swap3A_896], %swap3A_899 {add = true, strides = array<i32>} : memref<16x2048xf32, #tpu.memory_space<vmem>>, vector<1x16xf32>,
        %swap3A_900 = arith.constant 4 : i32
        %swap3A_901 = arith.index_cast %swap3A_900 : i32 to index
        %swap3A_902 = arith.index_cast %mul3A_837 : i32 to index
        %swap3A_903 = tpu.vector_load %arg6[%swap3A_901, %swap3A_902] {strides = array<i32>} : memref<16x2048xf32, #tpu.memory_space<vmem>>, vector<1x16xf32>,
        %swap3A_904 = vector.shape_cast %swap3A_903 : vector<1x16xf32> to vector<16xf32>
        %swap3A_905 = vector.shape_cast %get3A_856 : vector<16xf32> to vector<1x16xf32>
        tpu.vector_store %arg6[%swap3A_901, %swap3A_902], %swap3A_905 {add = true, strides = array<i32>} : memref<16x2048xf32, #tpu.memory_space<vmem>>, vector<1x16xf32>,
        %swap3A_906 = arith.constant 5 : i32
        %swap3A_907 = arith.index_cast %swap3A_906 : i32 to index
        %swap3A_908 = arith.index_cast %mul3A_837 : i32 to index
        %swap3A_909 = tpu.vector_load %arg6[%swap3A_907, %swap3A_908] {strides = array<i32>} : memref<16x2048xf32, #tpu.memory_space<vmem>>, vector<1x16xf32>,
        %swap3A_910 = vector.shape_cast %swap3A_909 : vector<1x16xf32> to vector<16xf32>
        %swap3A_911 = vector.shape_cast %get3A_860 : vector<16xf32> to vector<1x16xf32>
        tpu.vector_store %arg6[%swap3A_907, %swap3A_908], %swap3A_911 {add = true, strides = array<i32>} : memref<16x2048xf32, #tpu.memory_space<vmem>>, vector<1x16xf32>,
        %swap3A_912 = arith.constant 6 : i32
        %swap3A_913 = arith.index_cast %swap3A_912 : i32 to index
        %swap3A_914 = arith.index_cast %mul3A_837 : i32 to index
        %swap3A_915 = tpu.vector_load %arg6[%swap3A_913, %swap3A_914] {strides = array<i32>} : memref<16x2048xf32, #tpu.memory_space<vmem>>, vector<1x16xf32>,
        %swap3A_916 = vector.shape_cast %swap3A_915 : vector<1x16xf32> to vector<16xf32>
        %swap3A_917 = vector.shape_cast %get3A_864 : vector<16xf32> to vector<1x16xf32>
        tpu.vector_store %arg6[%swap3A_913, %swap3A_914], %swap3A_917 {add = true, strides = array<i32>} : memref<16x2048xf32, #tpu.memory_space<vmem>>, vector<1x16xf32>,
        %swap3A_918 = arith.constant 7 : i32
        %swap3A_919 = arith.index_cast %swap3A_918 : i32 to index
        %swap3A_920 = arith.index_cast %mul3A_837 : i32 to index
        %swap3A_921 = tpu.vector_load %arg6[%swap3A_919, %swap3A_920] {strides = array<i32>} : memref<16x2048xf32, #tpu.memory_space<vmem>>, vector<1x16xf32>,
        %swap3A_922 = vector.shape_cast %swap3A_921 : vector<1x16xf32> to vector<16xf32>
        %swap3A_923 = vector.shape_cast %get3A_868 : vector<16xf32> to vector<1x16xf32>
        tpu.vector_store %arg6[%swap3A_919, %swap3A_920], %swap3A_923 {add = true, strides = array<i32>} : memref<16x2048xf32, #tpu.memory_space<vmem>>, vector<1x16xf32>,
        %swap3A_924 = arith.constant 8 : i32
        %swap3A_925 = arith.index_cast %swap3A_924 : i32 to index
        %swap3A_926 = arith.index_cast %mul3A_837 : i32 to index
        %swap3A_927 = tpu.vector_load %arg6[%swap3A_925, %swap3A_926] {strides = array<i32>} : memref<16x2048xf32, #tpu.memory_space<vmem>>, vector<1x16xf32>,
        %swap3A_928 = vector.shape_cast %swap3A_927 : vector<1x16xf32> to vector<16xf32>
        %swap3A_929 = vector.shape_cast %get3A_872 : vector<16xf32> to vector<1x16xf32>
        tpu.vector_store %arg6[%swap3A_925, %swap3A_926], %swap3A_929 {add = true, strides = array<i32>} : memref<16x2048xf32, #tpu.memory_space<vmem>>, vector<1x16xf32>,
        %swap3A_930 = arith.constant 9 : i32
        %swap3A_931 = arith.index_cast %swap3A_930 : i32 to index
        %swap3A_932 = arith.index_cast %mul3A_837 : i32 to index
        %swap3A_933 = tpu.vector_load %arg6[%swap3A_931, %swap3A_932] {strides = array<i32>} : memref<16x2048xf32, #tpu.memory_space<vmem>>, vector<1x16xf32>,
        %swap3A_934 = vector.shape_cast %swap3A_933 : vector<1x16xf32> to vector<16xf32>
        %swap3A_935 = vector.shape_cast %get3A_876 : vector<16xf32> to vector<1x16xf32>
        tpu.vector_store %arg6[%swap3A_931, %swap3A_932], %swap3A_935 {add = true, strides = array<i32>} : memref<16x2048xf32, #tpu.memory_space<vmem>>, vector<1x16xf32>,
        %swap3A_936 = arith.constant 10 : i32
        %swap3A_937 = arith.index_cast %swap3A_936 : i32 to index
        %swap3A_938 = arith.index_cast %mul3A_837 : i32 to index
        %swap3A_939 = tpu.vector_load %arg6[%swap3A_937, %swap3A_938] {strides = array<i32>} : memref<16x2048xf32, #tpu.memory_space<vmem>>, vector<1x16xf32>,
        %swap3A_940 = vector.shape_cast %swap3A_939 : vector<1x16xf32> to vector<16xf32>
        %swap3A_941 = vector.shape_cast %get3A_840 : vector<16xf32> to vector<1x16xf32>
        tpu.vector_store %arg6[%swap3A_937, %swap3A_938], %swap3A_941 {add = true, strides = array<i32>} : memref<16x2048xf32, #tpu.memory_space<vmem>>, vector<1x16xf32>,
        %swap3A_942 = arith.constant 11 : i32
        %swap3A_943 = arith.index_cast %swap3A_942 : i32 to index
        %swap3A_944 = arith.index_cast %mul3A_837 : i32 to index
        %swap3A_945 = tpu.vector_load %arg6[%swap3A_943, %swap3A_944] {strides = array<i32>} : memref<16x2048xf32, #tpu.memory_space<vmem>>, vector<1x16xf32>,
        %swap3A_946 = vector.shape_cast %swap3A_945 : vector<1x16xf32> to vector<16xf32>
        %swap3A_947 = vector.shape_cast %get3A_844 : vector<16xf32> to vector<1x16xf32>
        tpu.vector_store %arg6[%swap3A_943, %swap3A_944], %swap3A_947 {add = true, strides = array<i32>} : memref<16x2048xf32, #tpu.memory_space<vmem>>, vector<1x16xf32>,
        %swap3A_948 = arith.constant 12 : i32
        %swap3A_949 = arith.index_cast %swap3A_948 : i32 to index
        %swap3A_950 = arith.index_cast %mul3A_837 : i32 to index
        %swap3A_951 = tpu.vector_load %arg6[%swap3A_949, %swap3A_950] {strides = array<i32>} : memref<16x2048xf32, #tpu.memory_space<vmem>>, vector<1x16xf32>,
        %swap3A_952 = vector.shape_cast %swap3A_951 : vector<1x16xf32> to vector<16xf32>
        %swap3A_953 = vector.shape_cast %get3A_848 : vector<16xf32> to vector<1x16xf32>
        tpu.vector_store %arg6[%swap3A_949, %swap3A_950], %swap3A_953 {add = true, strides = array<i32>} : memref<16x2048xf32, #tpu.memory_space<vmem>>, vector<1x16xf32>,
        %swap3A_954 = arith.constant 13 : i32
        %swap3A_955 = arith.index_cast %swap3A_954 : i32 to index
        %swap3A_956 = arith.index_cast %mul3A_837 : i32 to index
        %swap3A_957 = tpu.vector_load %arg6[%swap3A_955, %swap3A_956] {strides = array<i32>} : memref<16x2048xf32, #tpu.memory_space<vmem>>, vector<1x16xf32>,
        %swap3A_958 = vector.shape_cast %swap3A_957 : vector<1x16xf32> to vector<16xf32>
        %swap3A_959 = vector.shape_cast %get3A_852 : vector<16xf32> to vector<1x16xf32>
        tpu.vector_store %arg6[%swap3A_955, %swap3A_956], %swap3A_959 {add = true, strides = array<i32>} : memref<16x2048xf32, #tpu.memory_space<vmem>>, vector<1x16xf32>,
        %swap3A_960 = arith.constant 14 : i32
        %swap3A_961 = arith.index_cast %swap3A_960 : i32 to index
        %swap3A_962 = arith.index_cast %mul3A_837 : i32 to index
        %swap3A_963 = tpu.vector_load %arg6[%swap3A_961, %swap3A_962] {strides = array<i32>} : memref<16x2048xf32, #tpu.memory_space<vmem>>, vector<1x16xf32>,
        %swap3A_964 = vector.shape_cast %swap3A_963 : vector<1x16xf32> to vector<16xf32>
        %swap3A_965 = vector.shape_cast %get3A_856 : vector<16xf32> to vector<1x16xf32>
        tpu.vector_store %arg6[%swap3A_961, %swap3A_962], %swap3A_965 {add = true, strides = array<i32>} : memref<16x2048xf32, #tpu.memory_space<vmem>>, vector<1x16xf32>,
        %swap3A_966 = arith.constant 15 : i32
        %swap3A_967 = arith.index_cast %swap3A_966 : i32 to index
        %swap3A_968 = arith.index_cast %mul3A_837 : i32 to index
        %swap3A_969 = tpu.vector_load %arg6[%swap3A_967, %swap3A_968] {strides = array<i32>} : memref<16x2048xf32, #tpu.memory_space<vmem>>, vector<1x16xf32>,
        %swap3A_970 = vector.shape_cast %swap3A_969 : vector<1x16xf32> to vector<16xf32>
        %swap3A_971 = vector.shape_cast %get3A_860 : vector<16xf32> to vector<1x16xf32>
        tpu.vector_store %arg6[%swap3A_967, %swap3A_968], %swap3A_971 {add = true, strides = array<i32>} : memref<16x2048xf32, #tpu.memory_space<vmem>>, vector<1x16xf32>,
      }
      %scan3A_329 = arith.constant 128 : i32
      %mul3A_330 = arith.constant 16 : i32
      %mul3A_331 = arith.muli %add3A_123, %mul3A_330 : i32
      %add3A_332 = arith.addi %mul3A_2, %mul3A_331 : i32
      %dma_start3A_333 = arith.constant 0 : i32
      %dma_start3A_334 = tpu.memref_slice %arg4[%add3A_332, %dma_start3A_333] : memref<16384x2048xf32, #tpu.memory_space<hbm>> -> memref<16x2048xf32, #tpu.memory_space<hbm>>
      %dma_start3A_335 = arith.constant 0 : i32
      %dma_start3A_336 = tpu.memref_slice %arg4[%add3A_332, %dma_start3A_335] : memref<16384x2048xf32, #tpu.memory_space<hbm>> -> memref<16x2048xf32, #tpu.memory_space<hbm>>
      tpu.enqueue_dma source(%arg6 : memref<16x2048xf32, #tpu.memory_space<vmem>>) target(%dma_start3A_336 : memref<16x2048xf32, #tpu.memory_space<hbm>>) target_semaphore(%arg12 : memref<!tpu.dma_semaphore, #tpu.memory_space<semaphore_mem>>)
      %ge3A = arith.constant 1 : i32
      %ge3A_337 = arith.cmpi sge, %add3A_119, %ge3A : i32
      %convert_element_type3A = arith.extui %ge3A_337 : i1 to i32
      %cond3A = arith.constant 0 : i32
      %cond3A_338 = arith.cmpi ne, %convert_element_type3A, %cond3A : i32
      scf.if %cond3A_338 {
        %sub3A_831 = arith.constant 1 : i32
        %sub3A_832 = arith.subi %add3A_123, %sub3A_831 : i32
        %mul3A_833 = arith.constant 16 : i32
        %mul3A_834 = arith.muli %sub3A_832, %mul3A_833 : i32
        %add3A_835 = arith.addi %mul3A_2, %mul3A_834 : i32
        %dma_wait3A_836 = arith.constant 0 : i32
        %dma_wait3A_837 = tpu.memref_slice %arg4[%add3A_835, %dma_wait3A_836] : memref<16384x2048xf32, #tpu.memory_space<hbm>> -> memref<16x2048xf32, #tpu.memory_space<hbm>>
        %dma_wait3A_838 = arith.constant 0 : i32
        %dma_wait3A_839 = tpu.memref_slice %arg4[%add3A_835, %dma_wait3A_838] : memref<16384x2048xf32, #tpu.memory_space<hbm>> -> memref<16x2048xf32, #tpu.memory_space<hbm>>
        tpu.wait_dma2 semaphore(%arg14 : memref<!tpu.dma_semaphore, #tpu.memory_space<semaphore_mem>>) src(%arg8 : memref<16x2048xf32, #tpu.memory_space<vmem>>) dst(%dma_wait3A_839 : memref<16x2048xf32, #tpu.memory_space<hbm>>)
      } else {
      }
      %add3A_339 = arith.constant 3 : i32
      %add3A_340 = arith.addi %add3A_123, %add3A_339 : i32
      %sub3A = arith.constant 1 : i32
      %sub3A_341 = arith.subi %add3A_340, %sub3A : i32
      %mul3A_342 = arith.constant 16 : i32
      %mul3A_343 = arith.muli %sub3A_341, %mul3A_342 : i32
      %add3A_344 = arith.addi %mul3A_2, %mul3A_343 : i32
      %dma_start3A_345 = arith.constant 0 : i32
      %dma_start3A_346 = tpu.memref_slice %arg2[%add3A_344, %dma_start3A_345] : memref<16384x2048xf32, #tpu.memory_space<hbm>> -> memref<16x2048xf32, #tpu.memory_space<hbm>>
      %dma_start3A_347 = arith.constant 0 : i32
      %dma_start3A_348 = tpu.memref_slice %arg2[%add3A_344, %dma_start3A_347] : memref<16384x2048xf32, #tpu.memory_space<hbm>> -> memref<16x2048xf32, #tpu.memory_space<hbm>>
      tpu.enqueue_dma source(%dma_start3A_348 : memref<16x2048xf32, #tpu.memory_space<hbm>>) target(%arg8 : memref<16x2048xf32, #tpu.memory_space<vmem>>) target_semaphore(%arg11 : memref<!tpu.dma_semaphore, #tpu.memory_space<semaphore_mem>>)
      %add3A_349 = arith.constant 1 : i32
      %add3A_350 = arith.addi %mul3A_121, %add3A_349 : i32
      %mul3A_351 = arith.constant 16 : i32
      %mul3A_352 = arith.muli %add3A_350, %mul3A_351 : i32
      %add3A_353 = arith.constant 0 : i32
      %add3A_354 = arith.addi %mul3A_352, %add3A_353 : i32
      %jit3A_355 = arith.constant 10 : i32
      %eq3A_356 = arith.constant 0 : i32
      %eq3A_357 = arith.cmpi eq, %jit3A_355, %eq3A_356 : i32
      %jit3A_358 = arith.constant 1 : i32
      %select_n3A_359 = arith.select %eq3A_357, %jit3A_358, %jit3A_355 : i32
      %rem3A_360 = arith.remsi %add3A_354, %select_n3A_359 : i32
      %ne3A_361 = arith.constant 0 : i32
      %ne3A_362 = arith.cmpi ne, %rem3A_360, %ne3A_361 : i32
      %lt3A_363 = arith.constant 0 : i32
      %lt3A_364 = arith.cmpi slt, %rem3A_360, %lt3A_363 : i32
      %lt3A_365 = arith.constant 0 : i32
      %lt3A_366 = arith.cmpi slt, %select_n3A_359, %lt3A_365 : i32
      %ne3A_367 = arith.xori %lt3A_364, %lt3A_366 : i1
      %and3A_368 = arith.andi %ne3A_367, %ne3A_362 : i1
      %add3A_369 = arith.addi %rem3A_360, %select_n3A_359 : i32
      %select_n3A_370 = arith.select %and3A_368, %add3A_369, %rem3A_360 : i32
      %mul3A_371 = arith.constant 16 : i32
      %mul3A_372 = arith.muli %add3A_350, %mul3A_371 : i32
      %add3A_373 = arith.constant 1 : i32
      %add3A_374 = arith.addi %mul3A_372, %add3A_373 : i32
      %jit3A_375 = arith.constant 10 : i32
      %eq3A_376 = arith.constant 0 : i32
      %eq3A_377 = arith.cmpi eq, %jit3A_375, %eq3A_376 : i32
      %jit3A_378 = arith.constant 1 : i32
      %select_n3A_379 = arith.select %eq3A_377, %jit3A_378, %jit3A_375 : i32
      %rem3A_380 = arith.remsi %add3A_374, %select_n3A_379 : i32
      %ne3A_381 = arith.constant 0 : i32
      %ne3A_382 = arith.cmpi ne, %rem3A_380, %ne3A_381 : i32
      %lt3A_383 = arith.constant 0 : i32
      %lt3A_384 = arith.cmpi slt, %rem3A_380, %lt3A_383 : i32
      %lt3A_385 = arith.constant 0 : i32
      %lt3A_386 = arith.cmpi slt, %select_n3A_379, %lt3A_385 : i32
      %ne3A_387 = arith.xori %lt3A_384, %lt3A_386 : i1
      %and3A_388 = arith.andi %ne3A_387, %ne3A_382 : i1
      %add3A_389 = arith.addi %rem3A_380, %select_n3A_379 : i32
      %select_n3A_390 = arith.select %and3A_388, %add3A_389, %rem3A_380 : i32
      %mul3A_391 = arith.constant 16 : i32
      %mul3A_392 = arith.muli %add3A_350, %mul3A_391 : i32
      %add3A_393 = arith.constant 2 : i32
      %add3A_394 = arith.addi %mul3A_392, %add3A_393 : i32
      %jit3A_395 = arith.constant 10 : i32
      %eq3A_396 = arith.constant 0 : i32
      %eq3A_397 = arith.cmpi eq, %jit3A_395, %eq3A_396 : i32
      %jit3A_398 = arith.constant 1 : i32
      %select_n3A_399 = arith.select %eq3A_397, %jit3A_398, %jit3A_395 : i32
      %rem3A_400 = arith.remsi %add3A_394, %select_n3A_399 : i32
      %ne3A_401 = arith.constant 0 : i32
      %ne3A_402 = arith.cmpi ne, %rem3A_400, %ne3A_401 : i32
      %lt3A_403 = arith.constant 0 : i32
      %lt3A_404 = arith.cmpi slt, %rem3A_400, %lt3A_403 : i32
      %lt3A_405 = arith.constant 0 : i32
      %lt3A_406 = arith.cmpi slt, %select_n3A_399, %lt3A_405 : i32
      %ne3A_407 = arith.xori %lt3A_404, %lt3A_406 : i1
      %and3A_408 = arith.andi %ne3A_407, %ne3A_402 : i1
      %add3A_409 = arith.addi %rem3A_400, %select_n3A_399 : i32
      %select_n3A_410 = arith.select %and3A_408, %add3A_409, %rem3A_400 : i32
      %mul3A_411 = arith.constant 16 : i32
      %mul3A_412 = arith.muli %add3A_350, %mul3A_411 : i32
      %add3A_413 = arith.constant 3 : i32
      %add3A_414 = arith.addi %mul3A_412, %add3A_413 : i32
      %jit3A_415 = arith.constant 10 : i32
      %eq3A_416 = arith.constant 0 : i32
      %eq3A_417 = arith.cmpi eq, %jit3A_415, %eq3A_416 : i32
      %jit3A_418 = arith.constant 1 : i32
      %select_n3A_419 = arith.select %eq3A_417, %jit3A_418, %jit3A_415 : i32
      %rem3A_420 = arith.remsi %add3A_414, %select_n3A_419 : i32
      %ne3A_421 = arith.constant 0 : i32
      %ne3A_422 = arith.cmpi ne, %rem3A_420, %ne3A_421 : i32
      %lt3A_423 = arith.constant 0 : i32
      %lt3A_424 = arith.cmpi slt, %rem3A_420, %lt3A_423 : i32
      %lt3A_425 = arith.constant 0 : i32
      %lt3A_426 = arith.cmpi slt, %select_n3A_419, %lt3A_425 : i32
      %ne3A_427 = arith.xori %lt3A_424, %lt3A_426 : i1
      %and3A_428 = arith.andi %ne3A_427, %ne3A_422 : i1
      %add3A_429 = arith.addi %rem3A_420, %select_n3A_419 : i32
      %select_n3A_430 = arith.select %and3A_428, %add3A_429, %rem3A_420 : i32
      %mul3A_431 = arith.constant 16 : i32
      %mul3A_432 = arith.muli %add3A_350, %mul3A_431 : i32
      %add3A_433 = arith.constant 4 : i32
      %add3A_434 = arith.addi %mul3A_432, %add3A_433 : i32
      %jit3A_435 = arith.constant 10 : i32
      %eq3A_436 = arith.constant 0 : i32
      %eq3A_437 = arith.cmpi eq, %jit3A_435, %eq3A_436 : i32
      %jit3A_438 = arith.constant 1 : i32
      %select_n3A_439 = arith.select %eq3A_437, %jit3A_438, %jit3A_435 : i32
      %rem3A_440 = arith.remsi %add3A_434, %select_n3A_439 : i32
      %ne3A_441 = arith.constant 0 : i32
      %ne3A_442 = arith.cmpi ne, %rem3A_440, %ne3A_441 : i32
      %lt3A_443 = arith.constant 0 : i32
      %lt3A_444 = arith.cmpi slt, %rem3A_440, %lt3A_443 : i32
      %lt3A_445 = arith.constant 0 : i32
      %lt3A_446 = arith.cmpi slt, %select_n3A_439, %lt3A_445 : i32
      %ne3A_447 = arith.xori %lt3A_444, %lt3A_446 : i1
      %and3A_448 = arith.andi %ne3A_447, %ne3A_442 : i1
      %add3A_449 = arith.addi %rem3A_440, %select_n3A_439 : i32
      %select_n3A_450 = arith.select %and3A_448, %add3A_449, %rem3A_440 : i32
      %mul3A_451 = arith.constant 16 : i32
      %mul3A_452 = arith.muli %add3A_350, %mul3A_451 : i32
      %add3A_453 = arith.constant 5 : i32
      %add3A_454 = arith.addi %mul3A_452, %add3A_453 : i32
      %jit3A_455 = arith.constant 10 : i32
      %eq3A_456 = arith.constant 0 : i32
      %eq3A_457 = arith.cmpi eq, %jit3A_455, %eq3A_456 : i32
      %jit3A_458 = arith.constant 1 : i32
      %select_n3A_459 = arith.select %eq3A_457, %jit3A_458, %jit3A_455 : i32
      %rem3A_460 = arith.remsi %add3A_454, %select_n3A_459 : i32
      %ne3A_461 = arith.constant 0 : i32
      %ne3A_462 = arith.cmpi ne, %rem3A_460, %ne3A_461 : i32
      %lt3A_463 = arith.constant 0 : i32
      %lt3A_464 = arith.cmpi slt, %rem3A_460, %lt3A_463 : i32
      %lt3A_465 = arith.constant 0 : i32
      %lt3A_466 = arith.cmpi slt, %select_n3A_459, %lt3A_465 : i32
      %ne3A_467 = arith.xori %lt3A_464, %lt3A_466 : i1
      %and3A_468 = arith.andi %ne3A_467, %ne3A_462 : i1
      %add3A_469 = arith.addi %rem3A_460, %select_n3A_459 : i32
      %select_n3A_470 = arith.select %and3A_468, %add3A_469, %rem3A_460 : i32
      %mul3A_471 = arith.constant 16 : i32
      %mul3A_472 = arith.muli %add3A_350, %mul3A_471 : i32
      %add3A_473 = arith.constant 6 : i32
      %add3A_474 = arith.addi %mul3A_472, %add3A_473 : i32
      %jit3A_475 = arith.constant 10 : i32
      %eq3A_476 = arith.constant 0 : i32
      %eq3A_477 = arith.cmpi eq, %jit3A_475, %eq3A_476 : i32
      %jit3A_478 = arith.constant 1 : i32
      %select_n3A_479 = arith.select %eq3A_477, %jit3A_478, %jit3A_475 : i32
      %rem3A_480 = arith.remsi %add3A_474, %select_n3A_479 : i32
      %ne3A_481 = arith.constant 0 : i32
      %ne3A_482 = arith.cmpi ne, %rem3A_480, %ne3A_481 : i32
      %lt3A_483 = arith.constant 0 : i32
      %lt3A_484 = arith.cmpi slt, %rem3A_480, %lt3A_483 : i32
      %lt3A_485 = arith.constant 0 : i32
      %lt3A_486 = arith.cmpi slt, %select_n3A_479, %lt3A_485 : i32
      %ne3A_487 = arith.xori %lt3A_484, %lt3A_486 : i1
      %and3A_488 = arith.andi %ne3A_487, %ne3A_482 : i1
      %add3A_489 = arith.addi %rem3A_480, %select_n3A_479 : i32
      %select_n3A_490 = arith.select %and3A_488, %add3A_489, %rem3A_480 : i32
      %mul3A_491 = arith.constant 16 : i32
      %mul3A_492 = arith.muli %add3A_350, %mul3A_491 : i32
      %add3A_493 = arith.constant 7 : i32
      %add3A_494 = arith.addi %mul3A_492, %add3A_493 : i32
      %jit3A_495 = arith.constant 10 : i32
      %eq3A_496 = arith.constant 0 : i32
      %eq3A_497 = arith.cmpi eq, %jit3A_495, %eq3A_496 : i32
      %jit3A_498 = arith.constant 1 : i32
      %select_n3A_499 = arith.select %eq3A_497, %jit3A_498, %jit3A_495 : i32
      %rem3A_500 = arith.remsi %add3A_494, %select_n3A_499 : i32
      %ne3A_501 = arith.constant 0 : i32
      %ne3A_502 = arith.cmpi ne, %rem3A_500, %ne3A_501 : i32
      %lt3A_503 = arith.constant 0 : i32
      %lt3A_504 = arith.cmpi slt, %rem3A_500, %lt3A_503 : i32
      %lt3A_505 = arith.constant 0 : i32
      %lt3A_506 = arith.cmpi slt, %select_n3A_499, %lt3A_505 : i32
      %ne3A_507 = arith.xori %lt3A_504, %lt3A_506 : i1
      %and3A_508 = arith.andi %ne3A_507, %ne3A_502 : i1
      %add3A_509 = arith.addi %rem3A_500, %select_n3A_499 : i32
      %select_n3A_510 = arith.select %and3A_508, %add3A_509, %rem3A_500 : i32
      %mul3A_511 = arith.constant 16 : i32
      %mul3A_512 = arith.muli %add3A_350, %mul3A_511 : i32
      %add3A_513 = arith.constant 8 : i32
      %add3A_514 = arith.addi %mul3A_512, %add3A_513 : i32
      %jit3A_515 = arith.constant 10 : i32
      %eq3A_516 = arith.constant 0 : i32
      %eq3A_517 = arith.cmpi eq, %jit3A_515, %eq3A_516 : i32
      %jit3A_518 = arith.constant 1 : i32
      %select_n3A_519 = arith.select %eq3A_517, %jit3A_518, %jit3A_515 : i32
      %rem3A_520 = arith.remsi %add3A_514, %select_n3A_519 : i32
      %ne3A_521 = arith.constant 0 : i32
      %ne3A_522 = arith.cmpi ne, %rem3A_520, %ne3A_521 : i32
      %lt3A_523 = arith.constant 0 : i32
      %lt3A_524 = arith.cmpi slt, %rem3A_520, %lt3A_523 : i32
      %lt3A_525 = arith.constant 0 : i32
      %lt3A_526 = arith.cmpi slt, %select_n3A_519, %lt3A_525 : i32
      %ne3A_527 = arith.xori %lt3A_524, %lt3A_526 : i1
      %and3A_528 = arith.andi %ne3A_527, %ne3A_522 : i1
      %add3A_529 = arith.addi %rem3A_520, %select_n3A_519 : i32
      %select_n3A_530 = arith.select %and3A_528, %add3A_529, %rem3A_520 : i32
      %mul3A_531 = arith.constant 16 : i32
      %mul3A_532 = arith.muli %add3A_350, %mul3A_531 : i32
      %add3A_533 = arith.constant 9 : i32
      %add3A_534 = arith.addi %mul3A_532, %add3A_533 : i32
      %jit3A_535 = arith.constant 10 : i32
      %eq3A_536 = arith.constant 0 : i32
      %eq3A_537 = arith.cmpi eq, %jit3A_535, %eq3A_536 : i32
      %jit3A_538 = arith.constant 1 : i32
      %select_n3A_539 = arith.select %eq3A_537, %jit3A_538, %jit3A_535 : i32
      %rem3A_540 = arith.remsi %add3A_534, %select_n3A_539 : i32
      %ne3A_541 = arith.constant 0 : i32
      %ne3A_542 = arith.cmpi ne, %rem3A_540, %ne3A_541 : i32
      %lt3A_543 = arith.constant 0 : i32
      %lt3A_544 = arith.cmpi slt, %rem3A_540, %lt3A_543 : i32
      %lt3A_545 = arith.constant 0 : i32
      %lt3A_546 = arith.cmpi slt, %select_n3A_539, %lt3A_545 : i32
      %ne3A_547 = arith.xori %lt3A_544, %lt3A_546 : i1
      %and3A_548 = arith.andi %ne3A_547, %ne3A_542 : i1
      %add3A_549 = arith.addi %rem3A_540, %select_n3A_539 : i32
      %select_n3A_550 = arith.select %and3A_548, %add3A_549, %rem3A_540 : i32
      %mul3A_551 = arith.constant 16 : i32
      %mul3A_552 = arith.muli %add3A_350, %mul3A_551 : i32
      %add3A_553 = arith.addi %mul3A_2, %mul3A_552 : i32
      %dma_wait3A_554 = arith.constant 0 : i32
      %dma_wait3A_555 = tpu.memref_slice %arg2[%add3A_553, %dma_wait3A_554] : memref<16384x2048xf32, #tpu.memory_space<hbm>> -> memref<16x2048xf32, #tpu.memory_space<hbm>>
      %dma_wait3A_556 = arith.constant 0 : i32
      %dma_wait3A_557 = tpu.memref_slice %arg2[%add3A_553, %dma_wait3A_556] : memref<16384x2048xf32, #tpu.memory_space<hbm>> -> memref<16x2048xf32, #tpu.memory_space<hbm>>
      tpu.wait_dma2 semaphore(%arg10 : memref<!tpu.dma_semaphore, #tpu.memory_space<semaphore_mem>>) src(%dma_wait3A_557 : memref<16x2048xf32, #tpu.memory_space<hbm>>) dst(%arg7 : memref<16x2048xf32, #tpu.memory_space<vmem>>)
      %scan3A_558 = arith.constant 0 : i32
      %scan3A_559 = arith.constant 128 : i32
      %scan3A_560 = arith.addi %scan3A_558, %scan3A_559 : i32
      %scan3A_561 = arith.constant 1 : i32
      scf.for %scan3A_831 = %scan3A_558 to %scan3A_560 step %scan3A_561  : i32 {
        %mul3A_832 = arith.constant 1 : i32
        %mul3A_833 = arith.muli %scan3A_831, %mul3A_832 : i32
        %add3A_834 = arith.constant 0 : i32
        %add3A_835 = arith.addi %add3A_834, %mul3A_833 : i32
        %mul3A_836 = arith.constant 16 : i32
        %mul3A_837 = arith.muli %add3A_835, %mul3A_836 : i32
        %get3A = arith.index_cast %select_n3A_370 : i32 to index
        %get3A_838 = arith.index_cast %mul3A_837 : i32 to index
        %get3A_839 = tpu.vector_load %arg5[%get3A, %get3A_838] {strides = array<i32>} : memref<10x2048xf32, #tpu.memory_space<vmem>>, vector<1x16xf32>,
        %get3A_840 = vector.shape_cast %get3A_839 : vector<1x16xf32> to vector<16xf32>
        %get3A_841 = arith.index_cast %select_n3A_390 : i32 to index
        %get3A_842 = arith.index_cast %mul3A_837 : i32 to index
        %get3A_843 = tpu.vector_load %arg5[%get3A_841, %get3A_842] {strides = array<i32>} : memref<10x2048xf32, #tpu.memory_space<vmem>>, vector<1x16xf32>,
        %get3A_844 = vector.shape_cast %get3A_843 : vector<1x16xf32> to vector<16xf32>
        %get3A_845 = arith.index_cast %select_n3A_410 : i32 to index
        %get3A_846 = arith.index_cast %mul3A_837 : i32 to index
        %get3A_847 = tpu.vector_load %arg5[%get3A_845, %get3A_846] {strides = array<i32>} : memref<10x2048xf32, #tpu.memory_space<vmem>>, vector<1x16xf32>,
        %get3A_848 = vector.shape_cast %get3A_847 : vector<1x16xf32> to vector<16xf32>
        %get3A_849 = arith.index_cast %select_n3A_430 : i32 to index
        %get3A_850 = arith.index_cast %mul3A_837 : i32 to index
        %get3A_851 = tpu.vector_load %arg5[%get3A_849, %get3A_850] {strides = array<i32>} : memref<10x2048xf32, #tpu.memory_space<vmem>>, vector<1x16xf32>,
        %get3A_852 = vector.shape_cast %get3A_851 : vector<1x16xf32> to vector<16xf32>
        %get3A_853 = arith.index_cast %select_n3A_450 : i32 to index
        %get3A_854 = arith.index_cast %mul3A_837 : i32 to index
        %get3A_855 = tpu.vector_load %arg5[%get3A_853, %get3A_854] {strides = array<i32>} : memref<10x2048xf32, #tpu.memory_space<vmem>>, vector<1x16xf32>,
        %get3A_856 = vector.shape_cast %get3A_855 : vector<1x16xf32> to vector<16xf32>
        %get3A_857 = arith.index_cast %select_n3A_470 : i32 to index
        %get3A_858 = arith.index_cast %mul3A_837 : i32 to index
        %get3A_859 = tpu.vector_load %arg5[%get3A_857, %get3A_858] {strides = array<i32>} : memref<10x2048xf32, #tpu.memory_space<vmem>>, vector<1x16xf32>,
        %get3A_860 = vector.shape_cast %get3A_859 : vector<1x16xf32> to vector<16xf32>
        %get3A_861 = arith.index_cast %select_n3A_490 : i32 to index
        %get3A_862 = arith.index_cast %mul3A_837 : i32 to index
        %get3A_863 = tpu.vector_load %arg5[%get3A_861, %get3A_862] {strides = array<i32>} : memref<10x2048xf32, #tpu.memory_space<vmem>>, vector<1x16xf32>,
        %get3A_864 = vector.shape_cast %get3A_863 : vector<1x16xf32> to vector<16xf32>
        %get3A_865 = arith.index_cast %select_n3A_510 : i32 to index
        %get3A_866 = arith.index_cast %mul3A_837 : i32 to index
        %get3A_867 = tpu.vector_load %arg5[%get3A_865, %get3A_866] {strides = array<i32>} : memref<10x2048xf32, #tpu.memory_space<vmem>>, vector<1x16xf32>,
        %get3A_868 = vector.shape_cast %get3A_867 : vector<1x16xf32> to vector<16xf32>
        %get3A_869 = arith.index_cast %select_n3A_530 : i32 to index
        %get3A_870 = arith.index_cast %mul3A_837 : i32 to index
        %get3A_871 = tpu.vector_load %arg5[%get3A_869, %get3A_870] {strides = array<i32>} : memref<10x2048xf32, #tpu.memory_space<vmem>>, vector<1x16xf32>,
        %get3A_872 = vector.shape_cast %get3A_871 : vector<1x16xf32> to vector<16xf32>
        %get3A_873 = arith.index_cast %select_n3A_550 : i32 to index
        %get3A_874 = arith.index_cast %mul3A_837 : i32 to index
        %get3A_875 = tpu.vector_load %arg5[%get3A_873, %get3A_874] {strides = array<i32>} : memref<10x2048xf32, #tpu.memory_space<vmem>>, vector<1x16xf32>,
        %get3A_876 = vector.shape_cast %get3A_875 : vector<1x16xf32> to vector<16xf32>
        %swap3A = arith.constant 0 : i32
        %swap3A_877 = arith.index_cast %swap3A : i32 to index
        %swap3A_878 = arith.index_cast %mul3A_837 : i32 to index
        %swap3A_879 = tpu.vector_load %arg7[%swap3A_877, %swap3A_878] {strides = array<i32>} : memref<16x2048xf32, #tpu.memory_space<vmem>>, vector<1x16xf32>,
        %swap3A_880 = vector.shape_cast %swap3A_879 : vector<1x16xf32> to vector<16xf32>
        %swap3A_881 = vector.shape_cast %get3A_840 : vector<16xf32> to vector<1x16xf32>
        tpu.vector_store %arg7[%swap3A_877, %swap3A_878], %swap3A_881 {add = true, strides = array<i32>} : memref<16x2048xf32, #tpu.memory_space<vmem>>, vector<1x16xf32>,
        %swap3A_882 = arith.constant 1 : i32
        %swap3A_883 = arith.index_cast %swap3A_882 : i32 to index
        %swap3A_884 = arith.index_cast %mul3A_837 : i32 to index
        %swap3A_885 = tpu.vector_load %arg7[%swap3A_883, %swap3A_884] {strides = array<i32>} : memref<16x2048xf32, #tpu.memory_space<vmem>>, vector<1x16xf32>,
        %swap3A_886 = vector.shape_cast %swap3A_885 : vector<1x16xf32> to vector<16xf32>
        %swap3A_887 = vector.shape_cast %get3A_844 : vector<16xf32> to vector<1x16xf32>
        tpu.vector_store %arg7[%swap3A_883, %swap3A_884], %swap3A_887 {add = true, strides = array<i32>} : memref<16x2048xf32, #tpu.memory_space<vmem>>, vector<1x16xf32>,
        %swap3A_888 = arith.constant 2 : i32
        %swap3A_889 = arith.index_cast %swap3A_888 : i32 to index
        %swap3A_890 = arith.index_cast %mul3A_837 : i32 to index
        %swap3A_891 = tpu.vector_load %arg7[%swap3A_889, %swap3A_890] {strides = array<i32>} : memref<16x2048xf32, #tpu.memory_space<vmem>>, vector<1x16xf32>,
        %swap3A_892 = vector.shape_cast %swap3A_891 : vector<1x16xf32> to vector<16xf32>
        %swap3A_893 = vector.shape_cast %get3A_848 : vector<16xf32> to vector<1x16xf32>
        tpu.vector_store %arg7[%swap3A_889, %swap3A_890], %swap3A_893 {add = true, strides = array<i32>} : memref<16x2048xf32, #tpu.memory_space<vmem>>, vector<1x16xf32>,
        %swap3A_894 = arith.constant 3 : i32
        %swap3A_895 = arith.index_cast %swap3A_894 : i32 to index
        %swap3A_896 = arith.index_cast %mul3A_837 : i32 to index
        %swap3A_897 = tpu.vector_load %arg7[%swap3A_895, %swap3A_896] {strides = array<i32>} : memref<16x2048xf32, #tpu.memory_space<vmem>>, vector<1x16xf32>,
        %swap3A_898 = vector.shape_cast %swap3A_897 : vector<1x16xf32> to vector<16xf32>
        %swap3A_899 = vector.shape_cast %get3A_852 : vector<16xf32> to vector<1x16xf32>
        tpu.vector_store %arg7[%swap3A_895, %swap3A_896], %swap3A_899 {add = true, strides = array<i32>} : memref<16x2048xf32, #tpu.memory_space<vmem>>, vector<1x16xf32>,
        %swap3A_900 = arith.constant 4 : i32
        %swap3A_901 = arith.index_cast %swap3A_900 : i32 to index
        %swap3A_902 = arith.index_cast %mul3A_837 : i32 to index
        %swap3A_903 = tpu.vector_load %arg7[%swap3A_901, %swap3A_902] {strides = array<i32>} : memref<16x2048xf32, #tpu.memory_space<vmem>>, vector<1x16xf32>,
        %swap3A_904 = vector.shape_cast %swap3A_903 : vector<1x16xf32> to vector<16xf32>
        %swap3A_905 = vector.shape_cast %get3A_856 : vector<16xf32> to vector<1x16xf32>
        tpu.vector_store %arg7[%swap3A_901, %swap3A_902], %swap3A_905 {add = true, strides = array<i32>} : memref<16x2048xf32, #tpu.memory_space<vmem>>, vector<1x16xf32>,
        %swap3A_906 = arith.constant 5 : i32
        %swap3A_907 = arith.index_cast %swap3A_906 : i32 to index
        %swap3A_908 = arith.index_cast %mul3A_837 : i32 to index
        %swap3A_909 = tpu.vector_load %arg7[%swap3A_907, %swap3A_908] {strides = array<i32>} : memref<16x2048xf32, #tpu.memory_space<vmem>>, vector<1x16xf32>,
        %swap3A_910 = vector.shape_cast %swap3A_909 : vector<1x16xf32> to vector<16xf32>
        %swap3A_911 = vector.shape_cast %get3A_860 : vector<16xf32> to vector<1x16xf32>
        tpu.vector_store %arg7[%swap3A_907, %swap3A_908], %swap3A_911 {add = true, strides = array<i32>} : memref<16x2048xf32, #tpu.memory_space<vmem>>, vector<1x16xf32>,
        %swap3A_912 = arith.constant 6 : i32
        %swap3A_913 = arith.index_cast %swap3A_912 : i32 to index
        %swap3A_914 = arith.index_cast %mul3A_837 : i32 to index
        %swap3A_915 = tpu.vector_load %arg7[%swap3A_913, %swap3A_914] {strides = array<i32>} : memref<16x2048xf32, #tpu.memory_space<vmem>>, vector<1x16xf32>,
        %swap3A_916 = vector.shape_cast %swap3A_915 : vector<1x16xf32> to vector<16xf32>
        %swap3A_917 = vector.shape_cast %get3A_864 : vector<16xf32> to vector<1x16xf32>
        tpu.vector_store %arg7[%swap3A_913, %swap3A_914], %swap3A_917 {add = true, strides = array<i32>} : memref<16x2048xf32, #tpu.memory_space<vmem>>, vector<1x16xf32>,
        %swap3A_918 = arith.constant 7 : i32
        %swap3A_919 = arith.index_cast %swap3A_918 : i32 to index
        %swap3A_920 = arith.index_cast %mul3A_837 : i32 to index
        %swap3A_921 = tpu.vector_load %arg7[%swap3A_919, %swap3A_920] {strides = array<i32>} : memref<16x2048xf32, #tpu.memory_space<vmem>>, vector<1x16xf32>,
        %swap3A_922 = vector.shape_cast %swap3A_921 : vector<1x16xf32> to vector<16xf32>
        %swap3A_923 = vector.shape_cast %get3A_868 : vector<16xf32> to vector<1x16xf32>
        tpu.vector_store %arg7[%swap3A_919, %swap3A_920], %swap3A_923 {add = true, strides = array<i32>} : memref<16x2048xf32, #tpu.memory_space<vmem>>, vector<1x16xf32>,
        %swap3A_924 = arith.constant 8 : i32
        %swap3A_925 = arith.index_cast %swap3A_924 : i32 to index
        %swap3A_926 = arith.index_cast %mul3A_837 : i32 to index
        %swap3A_927 = tpu.vector_load %arg7[%swap3A_925, %swap3A_926] {strides = array<i32>} : memref<16x2048xf32, #tpu.memory_space<vmem>>, vector<1x16xf32>,
        %swap3A_928 = vector.shape_cast %swap3A_927 : vector<1x16xf32> to vector<16xf32>
        %swap3A_929 = vector.shape_cast %get3A_872 : vector<16xf32> to vector<1x16xf32>
        tpu.vector_store %arg7[%swap3A_925, %swap3A_926], %swap3A_929 {add = true, strides = array<i32>} : memref<16x2048xf32, #tpu.memory_space<vmem>>, vector<1x16xf32>,
        %swap3A_930 = arith.constant 9 : i32
        %swap3A_931 = arith.index_cast %swap3A_930 : i32 to index
        %swap3A_932 = arith.index_cast %mul3A_837 : i32 to index
        %swap3A_933 = tpu.vector_load %arg7[%swap3A_931, %swap3A_932] {strides = array<i32>} : memref<16x2048xf32, #tpu.memory_space<vmem>>, vector<1x16xf32>,
        %swap3A_934 = vector.shape_cast %swap3A_933 : vector<1x16xf32> to vector<16xf32>
        %swap3A_935 = vector.shape_cast %get3A_876 : vector<16xf32> to vector<1x16xf32>
        tpu.vector_store %arg7[%swap3A_931, %swap3A_932], %swap3A_935 {add = true, strides = array<i32>} : memref<16x2048xf32, #tpu.memory_space<vmem>>, vector<1x16xf32>,
        %swap3A_936 = arith.constant 10 : i32
        %swap3A_937 = arith.index_cast %swap3A_936 : i32 to index
        %swap3A_938 = arith.index_cast %mul3A_837 : i32 to index
        %swap3A_939 = tpu.vector_load %arg7[%swap3A_937, %swap3A_938] {strides = array<i32>} : memref<16x2048xf32, #tpu.memory_space<vmem>>, vector<1x16xf32>,
        %swap3A_940 = vector.shape_cast %swap3A_939 : vector<1x16xf32> to vector<16xf32>
        %swap3A_941 = vector.shape_cast %get3A_840 : vector<16xf32> to vector<1x16xf32>
        tpu.vector_store %arg7[%swap3A_937, %swap3A_938], %swap3A_941 {add = true, strides = array<i32>} : memref<16x2048xf32, #tpu.memory_space<vmem>>, vector<1x16xf32>,
        %swap3A_942 = arith.constant 11 : i32
        %swap3A_943 = arith.index_cast %swap3A_942 : i32 to index
        %swap3A_944 = arith.index_cast %mul3A_837 : i32 to index
        %swap3A_945 = tpu.vector_load %arg7[%swap3A_943, %swap3A_944] {strides = array<i32>} : memref<16x2048xf32, #tpu.memory_space<vmem>>, vector<1x16xf32>,
        %swap3A_946 = vector.shape_cast %swap3A_945 : vector<1x16xf32> to vector<16xf32>
        %swap3A_947 = vector.shape_cast %get3A_844 : vector<16xf32> to vector<1x16xf32>
        tpu.vector_store %arg7[%swap3A_943, %swap3A_944], %swap3A_947 {add = true, strides = array<i32>} : memref<16x2048xf32, #tpu.memory_space<vmem>>, vector<1x16xf32>,
        %swap3A_948 = arith.constant 12 : i32
        %swap3A_949 = arith.index_cast %swap3A_948 : i32 to index
        %swap3A_950 = arith.index_cast %mul3A_837 : i32 to index
        %swap3A_951 = tpu.vector_load %arg7[%swap3A_949, %swap3A_950] {strides = array<i32>} : memref<16x2048xf32, #tpu.memory_space<vmem>>, vector<1x16xf32>,
        %swap3A_952 = vector.shape_cast %swap3A_951 : vector<1x16xf32> to vector<16xf32>
        %swap3A_953 = vector.shape_cast %get3A_848 : vector<16xf32> to vector<1x16xf32>
        tpu.vector_store %arg7[%swap3A_949, %swap3A_950], %swap3A_953 {add = true, strides = array<i32>} : memref<16x2048xf32, #tpu.memory_space<vmem>>, vector<1x16xf32>,
        %swap3A_954 = arith.constant 13 : i32
        %swap3A_955 = arith.index_cast %swap3A_954 : i32 to index
        %swap3A_956 = arith.index_cast %mul3A_837 : i32 to index
        %swap3A_957 = tpu.vector_load %arg7[%swap3A_955, %swap3A_956] {strides = array<i32>} : memref<16x2048xf32, #tpu.memory_space<vmem>>, vector<1x16xf32>,
        %swap3A_958 = vector.shape_cast %swap3A_957 : vector<1x16xf32> to vector<16xf32>
        %swap3A_959 = vector.shape_cast %get3A_852 : vector<16xf32> to vector<1x16xf32>
        tpu.vector_store %arg7[%swap3A_955, %swap3A_956], %swap3A_959 {add = true, strides = array<i32>} : memref<16x2048xf32, #tpu.memory_space<vmem>>, vector<1x16xf32>,
        %swap3A_960 = arith.constant 14 : i32
        %swap3A_961 = arith.index_cast %swap3A_960 : i32 to index
        %swap3A_962 = arith.index_cast %mul3A_837 : i32 to index
        %swap3A_963 = tpu.vector_load %arg7[%swap3A_961, %swap3A_962] {strides = array<i32>} : memref<16x2048xf32, #tpu.memory_space<vmem>>, vector<1x16xf32>,
        %swap3A_964 = vector.shape_cast %swap3A_963 : vector<1x16xf32> to vector<16xf32>
        %swap3A_965 = vector.shape_cast %get3A_856 : vector<16xf32> to vector<1x16xf32>
        tpu.vector_store %arg7[%swap3A_961, %swap3A_962], %swap3A_965 {add = true, strides = array<i32>} : memref<16x2048xf32, #tpu.memory_space<vmem>>, vector<1x16xf32>,
        %swap3A_966 = arith.constant 15 : i32
        %swap3A_967 = arith.index_cast %swap3A_966 : i32 to index
        %swap3A_968 = arith.index_cast %mul3A_837 : i32 to index
        %swap3A_969 = tpu.vector_load %arg7[%swap3A_967, %swap3A_968] {strides = array<i32>} : memref<16x2048xf32, #tpu.memory_space<vmem>>, vector<1x16xf32>,
        %swap3A_970 = vector.shape_cast %swap3A_969 : vector<1x16xf32> to vector<16xf32>
        %swap3A_971 = vector.shape_cast %get3A_860 : vector<16xf32> to vector<1x16xf32>
        tpu.vector_store %arg7[%swap3A_967, %swap3A_968], %swap3A_971 {add = true, strides = array<i32>} : memref<16x2048xf32, #tpu.memory_space<vmem>>, vector<1x16xf32>,
      }
      %scan3A_562 = arith.constant 128 : i32
      %mul3A_563 = arith.constant 16 : i32
      %mul3A_564 = arith.muli %add3A_350, %mul3A_563 : i32
      %add3A_565 = arith.addi %mul3A_2, %mul3A_564 : i32
      %dma_start3A_566 = arith.constant 0 : i32
      %dma_start3A_567 = tpu.memref_slice %arg4[%add3A_565, %dma_start3A_566] : memref<16384x2048xf32, #tpu.memory_space<hbm>> -> memref<16x2048xf32, #tpu.memory_space<hbm>>
      %dma_start3A_568 = arith.constant 0 : i32
      %dma_start3A_569 = tpu.memref_slice %arg4[%add3A_565, %dma_start3A_568] : memref<16384x2048xf32, #tpu.memory_space<hbm>> -> memref<16x2048xf32, #tpu.memory_space<hbm>>
      tpu.enqueue_dma source(%arg7 : memref<16x2048xf32, #tpu.memory_space<vmem>>) target(%dma_start3A_569 : memref<16x2048xf32, #tpu.memory_space<hbm>>) target_semaphore(%arg13 : memref<!tpu.dma_semaphore, #tpu.memory_space<semaphore_mem>>)
      %sub3A_570 = arith.constant 1 : i32
      %sub3A_571 = arith.subi %add3A_350, %sub3A_570 : i32
      %mul3A_572 = arith.constant 16 : i32
      %mul3A_573 = arith.muli %sub3A_571, %mul3A_572 : i32
      %add3A_574 = arith.addi %mul3A_2, %mul3A_573 : i32
      %dma_wait3A_575 = arith.constant 0 : i32
      %dma_wait3A_576 = tpu.memref_slice %arg4[%add3A_574, %dma_wait3A_575] : memref<16384x2048xf32, #tpu.memory_space<hbm>> -> memref<16x2048xf32, #tpu.memory_space<hbm>>
      %dma_wait3A_577 = arith.constant 0 : i32
      %dma_wait3A_578 = tpu.memref_slice %arg4[%add3A_574, %dma_wait3A_577] : memref<16384x2048xf32, #tpu.memory_space<hbm>> -> memref<16x2048xf32, #tpu.memory_space<hbm>>
      tpu.wait_dma2 semaphore(%arg12 : memref<!tpu.dma_semaphore, #tpu.memory_space<semaphore_mem>>) src(%arg6 : memref<16x2048xf32, #tpu.memory_space<vmem>>) dst(%dma_wait3A_578 : memref<16x2048xf32, #tpu.memory_space<hbm>>)
      %add3A_579 = arith.constant 3 : i32
      %add3A_580 = arith.addi %add3A_350, %add3A_579 : i32
      %sub3A_581 = arith.constant 1 : i32
      %sub3A_582 = arith.subi %add3A_580, %sub3A_581 : i32
      %mul3A_583 = arith.constant 16 : i32
      %mul3A_584 = arith.muli %sub3A_582, %mul3A_583 : i32
      %add3A_585 = arith.addi %mul3A_2, %mul3A_584 : i32
      %dma_start3A_586 = arith.constant 0 : i32
      %dma_start3A_587 = tpu.memref_slice %arg2[%add3A_585, %dma_start3A_586] : memref<16384x2048xf32, #tpu.memory_space<hbm>> -> memref<16x2048xf32, #tpu.memory_space<hbm>>
      %dma_start3A_588 = arith.constant 0 : i32
      %dma_start3A_589 = tpu.memref_slice %arg2[%add3A_585, %dma_start3A_588] : memref<16384x2048xf32, #tpu.memory_space<hbm>> -> memref<16x2048xf32, #tpu.memory_space<hbm>>
      tpu.enqueue_dma source(%dma_start3A_589 : memref<16x2048xf32, #tpu.memory_space<hbm>>) target(%arg6 : memref<16x2048xf32, #tpu.memory_space<vmem>>) target_semaphore(%arg9 : memref<!tpu.dma_semaphore, #tpu.memory_space<semaphore_mem>>)
      %add3A_590 = arith.constant 2 : i32
      %add3A_591 = arith.addi %mul3A_121, %add3A_590 : i32
      %mul3A_592 = arith.constant 16 : i32
      %mul3A_593 = arith.muli %add3A_591, %mul3A_592 : i32
      %add3A_594 = arith.constant 0 : i32
      %add3A_595 = arith.addi %mul3A_593, %add3A_594 : i32
      %jit3A_596 = arith.constant 10 : i32
      %eq3A_597 = arith.constant 0 : i32
      %eq3A_598 = arith.cmpi eq, %jit3A_596, %eq3A_597 : i32
      %jit3A_599 = arith.constant 1 : i32
      %select_n3A_600 = arith.select %eq3A_598, %jit3A_599, %jit3A_596 : i32
      %rem3A_601 = arith.remsi %add3A_595, %select_n3A_600 : i32
      %ne3A_602 = arith.constant 0 : i32
      %ne3A_603 = arith.cmpi ne, %rem3A_601, %ne3A_602 : i32
      %lt3A_604 = arith.constant 0 : i32
      %lt3A_605 = arith.cmpi slt, %rem3A_601, %lt3A_604 : i32
      %lt3A_606 = arith.constant 0 : i32
      %lt3A_607 = arith.cmpi slt, %select_n3A_600, %lt3A_606 : i32
      %ne3A_608 = arith.xori %lt3A_605, %lt3A_607 : i1
      %and3A_609 = arith.andi %ne3A_608, %ne3A_603 : i1
      %add3A_610 = arith.addi %rem3A_601, %select_n3A_600 : i32
      %select_n3A_611 = arith.select %and3A_609, %add3A_610, %rem3A_601 : i32
      %mul3A_612 = arith.constant 16 : i32
      %mul3A_613 = arith.muli %add3A_591, %mul3A_612 : i32
      %add3A_614 = arith.constant 1 : i32
      %add3A_615 = arith.addi %mul3A_613, %add3A_614 : i32
      %jit3A_616 = arith.constant 10 : i32
      %eq3A_617 = arith.constant 0 : i32
      %eq3A_618 = arith.cmpi eq, %jit3A_616, %eq3A_617 : i32
      %jit3A_619 = arith.constant 1 : i32
      %select_n3A_620 = arith.select %eq3A_618, %jit3A_619, %jit3A_616 : i32
      %rem3A_621 = arith.remsi %add3A_615, %select_n3A_620 : i32
      %ne3A_622 = arith.constant 0 : i32
      %ne3A_623 = arith.cmpi ne, %rem3A_621, %ne3A_622 : i32
      %lt3A_624 = arith.constant 0 : i32
      %lt3A_625 = arith.cmpi slt, %rem3A_621, %lt3A_624 : i32
      %lt3A_626 = arith.constant 0 : i32
      %lt3A_627 = arith.cmpi slt, %select_n3A_620, %lt3A_626 : i32
      %ne3A_628 = arith.xori %lt3A_625, %lt3A_627 : i1
      %and3A_629 = arith.andi %ne3A_628, %ne3A_623 : i1
      %add3A_630 = arith.addi %rem3A_621, %select_n3A_620 : i32
      %select_n3A_631 = arith.select %and3A_629, %add3A_630, %rem3A_621 : i32
      %mul3A_632 = arith.constant 16 : i32
      %mul3A_633 = arith.muli %add3A_591, %mul3A_632 : i32
      %add3A_634 = arith.constant 2 : i32
      %add3A_635 = arith.addi %mul3A_633, %add3A_634 : i32
      %jit3A_636 = arith.constant 10 : i32
      %eq3A_637 = arith.constant 0 : i32
      %eq3A_638 = arith.cmpi eq, %jit3A_636, %eq3A_637 : i32
      %jit3A_639 = arith.constant 1 : i32
      %select_n3A_640 = arith.select %eq3A_638, %jit3A_639, %jit3A_636 : i32
      %rem3A_641 = arith.remsi %add3A_635, %select_n3A_640 : i32
      %ne3A_642 = arith.constant 0 : i32
      %ne3A_643 = arith.cmpi ne, %rem3A_641, %ne3A_642 : i32
      %lt3A_644 = arith.constant 0 : i32
      %lt3A_645 = arith.cmpi slt, %rem3A_641, %lt3A_644 : i32
      %lt3A_646 = arith.constant 0 : i32
      %lt3A_647 = arith.cmpi slt, %select_n3A_640, %lt3A_646 : i32
      %ne3A_648 = arith.xori %lt3A_645, %lt3A_647 : i1
      %and3A_649 = arith.andi %ne3A_648, %ne3A_643 : i1
      %add3A_650 = arith.addi %rem3A_641, %select_n3A_640 : i32
      %select_n3A_651 = arith.select %and3A_649, %add3A_650, %rem3A_641 : i32
      %mul3A_652 = arith.constant 16 : i32
      %mul3A_653 = arith.muli %add3A_591, %mul3A_652 : i32
      %add3A_654 = arith.constant 3 : i32
      %add3A_655 = arith.addi %mul3A_653, %add3A_654 : i32
      %jit3A_656 = arith.constant 10 : i32
      %eq3A_657 = arith.constant 0 : i32
      %eq3A_658 = arith.cmpi eq, %jit3A_656, %eq3A_657 : i32
      %jit3A_659 = arith.constant 1 : i32
      %select_n3A_660 = arith.select %eq3A_658, %jit3A_659, %jit3A_656 : i32
      %rem3A_661 = arith.remsi %add3A_655, %select_n3A_660 : i32
      %ne3A_662 = arith.constant 0 : i32
      %ne3A_663 = arith.cmpi ne, %rem3A_661, %ne3A_662 : i32
      %lt3A_664 = arith.constant 0 : i32
      %lt3A_665 = arith.cmpi slt, %rem3A_661, %lt3A_664 : i32
      %lt3A_666 = arith.constant 0 : i32
      %lt3A_667 = arith.cmpi slt, %select_n3A_660, %lt3A_666 : i32
      %ne3A_668 = arith.xori %lt3A_665, %lt3A_667 : i1
      %and3A_669 = arith.andi %ne3A_668, %ne3A_663 : i1
      %add3A_670 = arith.addi %rem3A_661, %select_n3A_660 : i32
      %select_n3A_671 = arith.select %and3A_669, %add3A_670, %rem3A_661 : i32
      %mul3A_672 = arith.constant 16 : i32
      %mul3A_673 = arith.muli %add3A_591, %mul3A_672 : i32
      %add3A_674 = arith.constant 4 : i32
      %add3A_675 = arith.addi %mul3A_673, %add3A_674 : i32
      %jit3A_676 = arith.constant 10 : i32
      %eq3A_677 = arith.constant 0 : i32
      %eq3A_678 = arith.cmpi eq, %jit3A_676, %eq3A_677 : i32
      %jit3A_679 = arith.constant 1 : i32
      %select_n3A_680 = arith.select %eq3A_678, %jit3A_679, %jit3A_676 : i32
      %rem3A_681 = arith.remsi %add3A_675, %select_n3A_680 : i32
      %ne3A_682 = arith.constant 0 : i32
      %ne3A_683 = arith.cmpi ne, %rem3A_681, %ne3A_682 : i32
      %lt3A_684 = arith.constant 0 : i32
      %lt3A_685 = arith.cmpi slt, %rem3A_681, %lt3A_684 : i32
      %lt3A_686 = arith.constant 0 : i32
      %lt3A_687 = arith.cmpi slt, %select_n3A_680, %lt3A_686 : i32
      %ne3A_688 = arith.xori %lt3A_685, %lt3A_687 : i1
      %and3A_689 = arith.andi %ne3A_688, %ne3A_683 : i1
      %add3A_690 = arith.addi %rem3A_681, %select_n3A_680 : i32
      %select_n3A_691 = arith.select %and3A_689, %add3A_690, %rem3A_681 : i32
      %mul3A_692 = arith.constant 16 : i32
      %mul3A_693 = arith.muli %add3A_591, %mul3A_692 : i32
      %add3A_694 = arith.constant 5 : i32
      %add3A_695 = arith.addi %mul3A_693, %add3A_694 : i32
      %jit3A_696 = arith.constant 10 : i32
      %eq3A_697 = arith.constant 0 : i32
      %eq3A_698 = arith.cmpi eq, %jit3A_696, %eq3A_697 : i32
      %jit3A_699 = arith.constant 1 : i32
      %select_n3A_700 = arith.select %eq3A_698, %jit3A_699, %jit3A_696 : i32
      %rem3A_701 = arith.remsi %add3A_695, %select_n3A_700 : i32
      %ne3A_702 = arith.constant 0 : i32
      %ne3A_703 = arith.cmpi ne, %rem3A_701, %ne3A_702 : i32
      %lt3A_704 = arith.constant 0 : i32
      %lt3A_705 = arith.cmpi slt, %rem3A_701, %lt3A_704 : i32
      %lt3A_706 = arith.constant 0 : i32
      %lt3A_707 = arith.cmpi slt, %select_n3A_700, %lt3A_706 : i32
      %ne3A_708 = arith.xori %lt3A_705, %lt3A_707 : i1
      %and3A_709 = arith.andi %ne3A_708, %ne3A_703 : i1
      %add3A_710 = arith.addi %rem3A_701, %select_n3A_700 : i32
      %select_n3A_711 = arith.select %and3A_709, %add3A_710, %rem3A_701 : i32
      %mul3A_712 = arith.constant 16 : i32
      %mul3A_713 = arith.muli %add3A_591, %mul3A_712 : i32
      %add3A_714 = arith.constant 6 : i32
      %add3A_715 = arith.addi %mul3A_713, %add3A_714 : i32
      %jit3A_716 = arith.constant 10 : i32
      %eq3A_717 = arith.constant 0 : i32
      %eq3A_718 = arith.cmpi eq, %jit3A_716, %eq3A_717 : i32
      %jit3A_719 = arith.constant 1 : i32
      %select_n3A_720 = arith.select %eq3A_718, %jit3A_719, %jit3A_716 : i32
      %rem3A_721 = arith.remsi %add3A_715, %select_n3A_720 : i32
      %ne3A_722 = arith.constant 0 : i32
      %ne3A_723 = arith.cmpi ne, %rem3A_721, %ne3A_722 : i32
      %lt3A_724 = arith.constant 0 : i32
      %lt3A_725 = arith.cmpi slt, %rem3A_721, %lt3A_724 : i32
      %lt3A_726 = arith.constant 0 : i32
      %lt3A_727 = arith.cmpi slt, %select_n3A_720, %lt3A_726 : i32
      %ne3A_728 = arith.xori %lt3A_725, %lt3A_727 : i1
      %and3A_729 = arith.andi %ne3A_728, %ne3A_723 : i1
      %add3A_730 = arith.addi %rem3A_721, %select_n3A_720 : i32
      %select_n3A_731 = arith.select %and3A_729, %add3A_730, %rem3A_721 : i32
      %mul3A_732 = arith.constant 16 : i32
      %mul3A_733 = arith.muli %add3A_591, %mul3A_732 : i32
      %add3A_734 = arith.constant 7 : i32
      %add3A_735 = arith.addi %mul3A_733, %add3A_734 : i32
      %jit3A_736 = arith.constant 10 : i32
      %eq3A_737 = arith.constant 0 : i32
      %eq3A_738 = arith.cmpi eq, %jit3A_736, %eq3A_737 : i32
      %jit3A_739 = arith.constant 1 : i32
      %select_n3A_740 = arith.select %eq3A_738, %jit3A_739, %jit3A_736 : i32
      %rem3A_741 = arith.remsi %add3A_735, %select_n3A_740 : i32
      %ne3A_742 = arith.constant 0 : i32
      %ne3A_743 = arith.cmpi ne, %rem3A_741, %ne3A_742 : i32
      %lt3A_744 = arith.constant 0 : i32
      %lt3A_745 = arith.cmpi slt, %rem3A_741, %lt3A_744 : i32
      %lt3A_746 = arith.constant 0 : i32
      %lt3A_747 = arith.cmpi slt, %select_n3A_740, %lt3A_746 : i32
      %ne3A_748 = arith.xori %lt3A_745, %lt3A_747 : i1
      %and3A_749 = arith.andi %ne3A_748, %ne3A_743 : i1
      %add3A_750 = arith.addi %rem3A_741, %select_n3A_740 : i32
      %select_n3A_751 = arith.select %and3A_749, %add3A_750, %rem3A_741 : i32
      %mul3A_752 = arith.constant 16 : i32
      %mul3A_753 = arith.muli %add3A_591, %mul3A_752 : i32
      %add3A_754 = arith.constant 8 : i32
      %add3A_755 = arith.addi %mul3A_753, %add3A_754 : i32
      %jit3A_756 = arith.constant 10 : i32
      %eq3A_757 = arith.constant 0 : i32
      %eq3A_758 = arith.cmpi eq, %jit3A_756, %eq3A_757 : i32
      %jit3A_759 = arith.constant 1 : i32
      %select_n3A_760 = arith.select %eq3A_758, %jit3A_759, %jit3A_756 : i32
      %rem3A_761 = arith.remsi %add3A_755, %select_n3A_760 : i32
      %ne3A_762 = arith.constant 0 : i32
      %ne3A_763 = arith.cmpi ne, %rem3A_761, %ne3A_762 : i32
      %lt3A_764 = arith.constant 0 : i32
      %lt3A_765 = arith.cmpi slt, %rem3A_761, %lt3A_764 : i32
      %lt3A_766 = arith.constant 0 : i32
      %lt3A_767 = arith.cmpi slt, %select_n3A_760, %lt3A_766 : i32
      %ne3A_768 = arith.xori %lt3A_765, %lt3A_767 : i1
      %and3A_769 = arith.andi %ne3A_768, %ne3A_763 : i1
      %add3A_770 = arith.addi %rem3A_761, %select_n3A_760 : i32
      %select_n3A_771 = arith.select %and3A_769, %add3A_770, %rem3A_761 : i32
      %mul3A_772 = arith.constant 16 : i32
      %mul3A_773 = arith.muli %add3A_591, %mul3A_772 : i32
      %add3A_774 = arith.constant 9 : i32
      %add3A_775 = arith.addi %mul3A_773, %add3A_774 : i32
      %jit3A_776 = arith.constant 10 : i32
      %eq3A_777 = arith.constant 0 : i32
      %eq3A_778 = arith.cmpi eq, %jit3A_776, %eq3A_777 : i32
      %jit3A_779 = arith.constant 1 : i32
      %select_n3A_780 = arith.select %eq3A_778, %jit3A_779, %jit3A_776 : i32
      %rem3A_781 = arith.remsi %add3A_775, %select_n3A_780 : i32
      %ne3A_782 = arith.constant 0 : i32
      %ne3A_783 = arith.cmpi ne, %rem3A_781, %ne3A_782 : i32
      %lt3A_784 = arith.constant 0 : i32
      %lt3A_785 = arith.cmpi slt, %rem3A_781, %lt3A_784 : i32
      %lt3A_786 = arith.constant 0 : i32
      %lt3A_787 = arith.cmpi slt, %select_n3A_780, %lt3A_786 : i32
      %ne3A_788 = arith.xori %lt3A_785, %lt3A_787 : i1
      %and3A_789 = arith.andi %ne3A_788, %ne3A_783 : i1
      %add3A_790 = arith.addi %rem3A_781, %select_n3A_780 : i32
      %select_n3A_791 = arith.select %and3A_789, %add3A_790, %rem3A_781 : i32
      %mul3A_792 = arith.constant 16 : i32
      %mul3A_793 = arith.muli %add3A_591, %mul3A_792 : i32
      %add3A_794 = arith.addi %mul3A_2, %mul3A_793 : i32
      %dma_wait3A_795 = arith.constant 0 : i32
      %dma_wait3A_796 = tpu.memref_slice %arg2[%add3A_794, %dma_wait3A_795] : memref<16384x2048xf32, #tpu.memory_space<hbm>> -> memref<16x2048xf32, #tpu.memory_space<hbm>>
      %dma_wait3A_797 = arith.constant 0 : i32
      %dma_wait3A_798 = tpu.memref_slice %arg2[%add3A_794, %dma_wait3A_797] : memref<16384x2048xf32, #tpu.memory_space<hbm>> -> memref<16x2048xf32, #tpu.memory_space<hbm>>
      tpu.wait_dma2 semaphore(%arg11 : memref<!tpu.dma_semaphore, #tpu.memory_space<semaphore_mem>>) src(%dma_wait3A_798 : memref<16x2048xf32, #tpu.memory_space<hbm>>) dst(%arg8 : memref<16x2048xf32, #tpu.memory_space<vmem>>)
      %scan3A_799 = arith.constant 0 : i32
      %scan3A_800 = arith.constant 128 : i32
      %scan3A_801 = arith.addi %scan3A_799, %scan3A_800 : i32
      %scan3A_802 = arith.constant 1 : i32
      scf.for %scan3A_831 = %scan3A_799 to %scan3A_801 step %scan3A_802  : i32 {
        %mul3A_832 = arith.constant 1 : i32
        %mul3A_833 = arith.muli %scan3A_831, %mul3A_832 : i32
        %add3A_834 = arith.constant 0 : i32
        %add3A_835 = arith.addi %add3A_834, %mul3A_833 : i32
        %mul3A_836 = arith.constant 16 : i32
        %mul3A_837 = arith.muli %add3A_835, %mul3A_836 : i32
        %get3A = arith.index_cast %select_n3A_611 : i32 to index
        %get3A_838 = arith.index_cast %mul3A_837 : i32 to index
        %get3A_839 = tpu.vector_load %arg5[%get3A, %get3A_838] {strides = array<i32>} : memref<10x2048xf32, #tpu.memory_space<vmem>>, vector<1x16xf32>,
        %get3A_840 = vector.shape_cast %get3A_839 : vector<1x16xf32> to vector<16xf32>
        %get3A_841 = arith.index_cast %select_n3A_631 : i32 to index
        %get3A_842 = arith.index_cast %mul3A_837 : i32 to index
        %get3A_843 = tpu.vector_load %arg5[%get3A_841, %get3A_842] {strides = array<i32>} : memref<10x2048xf32, #tpu.memory_space<vmem>>, vector<1x16xf32>,
        %get3A_844 = vector.shape_cast %get3A_843 : vector<1x16xf32> to vector<16xf32>
        %get3A_845 = arith.index_cast %select_n3A_651 : i32 to index
        %get3A_846 = arith.index_cast %mul3A_837 : i32 to index
        %get3A_847 = tpu.vector_load %arg5[%get3A_845, %get3A_846] {strides = array<i32>} : memref<10x2048xf32, #tpu.memory_space<vmem>>, vector<1x16xf32>,
        %get3A_848 = vector.shape_cast %get3A_847 : vector<1x16xf32> to vector<16xf32>
        %get3A_849 = arith.index_cast %select_n3A_671 : i32 to index
        %get3A_850 = arith.index_cast %mul3A_837 : i32 to index
        %get3A_851 = tpu.vector_load %arg5[%get3A_849, %get3A_850] {strides = array<i32>} : memref<10x2048xf32, #tpu.memory_space<vmem>>, vector<1x16xf32>,
        %get3A_852 = vector.shape_cast %get3A_851 : vector<1x16xf32> to vector<16xf32>
        %get3A_853 = arith.index_cast %select_n3A_691 : i32 to index
        %get3A_854 = arith.index_cast %mul3A_837 : i32 to index
        %get3A_855 = tpu.vector_load %arg5[%get3A_853, %get3A_854] {strides = array<i32>} : memref<10x2048xf32, #tpu.memory_space<vmem>>, vector<1x16xf32>,
        %get3A_856 = vector.shape_cast %get3A_855 : vector<1x16xf32> to vector<16xf32>
        %get3A_857 = arith.index_cast %select_n3A_711 : i32 to index
        %get3A_858 = arith.index_cast %mul3A_837 : i32 to index
        %get3A_859 = tpu.vector_load %arg5[%get3A_857, %get3A_858] {strides = array<i32>} : memref<10x2048xf32, #tpu.memory_space<vmem>>, vector<1x16xf32>,
        %get3A_860 = vector.shape_cast %get3A_859 : vector<1x16xf32> to vector<16xf32>
        %get3A_861 = arith.index_cast %select_n3A_731 : i32 to index
        %get3A_862 = arith.index_cast %mul3A_837 : i32 to index
        %get3A_863 = tpu.vector_load %arg5[%get3A_861, %get3A_862] {strides = array<i32>} : memref<10x2048xf32, #tpu.memory_space<vmem>>, vector<1x16xf32>,
        %get3A_864 = vector.shape_cast %get3A_863 : vector<1x16xf32> to vector<16xf32>
        %get3A_865 = arith.index_cast %select_n3A_751 : i32 to index
        %get3A_866 = arith.index_cast %mul3A_837 : i32 to index
        %get3A_867 = tpu.vector_load %arg5[%get3A_865, %get3A_866] {strides = array<i32>} : memref<10x2048xf32, #tpu.memory_space<vmem>>, vector<1x16xf32>,
        %get3A_868 = vector.shape_cast %get3A_867 : vector<1x16xf32> to vector<16xf32>
        %get3A_869 = arith.index_cast %select_n3A_771 : i32 to index
        %get3A_870 = arith.index_cast %mul3A_837 : i32 to index
        %get3A_871 = tpu.vector_load %arg5[%get3A_869, %get3A_870] {strides = array<i32>} : memref<10x2048xf32, #tpu.memory_space<vmem>>, vector<1x16xf32>,
        %get3A_872 = vector.shape_cast %get3A_871 : vector<1x16xf32> to vector<16xf32>
        %get3A_873 = arith.index_cast %select_n3A_791 : i32 to index
        %get3A_874 = arith.index_cast %mul3A_837 : i32 to index
        %get3A_875 = tpu.vector_load %arg5[%get3A_873, %get3A_874] {strides = array<i32>} : memref<10x2048xf32, #tpu.memory_space<vmem>>, vector<1x16xf32>,
        %get3A_876 = vector.shape_cast %get3A_875 : vector<1x16xf32> to vector<16xf32>
        %swap3A = arith.constant 0 : i32
        %swap3A_877 = arith.index_cast %swap3A : i32 to index
        %swap3A_878 = arith.index_cast %mul3A_837 : i32 to index
        %swap3A_879 = tpu.vector_load %arg8[%swap3A_877, %swap3A_878] {strides = array<i32>} : memref<16x2048xf32, #tpu.memory_space<vmem>>, vector<1x16xf32>,
        %swap3A_880 = vector.shape_cast %swap3A_879 : vector<1x16xf32> to vector<16xf32>
        %swap3A_881 = vector.shape_cast %get3A_840 : vector<16xf32> to vector<1x16xf32>
        tpu.vector_store %arg8[%swap3A_877, %swap3A_878], %swap3A_881 {add = true, strides = array<i32>} : memref<16x2048xf32, #tpu.memory_space<vmem>>, vector<1x16xf32>,
        %swap3A_882 = arith.constant 1 : i32
        %swap3A_883 = arith.index_cast %swap3A_882 : i32 to index
        %swap3A_884 = arith.index_cast %mul3A_837 : i32 to index
        %swap3A_885 = tpu.vector_load %arg8[%swap3A_883, %swap3A_884] {strides = array<i32>} : memref<16x2048xf32, #tpu.memory_space<vmem>>, vector<1x16xf32>,
        %swap3A_886 = vector.shape_cast %swap3A_885 : vector<1x16xf32> to vector<16xf32>
        %swap3A_887 = vector.shape_cast %get3A_844 : vector<16xf32> to vector<1x16xf32>
        tpu.vector_store %arg8[%swap3A_883, %swap3A_884], %swap3A_887 {add = true, strides = array<i32>} : memref<16x2048xf32, #tpu.memory_space<vmem>>, vector<1x16xf32>,
        %swap3A_888 = arith.constant 2 : i32
        %swap3A_889 = arith.index_cast %swap3A_888 : i32 to index
        %swap3A_890 = arith.index_cast %mul3A_837 : i32 to index
        %swap3A_891 = tpu.vector_load %arg8[%swap3A_889, %swap3A_890] {strides = array<i32>} : memref<16x2048xf32, #tpu.memory_space<vmem>>, vector<1x16xf32>,
        %swap3A_892 = vector.shape_cast %swap3A_891 : vector<1x16xf32> to vector<16xf32>
        %swap3A_893 = vector.shape_cast %get3A_848 : vector<16xf32> to vector<1x16xf32>
        tpu.vector_store %arg8[%swap3A_889, %swap3A_890], %swap3A_893 {add = true, strides = array<i32>} : memref<16x2048xf32, #tpu.memory_space<vmem>>, vector<1x16xf32>,
        %swap3A_894 = arith.constant 3 : i32
        %swap3A_895 = arith.index_cast %swap3A_894 : i32 to index
        %swap3A_896 = arith.index_cast %mul3A_837 : i32 to index
        %swap3A_897 = tpu.vector_load %arg8[%swap3A_895, %swap3A_896] {strides = array<i32>} : memref<16x2048xf32, #tpu.memory_space<vmem>>, vector<1x16xf32>,
        %swap3A_898 = vector.shape_cast %swap3A_897 : vector<1x16xf32> to vector<16xf32>
        %swap3A_899 = vector.shape_cast %get3A_852 : vector<16xf32> to vector<1x16xf32>
        tpu.vector_store %arg8[%swap3A_895, %swap3A_896], %swap3A_899 {add = true, strides = array<i32>} : memref<16x2048xf32, #tpu.memory_space<vmem>>, vector<1x16xf32>,
        %swap3A_900 = arith.constant 4 : i32
        %swap3A_901 = arith.index_cast %swap3A_900 : i32 to index
        %swap3A_902 = arith.index_cast %mul3A_837 : i32 to index
        %swap3A_903 = tpu.vector_load %arg8[%swap3A_901, %swap3A_902] {strides = array<i32>} : memref<16x2048xf32, #tpu.memory_space<vmem>>, vector<1x16xf32>,
        %swap3A_904 = vector.shape_cast %swap3A_903 : vector<1x16xf32> to vector<16xf32>
        %swap3A_905 = vector.shape_cast %get3A_856 : vector<16xf32> to vector<1x16xf32>
        tpu.vector_store %arg8[%swap3A_901, %swap3A_902], %swap3A_905 {add = true, strides = array<i32>} : memref<16x2048xf32, #tpu.memory_space<vmem>>, vector<1x16xf32>,
        %swap3A_906 = arith.constant 5 : i32
        %swap3A_907 = arith.index_cast %swap3A_906 : i32 to index
        %swap3A_908 = arith.index_cast %mul3A_837 : i32 to index
        %swap3A_909 = tpu.vector_load %arg8[%swap3A_907, %swap3A_908] {strides = array<i32>} : memref<16x2048xf32, #tpu.memory_space<vmem>>, vector<1x16xf32>,
        %swap3A_910 = vector.shape_cast %swap3A_909 : vector<1x16xf32> to vector<16xf32>
        %swap3A_911 = vector.shape_cast %get3A_860 : vector<16xf32> to vector<1x16xf32>
        tpu.vector_store %arg8[%swap3A_907, %swap3A_908], %swap3A_911 {add = true, strides = array<i32>} : memref<16x2048xf32, #tpu.memory_space<vmem>>, vector<1x16xf32>,
        %swap3A_912 = arith.constant 6 : i32
        %swap3A_913 = arith.index_cast %swap3A_912 : i32 to index
        %swap3A_914 = arith.index_cast %mul3A_837 : i32 to index
        %swap3A_915 = tpu.vector_load %arg8[%swap3A_913, %swap3A_914] {strides = array<i32>} : memref<16x2048xf32, #tpu.memory_space<vmem>>, vector<1x16xf32>,
        %swap3A_916 = vector.shape_cast %swap3A_915 : vector<1x16xf32> to vector<16xf32>
        %swap3A_917 = vector.shape_cast %get3A_864 : vector<16xf32> to vector<1x16xf32>
        tpu.vector_store %arg8[%swap3A_913, %swap3A_914], %swap3A_917 {add = true, strides = array<i32>} : memref<16x2048xf32, #tpu.memory_space<vmem>>, vector<1x16xf32>,
        %swap3A_918 = arith.constant 7 : i32
        %swap3A_919 = arith.index_cast %swap3A_918 : i32 to index
        %swap3A_920 = arith.index_cast %mul3A_837 : i32 to index
        %swap3A_921 = tpu.vector_load %arg8[%swap3A_919, %swap3A_920] {strides = array<i32>} : memref<16x2048xf32, #tpu.memory_space<vmem>>, vector<1x16xf32>,
        %swap3A_922 = vector.shape_cast %swap3A_921 : vector<1x16xf32> to vector<16xf32>
        %swap3A_923 = vector.shape_cast %get3A_868 : vector<16xf32> to vector<1x16xf32>
        tpu.vector_store %arg8[%swap3A_919, %swap3A_920], %swap3A_923 {add = true, strides = array<i32>} : memref<16x2048xf32, #tpu.memory_space<vmem>>, vector<1x16xf32>,
        %swap3A_924 = arith.constant 8 : i32
        %swap3A_925 = arith.index_cast %swap3A_924 : i32 to index
        %swap3A_926 = arith.index_cast %mul3A_837 : i32 to index
        %swap3A_927 = tpu.vector_load %arg8[%swap3A_925, %swap3A_926] {strides = array<i32>} : memref<16x2048xf32, #tpu.memory_space<vmem>>, vector<1x16xf32>,
        %swap3A_928 = vector.shape_cast %swap3A_927 : vector<1x16xf32> to vector<16xf32>
        %swap3A_929 = vector.shape_cast %get3A_872 : vector<16xf32> to vector<1x16xf32>
        tpu.vector_store %arg8[%swap3A_925, %swap3A_926], %swap3A_929 {add = true, strides = array<i32>} : memref<16x2048xf32, #tpu.memory_space<vmem>>, vector<1x16xf32>,
        %swap3A_930 = arith.constant 9 : i32
        %swap3A_931 = arith.index_cast %swap3A_930 : i32 to index
        %swap3A_932 = arith.index_cast %mul3A_837 : i32 to index
        %swap3A_933 = tpu.vector_load %arg8[%swap3A_931, %swap3A_932] {strides = array<i32>} : memref<16x2048xf32, #tpu.memory_space<vmem>>, vector<1x16xf32>,
        %swap3A_934 = vector.shape_cast %swap3A_933 : vector<1x16xf32> to vector<16xf32>
        %swap3A_935 = vector.shape_cast %get3A_876 : vector<16xf32> to vector<1x16xf32>
        tpu.vector_store %arg8[%swap3A_931, %swap3A_932], %swap3A_935 {add = true, strides = array<i32>} : memref<16x2048xf32, #tpu.memory_space<vmem>>, vector<1x16xf32>,
        %swap3A_936 = arith.constant 10 : i32
        %swap3A_937 = arith.index_cast %swap3A_936 : i32 to index
        %swap3A_938 = arith.index_cast %mul3A_837 : i32 to index
        %swap3A_939 = tpu.vector_load %arg8[%swap3A_937, %swap3A_938] {strides = array<i32>} : memref<16x2048xf32, #tpu.memory_space<vmem>>, vector<1x16xf32>,
        %swap3A_940 = vector.shape_cast %swap3A_939 : vector<1x16xf32> to vector<16xf32>
        %swap3A_941 = vector.shape_cast %get3A_840 : vector<16xf32> to vector<1x16xf32>
        tpu.vector_store %arg8[%swap3A_937, %swap3A_938], %swap3A_941 {add = true, strides = array<i32>} : memref<16x2048xf32, #tpu.memory_space<vmem>>, vector<1x16xf32>,
        %swap3A_942 = arith.constant 11 : i32
        %swap3A_943 = arith.index_cast %swap3A_942 : i32 to index
        %swap3A_944 = arith.index_cast %mul3A_837 : i32 to index
        %swap3A_945 = tpu.vector_load %arg8[%swap3A_943, %swap3A_944] {strides = array<i32>} : memref<16x2048xf32, #tpu.memory_space<vmem>>, vector<1x16xf32>,
        %swap3A_946 = vector.shape_cast %swap3A_945 : vector<1x16xf32> to vector<16xf32>
        %swap3A_947 = vector.shape_cast %get3A_844 : vector<16xf32> to vector<1x16xf32>
        tpu.vector_store %arg8[%swap3A_943, %swap3A_944], %swap3A_947 {add = true, strides = array<i32>} : memref<16x2048xf32, #tpu.memory_space<vmem>>, vector<1x16xf32>,
        %swap3A_948 = arith.constant 12 : i32
        %swap3A_949 = arith.index_cast %swap3A_948 : i32 to index
        %swap3A_950 = arith.index_cast %mul3A_837 : i32 to index
        %swap3A_951 = tpu.vector_load %arg8[%swap3A_949, %swap3A_950] {strides = array<i32>} : memref<16x2048xf32, #tpu.memory_space<vmem>>, vector<1x16xf32>,
        %swap3A_952 = vector.shape_cast %swap3A_951 : vector<1x16xf32> to vector<16xf32>
        %swap3A_953 = vector.shape_cast %get3A_848 : vector<16xf32> to vector<1x16xf32>
        tpu.vector_store %arg8[%swap3A_949, %swap3A_950], %swap3A_953 {add = true, strides = array<i32>} : memref<16x2048xf32, #tpu.memory_space<vmem>>, vector<1x16xf32>,
        %swap3A_954 = arith.constant 13 : i32
        %swap3A_955 = arith.index_cast %swap3A_954 : i32 to index
        %swap3A_956 = arith.index_cast %mul3A_837 : i32 to index
        %swap3A_957 = tpu.vector_load %arg8[%swap3A_955, %swap3A_956] {strides = array<i32>} : memref<16x2048xf32, #tpu.memory_space<vmem>>, vector<1x16xf32>,
        %swap3A_958 = vector.shape_cast %swap3A_957 : vector<1x16xf32> to vector<16xf32>
        %swap3A_959 = vector.shape_cast %get3A_852 : vector<16xf32> to vector<1x16xf32>
        tpu.vector_store %arg8[%swap3A_955, %swap3A_956], %swap3A_959 {add = true, strides = array<i32>} : memref<16x2048xf32, #tpu.memory_space<vmem>>, vector<1x16xf32>,
        %swap3A_960 = arith.constant 14 : i32
        %swap3A_961 = arith.index_cast %swap3A_960 : i32 to index
        %swap3A_962 = arith.index_cast %mul3A_837 : i32 to index
        %swap3A_963 = tpu.vector_load %arg8[%swap3A_961, %swap3A_962] {strides = array<i32>} : memref<16x2048xf32, #tpu.memory_space<vmem>>, vector<1x16xf32>,
        %swap3A_964 = vector.shape_cast %swap3A_963 : vector<1x16xf32> to vector<16xf32>
        %swap3A_965 = vector.shape_cast %get3A_856 : vector<16xf32> to vector<1x16xf32>
        tpu.vector_store %arg8[%swap3A_961, %swap3A_962], %swap3A_965 {add = true, strides = array<i32>} : memref<16x2048xf32, #tpu.memory_space<vmem>>, vector<1x16xf32>,
        %swap3A_966 = arith.constant 15 : i32
        %swap3A_967 = arith.index_cast %swap3A_966 : i32 to index
        %swap3A_968 = arith.index_cast %mul3A_837 : i32 to index
        %swap3A_969 = tpu.vector_load %arg8[%swap3A_967, %swap3A_968] {strides = array<i32>} : memref<16x2048xf32, #tpu.memory_space<vmem>>, vector<1x16xf32>,
        %swap3A_970 = vector.shape_cast %swap3A_969 : vector<1x16xf32> to vector<16xf32>
        %swap3A_971 = vector.shape_cast %get3A_860 : vector<16xf32> to vector<1x16xf32>
        tpu.vector_store %arg8[%swap3A_967, %swap3A_968], %swap3A_971 {add = true, strides = array<i32>} : memref<16x2048xf32, #tpu.memory_space<vmem>>, vector<1x16xf32>,
      }
      %scan3A_803 = arith.constant 128 : i32
      %mul3A_804 = arith.constant 16 : i32
      %mul3A_805 = arith.muli %add3A_591, %mul3A_804 : i32
      %add3A_806 = arith.addi %mul3A_2, %mul3A_805 : i32
      %dma_start3A_807 = arith.constant 0 : i32
      %dma_start3A_808 = tpu.memref_slice %arg4[%add3A_806, %dma_start3A_807] : memref<16384x2048xf32, #tpu.memory_space<hbm>> -> memref<16x2048xf32, #tpu.memory_space<hbm>>
      %dma_start3A_809 = arith.constant 0 : i32
      %dma_start3A_810 = tpu.memref_slice %arg4[%add3A_806, %dma_start3A_809] : memref<16384x2048xf32, #tpu.memory_space<hbm>> -> memref<16x2048xf32, #tpu.memory_space<hbm>>
      tpu.enqueue_dma source(%arg8 : memref<16x2048xf32, #tpu.memory_space<vmem>>) target(%dma_start3A_810 : memref<16x2048xf32, #tpu.memory_space<hbm>>) target_semaphore(%arg14 : memref<!tpu.dma_semaphore, #tpu.memory_space<semaphore_mem>>)
      %sub3A_811 = arith.constant 1 : i32
      %sub3A_812 = arith.subi %add3A_591, %sub3A_811 : i32
      %mul3A_813 = arith.constant 16 : i32
      %mul3A_814 = arith.muli %sub3A_812, %mul3A_813 : i32
      %add3A_815 = arith.addi %mul3A_2, %mul3A_814 : i32
      %dma_wait3A_816 = arith.constant 0 : i32
      %dma_wait3A_817 = tpu.memref_slice %arg4[%add3A_815, %dma_wait3A_816] : memref<16384x2048xf32, #tpu.memory_space<hbm>> -> memref<16x2048xf32, #tpu.memory_space<hbm>>
      %dma_wait3A_818 = arith.constant 0 : i32
      %dma_wait3A_819 = tpu.memref_slice %arg4[%add3A_815, %dma_wait3A_818] : memref<16384x2048xf32, #tpu.memory_space<hbm>> -> memref<16x2048xf32, #tpu.memory_space<hbm>>
      tpu.wait_dma2 semaphore(%arg13 : memref<!tpu.dma_semaphore, #tpu.memory_space<semaphore_mem>>) src(%arg7 : memref<16x2048xf32, #tpu.memory_space<vmem>>) dst(%dma_wait3A_819 : memref<16x2048xf32, #tpu.memory_space<hbm>>)
      %add3A_820 = arith.constant 3 : i32
      %add3A_821 = arith.addi %add3A_591, %add3A_820 : i32
      %sub3A_822 = arith.constant 1 : i32
      %sub3A_823 = arith.subi %add3A_821, %sub3A_822 : i32
      %mul3A_824 = arith.constant 16 : i32
      %mul3A_825 = arith.muli %sub3A_823, %mul3A_824 : i32
      %add3A_826 = arith.addi %mul3A_2, %mul3A_825 : i32
      %dma_start3A_827 = arith.constant 0 : i32
      %dma_start3A_828 = tpu.memref_slice %arg2[%add3A_826, %dma_start3A_827] : memref<16384x2048xf32, #tpu.memory_space<hbm>> -> memref<16x2048xf32, #tpu.memory_space<hbm>>
      %dma_start3A_829 = arith.constant 0 : i32
      %dma_start3A_830 = tpu.memref_slice %arg2[%add3A_826, %dma_start3A_829] : memref<16384x2048xf32, #tpu.memory_space<hbm>> -> memref<16x2048xf32, #tpu.memory_space<hbm>>
      tpu.enqueue_dma source(%dma_start3A_830 : memref<16x2048xf32, #tpu.memory_space<hbm>>) target(%arg7 : memref<16x2048xf32, #tpu.memory_space<vmem>>) target_semaphore(%arg10 : memref<!tpu.dma_semaphore, #tpu.memory_space<semaphore_mem>>)
    }
    %scan3A_63 = arith.constant 10 : i32
    %add3A_64 = arith.constant 480 : i32
    %add3A_65 = arith.addi %mul3A_2, %add3A_64 : i32
    %dma_wait3A = arith.constant 0 : i32
    %dma_wait3A_66 = tpu.memref_slice %arg2[%add3A_65, %dma_wait3A] : memref<16384x2048xf32, #tpu.memory_space<hbm>> -> memref<16x2048xf32, #tpu.memory_space<hbm>>
    %dma_wait3A_67 = arith.constant 0 : i32
    %dma_wait3A_68 = tpu.memref_slice %arg2[%add3A_65, %dma_wait3A_67] : memref<16384x2048xf32, #tpu.memory_space<hbm>> -> memref<16x2048xf32, #tpu.memory_space<hbm>>
    tpu.wait_dma2 semaphore(%arg9 : memref<!tpu.dma_semaphore, #tpu.memory_space<semaphore_mem>>) src(%dma_wait3A_68 : memref<16x2048xf32, #tpu.memory_space<hbm>>) dst(%arg6 : memref<16x2048xf32, #tpu.memory_space<vmem>>)
    %scan3A_69 = arith.constant 0 : i32
    %scan3A_70 = arith.constant 128 : i32
    %scan3A_71 = arith.addi %scan3A_69, %scan3A_70 : i32
    %scan3A_72 = arith.constant 1 : i32
    scf.for %scan3A_115 = %scan3A_69 to %scan3A_71 step %scan3A_72  : i32 {
      %mul3A_116 = arith.constant 1 : i32
      %mul3A_117 = arith.muli %scan3A_115, %mul3A_116 : i32
      %add3A_118 = arith.constant 0 : i32
      %add3A_119 = arith.addi %add3A_118, %mul3A_117 : i32
      %mul3A_120 = arith.constant 16 : i32
      %mul3A_121 = arith.muli %add3A_119, %mul3A_120 : i32
      %get3A = arith.constant 0 : i32
      %get3A_122 = arith.index_cast %get3A : i32 to index
      %get3A_123 = arith.index_cast %mul3A_121 : i32 to index
      %get3A_124 = tpu.vector_load %arg5[%get3A_122, %get3A_123] {strides = array<i32>} : memref<10x2048xf32, #tpu.memory_space<vmem>>, vector<1x16xf32>,
      %get3A_125 = vector.shape_cast %get3A_124 : vector<1x16xf32> to vector<16xf32>
      %get3A_126 = arith.constant 1 : i32
      %get3A_127 = arith.index_cast %get3A_126 : i32 to index
      %get3A_128 = arith.index_cast %mul3A_121 : i32 to index
      %get3A_129 = tpu.vector_load %arg5[%get3A_127, %get3A_128] {strides = array<i32>} : memref<10x2048xf32, #tpu.memory_space<vmem>>, vector<1x16xf32>,
      %get3A_130 = vector.shape_cast %get3A_129 : vector<1x16xf32> to vector<16xf32>
      %get3A_131 = arith.constant 2 : i32
      %get3A_132 = arith.index_cast %get3A_131 : i32 to index
      %get3A_133 = arith.index_cast %mul3A_121 : i32 to index
      %get3A_134 = tpu.vector_load %arg5[%get3A_132, %get3A_133] {strides = array<i32>} : memref<10x2048xf32, #tpu.memory_space<vmem>>, vector<1x16xf32>,
      %get3A_135 = vector.shape_cast %get3A_134 : vector<1x16xf32> to vector<16xf32>
      %get3A_136 = arith.constant 3 : i32
      %get3A_137 = arith.index_cast %get3A_136 : i32 to index
      %get3A_138 = arith.index_cast %mul3A_121 : i32 to index
      %get3A_139 = tpu.vector_load %arg5[%get3A_137, %get3A_138] {strides = array<i32>} : memref<10x2048xf32, #tpu.memory_space<vmem>>, vector<1x16xf32>,
      %get3A_140 = vector.shape_cast %get3A_139 : vector<1x16xf32> to vector<16xf32>
      %get3A_141 = arith.constant 4 : i32
      %get3A_142 = arith.index_cast %get3A_141 : i32 to index
      %get3A_143 = arith.index_cast %mul3A_121 : i32 to index
      %get3A_144 = tpu.vector_load %arg5[%get3A_142, %get3A_143] {strides = array<i32>} : memref<10x2048xf32, #tpu.memory_space<vmem>>, vector<1x16xf32>,
      %get3A_145 = vector.shape_cast %get3A_144 : vector<1x16xf32> to vector<16xf32>
      %get3A_146 = arith.constant 5 : i32
      %get3A_147 = arith.index_cast %get3A_146 : i32 to index
      %get3A_148 = arith.index_cast %mul3A_121 : i32 to index
      %get3A_149 = tpu.vector_load %arg5[%get3A_147, %get3A_148] {strides = array<i32>} : memref<10x2048xf32, #tpu.memory_space<vmem>>, vector<1x16xf32>,
      %get3A_150 = vector.shape_cast %get3A_149 : vector<1x16xf32> to vector<16xf32>
      %get3A_151 = arith.constant 6 : i32
      %get3A_152 = arith.index_cast %get3A_151 : i32 to index
      %get3A_153 = arith.index_cast %mul3A_121 : i32 to index
      %get3A_154 = tpu.vector_load %arg5[%get3A_152, %get3A_153] {strides = array<i32>} : memref<10x2048xf32, #tpu.memory_space<vmem>>, vector<1x16xf32>,
      %get3A_155 = vector.shape_cast %get3A_154 : vector<1x16xf32> to vector<16xf32>
      %get3A_156 = arith.constant 7 : i32
      %get3A_157 = arith.index_cast %get3A_156 : i32 to index
      %get3A_158 = arith.index_cast %mul3A_121 : i32 to index
      %get3A_159 = tpu.vector_load %arg5[%get3A_157, %get3A_158] {strides = array<i32>} : memref<10x2048xf32, #tpu.memory_space<vmem>>, vector<1x16xf32>,
      %get3A_160 = vector.shape_cast %get3A_159 : vector<1x16xf32> to vector<16xf32>
      %get3A_161 = arith.constant 8 : i32
      %get3A_162 = arith.index_cast %get3A_161 : i32 to index
      %get3A_163 = arith.index_cast %mul3A_121 : i32 to index
      %get3A_164 = tpu.vector_load %arg5[%get3A_162, %get3A_163] {strides = array<i32>} : memref<10x2048xf32, #tpu.memory_space<vmem>>, vector<1x16xf32>,
      %get3A_165 = vector.shape_cast %get3A_164 : vector<1x16xf32> to vector<16xf32>
      %get3A_166 = arith.constant 9 : i32
      %get3A_167 = arith.index_cast %get3A_166 : i32 to index
      %get3A_168 = arith.index_cast %mul3A_121 : i32 to index
      %get3A_169 = tpu.vector_load %arg5[%get3A_167, %get3A_168] {strides = array<i32>} : memref<10x2048xf32, #tpu.memory_space<vmem>>, vector<1x16xf32>,
      %get3A_170 = vector.shape_cast %get3A_169 : vector<1x16xf32> to vector<16xf32>
      %swap3A = arith.constant 0 : i32
      %swap3A_171 = arith.index_cast %swap3A : i32 to index
      %swap3A_172 = arith.index_cast %mul3A_121 : i32 to index
      %swap3A_173 = tpu.vector_load %arg6[%swap3A_171, %swap3A_172] {strides = array<i32>} : memref<16x2048xf32, #tpu.memory_space<vmem>>, vector<1x16xf32>,
      %swap3A_174 = vector.shape_cast %swap3A_173 : vector<1x16xf32> to vector<16xf32>
      %swap3A_175 = vector.shape_cast %get3A_125 : vector<16xf32> to vector<1x16xf32>
      tpu.vector_store %arg6[%swap3A_171, %swap3A_172], %swap3A_175 {add = true, strides = array<i32>} : memref<16x2048xf32, #tpu.memory_space<vmem>>, vector<1x16xf32>,
      %swap3A_176 = arith.constant 1 : i32
      %swap3A_177 = arith.index_cast %swap3A_176 : i32 to index
      %swap3A_178 = arith.index_cast %mul3A_121 : i32 to index
      %swap3A_179 = tpu.vector_load %arg6[%swap3A_177, %swap3A_178] {strides = array<i32>} : memref<16x2048xf32, #tpu.memory_space<vmem>>, vector<1x16xf32>,
      %swap3A_180 = vector.shape_cast %swap3A_179 : vector<1x16xf32> to vector<16xf32>
      %swap3A_181 = vector.shape_cast %get3A_130 : vector<16xf32> to vector<1x16xf32>
      tpu.vector_store %arg6[%swap3A_177, %swap3A_178], %swap3A_181 {add = true, strides = array<i32>} : memref<16x2048xf32, #tpu.memory_space<vmem>>, vector<1x16xf32>,
      %swap3A_182 = arith.constant 2 : i32
      %swap3A_183 = arith.index_cast %swap3A_182 : i32 to index
      %swap3A_184 = arith.index_cast %mul3A_121 : i32 to index
      %swap3A_185 = tpu.vector_load %arg6[%swap3A_183, %swap3A_184] {strides = array<i32>} : memref<16x2048xf32, #tpu.memory_space<vmem>>, vector<1x16xf32>,
      %swap3A_186 = vector.shape_cast %swap3A_185 : vector<1x16xf32> to vector<16xf32>
      %swap3A_187 = vector.shape_cast %get3A_135 : vector<16xf32> to vector<1x16xf32>
      tpu.vector_store %arg6[%swap3A_183, %swap3A_184], %swap3A_187 {add = true, strides = array<i32>} : memref<16x2048xf32, #tpu.memory_space<vmem>>, vector<1x16xf32>,
      %swap3A_188 = arith.constant 3 : i32
      %swap3A_189 = arith.index_cast %swap3A_188 : i32 to index
      %swap3A_190 = arith.index_cast %mul3A_121 : i32 to index
      %swap3A_191 = tpu.vector_load %arg6[%swap3A_189, %swap3A_190] {strides = array<i32>} : memref<16x2048xf32, #tpu.memory_space<vmem>>, vector<1x16xf32>,
      %swap3A_192 = vector.shape_cast %swap3A_191 : vector<1x16xf32> to vector<16xf32>
      %swap3A_193 = vector.shape_cast %get3A_140 : vector<16xf32> to vector<1x16xf32>
      tpu.vector_store %arg6[%swap3A_189, %swap3A_190], %swap3A_193 {add = true, strides = array<i32>} : memref<16x2048xf32, #tpu.memory_space<vmem>>, vector<1x16xf32>,
      %swap3A_194 = arith.constant 4 : i32
      %swap3A_195 = arith.index_cast %swap3A_194 : i32 to index
      %swap3A_196 = arith.index_cast %mul3A_121 : i32 to index
      %swap3A_197 = tpu.vector_load %arg6[%swap3A_195, %swap3A_196] {strides = array<i32>} : memref<16x2048xf32, #tpu.memory_space<vmem>>, vector<1x16xf32>,
      %swap3A_198 = vector.shape_cast %swap3A_197 : vector<1x16xf32> to vector<16xf32>
      %swap3A_199 = vector.shape_cast %get3A_145 : vector<16xf32> to vector<1x16xf32>
      tpu.vector_store %arg6[%swap3A_195, %swap3A_196], %swap3A_199 {add = true, strides = array<i32>} : memref<16x2048xf32, #tpu.memory_space<vmem>>, vector<1x16xf32>,
      %swap3A_200 = arith.constant 5 : i32
      %swap3A_201 = arith.index_cast %swap3A_200 : i32 to index
      %swap3A_202 = arith.index_cast %mul3A_121 : i32 to index
      %swap3A_203 = tpu.vector_load %arg6[%swap3A_201, %swap3A_202] {strides = array<i32>} : memref<16x2048xf32, #tpu.memory_space<vmem>>, vector<1x16xf32>,
      %swap3A_204 = vector.shape_cast %swap3A_203 : vector<1x16xf32> to vector<16xf32>
      %swap3A_205 = vector.shape_cast %get3A_150 : vector<16xf32> to vector<1x16xf32>
      tpu.vector_store %arg6[%swap3A_201, %swap3A_202], %swap3A_205 {add = true, strides = array<i32>} : memref<16x2048xf32, #tpu.memory_space<vmem>>, vector<1x16xf32>,
      %swap3A_206 = arith.constant 6 : i32
      %swap3A_207 = arith.index_cast %swap3A_206 : i32 to index
      %swap3A_208 = arith.index_cast %mul3A_121 : i32 to index
      %swap3A_209 = tpu.vector_load %arg6[%swap3A_207, %swap3A_208] {strides = array<i32>} : memref<16x2048xf32, #tpu.memory_space<vmem>>, vector<1x16xf32>,
      %swap3A_210 = vector.shape_cast %swap3A_209 : vector<1x16xf32> to vector<16xf32>
      %swap3A_211 = vector.shape_cast %get3A_155 : vector<16xf32> to vector<1x16xf32>
      tpu.vector_store %arg6[%swap3A_207, %swap3A_208], %swap3A_211 {add = true, strides = array<i32>} : memref<16x2048xf32, #tpu.memory_space<vmem>>, vector<1x16xf32>,
      %swap3A_212 = arith.constant 7 : i32
      %swap3A_213 = arith.index_cast %swap3A_212 : i32 to index
      %swap3A_214 = arith.index_cast %mul3A_121 : i32 to index
      %swap3A_215 = tpu.vector_load %arg6[%swap3A_213, %swap3A_214] {strides = array<i32>} : memref<16x2048xf32, #tpu.memory_space<vmem>>, vector<1x16xf32>,
      %swap3A_216 = vector.shape_cast %swap3A_215 : vector<1x16xf32> to vector<16xf32>
      %swap3A_217 = vector.shape_cast %get3A_160 : vector<16xf32> to vector<1x16xf32>
      tpu.vector_store %arg6[%swap3A_213, %swap3A_214], %swap3A_217 {add = true, strides = array<i32>} : memref<16x2048xf32, #tpu.memory_space<vmem>>, vector<1x16xf32>,
      %swap3A_218 = arith.constant 8 : i32
      %swap3A_219 = arith.index_cast %swap3A_218 : i32 to index
      %swap3A_220 = arith.index_cast %mul3A_121 : i32 to index
      %swap3A_221 = tpu.vector_load %arg6[%swap3A_219, %swap3A_220] {strides = array<i32>} : memref<16x2048xf32, #tpu.memory_space<vmem>>, vector<1x16xf32>,
      %swap3A_222 = vector.shape_cast %swap3A_221 : vector<1x16xf32> to vector<16xf32>
      %swap3A_223 = vector.shape_cast %get3A_165 : vector<16xf32> to vector<1x16xf32>
      tpu.vector_store %arg6[%swap3A_219, %swap3A_220], %swap3A_223 {add = true, strides = array<i32>} : memref<16x2048xf32, #tpu.memory_space<vmem>>, vector<1x16xf32>,
      %swap3A_224 = arith.constant 9 : i32
      %swap3A_225 = arith.index_cast %swap3A_224 : i32 to index
      %swap3A_226 = arith.index_cast %mul3A_121 : i32 to index
      %swap3A_227 = tpu.vector_load %arg6[%swap3A_225, %swap3A_226] {strides = array<i32>} : memref<16x2048xf32, #tpu.memory_space<vmem>>, vector<1x16xf32>,
      %swap3A_228 = vector.shape_cast %swap3A_227 : vector<1x16xf32> to vector<16xf32>
      %swap3A_229 = vector.shape_cast %get3A_170 : vector<16xf32> to vector<1x16xf32>
      tpu.vector_store %arg6[%swap3A_225, %swap3A_226], %swap3A_229 {add = true, strides = array<i32>} : memref<16x2048xf32, #tpu.memory_space<vmem>>, vector<1x16xf32>,
      %swap3A_230 = arith.constant 10 : i32
      %swap3A_231 = arith.index_cast %swap3A_230 : i32 to index
      %swap3A_232 = arith.index_cast %mul3A_121 : i32 to index
      %swap3A_233 = tpu.vector_load %arg6[%swap3A_231, %swap3A_232] {strides = array<i32>} : memref<16x2048xf32, #tpu.memory_space<vmem>>, vector<1x16xf32>,
      %swap3A_234 = vector.shape_cast %swap3A_233 : vector<1x16xf32> to vector<16xf32>
      %swap3A_235 = vector.shape_cast %get3A_125 : vector<16xf32> to vector<1x16xf32>
      tpu.vector_store %arg6[%swap3A_231, %swap3A_232], %swap3A_235 {add = true, strides = array<i32>} : memref<16x2048xf32, #tpu.memory_space<vmem>>, vector<1x16xf32>,
      %swap3A_236 = arith.constant 11 : i32
      %swap3A_237 = arith.index_cast %swap3A_236 : i32 to index
      %swap3A_238 = arith.index_cast %mul3A_121 : i32 to index
      %swap3A_239 = tpu.vector_load %arg6[%swap3A_237, %swap3A_238] {strides = array<i32>} : memref<16x2048xf32, #tpu.memory_space<vmem>>, vector<1x16xf32>,
      %swap3A_240 = vector.shape_cast %swap3A_239 : vector<1x16xf32> to vector<16xf32>
      %swap3A_241 = vector.shape_cast %get3A_130 : vector<16xf32> to vector<1x16xf32>
      tpu.vector_store %arg6[%swap3A_237, %swap3A_238], %swap3A_241 {add = true, strides = array<i32>} : memref<16x2048xf32, #tpu.memory_space<vmem>>, vector<1x16xf32>,
      %swap3A_242 = arith.constant 12 : i32
      %swap3A_243 = arith.index_cast %swap3A_242 : i32 to index
      %swap3A_244 = arith.index_cast %mul3A_121 : i32 to index
      %swap3A_245 = tpu.vector_load %arg6[%swap3A_243, %swap3A_244] {strides = array<i32>} : memref<16x2048xf32, #tpu.memory_space<vmem>>, vector<1x16xf32>,
      %swap3A_246 = vector.shape_cast %swap3A_245 : vector<1x16xf32> to vector<16xf32>
      %swap3A_247 = vector.shape_cast %get3A_135 : vector<16xf32> to vector<1x16xf32>
      tpu.vector_store %arg6[%swap3A_243, %swap3A_244], %swap3A_247 {add = true, strides = array<i32>} : memref<16x2048xf32, #tpu.memory_space<vmem>>, vector<1x16xf32>,
      %swap3A_248 = arith.constant 13 : i32
      %swap3A_249 = arith.index_cast %swap3A_248 : i32 to index
      %swap3A_250 = arith.index_cast %mul3A_121 : i32 to index
      %swap3A_251 = tpu.vector_load %arg6[%swap3A_249, %swap3A_250] {strides = array<i32>} : memref<16x2048xf32, #tpu.memory_space<vmem>>, vector<1x16xf32>,
      %swap3A_252 = vector.shape_cast %swap3A_251 : vector<1x16xf32> to vector<16xf32>
      %swap3A_253 = vector.shape_cast %get3A_140 : vector<16xf32> to vector<1x16xf32>
      tpu.vector_store %arg6[%swap3A_249, %swap3A_250], %swap3A_253 {add = true, strides = array<i32>} : memref<16x2048xf32, #tpu.memory_space<vmem>>, vector<1x16xf32>,
      %swap3A_254 = arith.constant 14 : i32
      %swap3A_255 = arith.index_cast %swap3A_254 : i32 to index
      %swap3A_256 = arith.index_cast %mul3A_121 : i32 to index
      %swap3A_257 = tpu.vector_load %arg6[%swap3A_255, %swap3A_256] {strides = array<i32>} : memref<16x2048xf32, #tpu.memory_space<vmem>>, vector<1x16xf32>,
      %swap3A_258 = vector.shape_cast %swap3A_257 : vector<1x16xf32> to vector<16xf32>
      %swap3A_259 = vector.shape_cast %get3A_145 : vector<16xf32> to vector<1x16xf32>
      tpu.vector_store %arg6[%swap3A_255, %swap3A_256], %swap3A_259 {add = true, strides = array<i32>} : memref<16x2048xf32, #tpu.memory_space<vmem>>, vector<1x16xf32>,
      %swap3A_260 = arith.constant 15 : i32
      %swap3A_261 = arith.index_cast %swap3A_260 : i32 to index
      %swap3A_262 = arith.index_cast %mul3A_121 : i32 to index
      %swap3A_263 = tpu.vector_load %arg6[%swap3A_261, %swap3A_262] {strides = array<i32>} : memref<16x2048xf32, #tpu.memory_space<vmem>>, vector<1x16xf32>,
      %swap3A_264 = vector.shape_cast %swap3A_263 : vector<1x16xf32> to vector<16xf32>
      %swap3A_265 = vector.shape_cast %get3A_150 : vector<16xf32> to vector<1x16xf32>
      tpu.vector_store %arg6[%swap3A_261, %swap3A_262], %swap3A_265 {add = true, strides = array<i32>} : memref<16x2048xf32, #tpu.memory_space<vmem>>, vector<1x16xf32>,
    }
    %scan3A_73 = arith.constant 128 : i32
    %add3A_74 = arith.constant 480 : i32
    %add3A_75 = arith.addi %mul3A_2, %add3A_74 : i32
    %dma_start3A_76 = arith.constant 0 : i32
    %dma_start3A_77 = tpu.memref_slice %arg4[%add3A_75, %dma_start3A_76] : memref<16384x2048xf32, #tpu.memory_space<hbm>> -> memref<16x2048xf32, #tpu.memory_space<hbm>>
    %dma_start3A_78 = arith.constant 0 : i32
    %dma_start3A_79 = tpu.memref_slice %arg4[%add3A_75, %dma_start3A_78] : memref<16384x2048xf32, #tpu.memory_space<hbm>> -> memref<16x2048xf32, #tpu.memory_space<hbm>>
    tpu.enqueue_dma source(%arg6 : memref<16x2048xf32, #tpu.memory_space<vmem>>) target(%dma_start3A_79 : memref<16x2048xf32, #tpu.memory_space<hbm>>) target_semaphore(%arg12 : memref<!tpu.dma_semaphore, #tpu.memory_space<semaphore_mem>>)
    %add3A_80 = arith.constant 496 : i32
    %add3A_81 = arith.addi %mul3A_2, %add3A_80 : i32
    %dma_wait3A_82 = arith.constant 0 : i32
    %dma_wait3A_83 = tpu.memref_slice %arg2[%add3A_81, %dma_wait3A_82] : memref<16384x2048xf32, #tpu.memory_space<hbm>> -> memref<16x2048xf32, #tpu.memory_space<hbm>>
    %dma_wait3A_84 = arith.constant 0 : i32
    %dma_wait3A_85 = tpu.memref_slice %arg2[%add3A_81, %dma_wait3A_84] : memref<16384x2048xf32, #tpu.memory_space<hbm>> -> memref<16x2048xf32, #tpu.memory_space<hbm>>
    tpu.wait_dma2 semaphore(%arg10 : memref<!tpu.dma_semaphore, #tpu.memory_space<semaphore_mem>>) src(%dma_wait3A_85 : memref<16x2048xf32, #tpu.memory_space<hbm>>) dst(%arg7 : memref<16x2048xf32, #tpu.memory_space<vmem>>)
    %scan3A_86 = arith.constant 0 : i32
    %scan3A_87 = arith.constant 128 : i32
    %scan3A_88 = arith.addi %scan3A_86, %scan3A_87 : i32
    %scan3A_89 = arith.constant 1 : i32
    scf.for %scan3A_115 = %scan3A_86 to %scan3A_88 step %scan3A_89  : i32 {
      %mul3A_116 = arith.constant 1 : i32
      %mul3A_117 = arith.muli %scan3A_115, %mul3A_116 : i32
      %add3A_118 = arith.constant 0 : i32
      %add3A_119 = arith.addi %add3A_118, %mul3A_117 : i32
      %mul3A_120 = arith.constant 16 : i32
      %mul3A_121 = arith.muli %add3A_119, %mul3A_120 : i32
      %get3A = arith.constant 6 : i32
      %get3A_122 = arith.index_cast %get3A : i32 to index
      %get3A_123 = arith.index_cast %mul3A_121 : i32 to index
      %get3A_124 = tpu.vector_load %arg5[%get3A_122, %get3A_123] {strides = array<i32>} : memref<10x2048xf32, #tpu.memory_space<vmem>>, vector<1x16xf32>,
      %get3A_125 = vector.shape_cast %get3A_124 : vector<1x16xf32> to vector<16xf32>
      %get3A_126 = arith.constant 7 : i32
      %get3A_127 = arith.index_cast %get3A_126 : i32 to index
      %get3A_128 = arith.index_cast %mul3A_121 : i32 to index
      %get3A_129 = tpu.vector_load %arg5[%get3A_127, %get3A_128] {strides = array<i32>} : memref<10x2048xf32, #tpu.memory_space<vmem>>, vector<1x16xf32>,
      %get3A_130 = vector.shape_cast %get3A_129 : vector<1x16xf32> to vector<16xf32>
      %get3A_131 = arith.constant 8 : i32
      %get3A_132 = arith.index_cast %get3A_131 : i32 to index
      %get3A_133 = arith.index_cast %mul3A_121 : i32 to index
      %get3A_134 = tpu.vector_load %arg5[%get3A_132, %get3A_133] {strides = array<i32>} : memref<10x2048xf32, #tpu.memory_space<vmem>>, vector<1x16xf32>,
      %get3A_135 = vector.shape_cast %get3A_134 : vector<1x16xf32> to vector<16xf32>
      %get3A_136 = arith.constant 9 : i32
      %get3A_137 = arith.index_cast %get3A_136 : i32 to index
      %get3A_138 = arith.index_cast %mul3A_121 : i32 to index
      %get3A_139 = tpu.vector_load %arg5[%get3A_137, %get3A_138] {strides = array<i32>} : memref<10x2048xf32, #tpu.memory_space<vmem>>, vector<1x16xf32>,
      %get3A_140 = vector.shape_cast %get3A_139 : vector<1x16xf32> to vector<16xf32>
      %get3A_141 = arith.constant 0 : i32
      %get3A_142 = arith.index_cast %get3A_141 : i32 to index
      %get3A_143 = arith.index_cast %mul3A_121 : i32 to index
      %get3A_144 = tpu.vector_load %arg5[%get3A_142, %get3A_143] {strides = array<i32>} : memref<10x2048xf32, #tpu.memory_space<vmem>>, vector<1x16xf32>,
      %get3A_145 = vector.shape_cast %get3A_144 : vector<1x16xf32> to vector<16xf32>
      %get3A_146 = arith.constant 1 : i32
      %get3A_147 = arith.index_cast %get3A_146 : i32 to index
      %get3A_148 = arith.index_cast %mul3A_121 : i32 to index
      %get3A_149 = tpu.vector_load %arg5[%get3A_147, %get3A_148] {strides = array<i32>} : memref<10x2048xf32, #tpu.memory_space<vmem>>, vector<1x16xf32>,
      %get3A_150 = vector.shape_cast %get3A_149 : vector<1x16xf32> to vector<16xf32>
      %get3A_151 = arith.constant 2 : i32
      %get3A_152 = arith.index_cast %get3A_151 : i32 to index
      %get3A_153 = arith.index_cast %mul3A_121 : i32 to index
      %get3A_154 = tpu.vector_load %arg5[%get3A_152, %get3A_153] {strides = array<i32>} : memref<10x2048xf32, #tpu.memory_space<vmem>>, vector<1x16xf32>,
      %get3A_155 = vector.shape_cast %get3A_154 : vector<1x16xf32> to vector<16xf32>
      %get3A_156 = arith.constant 3 : i32
      %get3A_157 = arith.index_cast %get3A_156 : i32 to index
      %get3A_158 = arith.index_cast %mul3A_121 : i32 to index
      %get3A_159 = tpu.vector_load %arg5[%get3A_157, %get3A_158] {strides = array<i32>} : memref<10x2048xf32, #tpu.memory_space<vmem>>, vector<1x16xf32>,
      %get3A_160 = vector.shape_cast %get3A_159 : vector<1x16xf32> to vector<16xf32>
      %get3A_161 = arith.constant 4 : i32
      %get3A_162 = arith.index_cast %get3A_161 : i32 to index
      %get3A_163 = arith.index_cast %mul3A_121 : i32 to index
      %get3A_164 = tpu.vector_load %arg5[%get3A_162, %get3A_163] {strides = array<i32>} : memref<10x2048xf32, #tpu.memory_space<vmem>>, vector<1x16xf32>,
      %get3A_165 = vector.shape_cast %get3A_164 : vector<1x16xf32> to vector<16xf32>
      %get3A_166 = arith.constant 5 : i32
      %get3A_167 = arith.index_cast %get3A_166 : i32 to index
      %get3A_168 = arith.index_cast %mul3A_121 : i32 to index
      %get3A_169 = tpu.vector_load %arg5[%get3A_167, %get3A_168] {strides = array<i32>} : memref<10x2048xf32, #tpu.memory_space<vmem>>, vector<1x16xf32>,
      %get3A_170 = vector.shape_cast %get3A_169 : vector<1x16xf32> to vector<16xf32>
      %swap3A = arith.constant 0 : i32
      %swap3A_171 = arith.index_cast %swap3A : i32 to index
      %swap3A_172 = arith.index_cast %mul3A_121 : i32 to index
      %swap3A_173 = tpu.vector_load %arg7[%swap3A_171, %swap3A_172] {strides = array<i32>} : memref<16x2048xf32, #tpu.memory_space<vmem>>, vector<1x16xf32>,
      %swap3A_174 = vector.shape_cast %swap3A_173 : vector<1x16xf32> to vector<16xf32>
      %swap3A_175 = vector.shape_cast %get3A_125 : vector<16xf32> to vector<1x16xf32>
      tpu.vector_store %arg7[%swap3A_171, %swap3A_172], %swap3A_175 {add = true, strides = array<i32>} : memref<16x2048xf32, #tpu.memory_space<vmem>>, vector<1x16xf32>,
      %swap3A_176 = arith.constant 1 : i32
      %swap3A_177 = arith.index_cast %swap3A_176 : i32 to index
      %swap3A_178 = arith.index_cast %mul3A_121 : i32 to index
      %swap3A_179 = tpu.vector_load %arg7[%swap3A_177, %swap3A_178] {strides = array<i32>} : memref<16x2048xf32, #tpu.memory_space<vmem>>, vector<1x16xf32>,
      %swap3A_180 = vector.shape_cast %swap3A_179 : vector<1x16xf32> to vector<16xf32>
      %swap3A_181 = vector.shape_cast %get3A_130 : vector<16xf32> to vector<1x16xf32>
      tpu.vector_store %arg7[%swap3A_177, %swap3A_178], %swap3A_181 {add = true, strides = array<i32>} : memref<16x2048xf32, #tpu.memory_space<vmem>>, vector<1x16xf32>,
      %swap3A_182 = arith.constant 2 : i32
      %swap3A_183 = arith.index_cast %swap3A_182 : i32 to index
      %swap3A_184 = arith.index_cast %mul3A_121 : i32 to index
      %swap3A_185 = tpu.vector_load %arg7[%swap3A_183, %swap3A_184] {strides = array<i32>} : memref<16x2048xf32, #tpu.memory_space<vmem>>, vector<1x16xf32>,
      %swap3A_186 = vector.shape_cast %swap3A_185 : vector<1x16xf32> to vector<16xf32>
      %swap3A_187 = vector.shape_cast %get3A_135 : vector<16xf32> to vector<1x16xf32>
      tpu.vector_store %arg7[%swap3A_183, %swap3A_184], %swap3A_187 {add = true, strides = array<i32>} : memref<16x2048xf32, #tpu.memory_space<vmem>>, vector<1x16xf32>,
      %swap3A_188 = arith.constant 3 : i32
      %swap3A_189 = arith.index_cast %swap3A_188 : i32 to index
      %swap3A_190 = arith.index_cast %mul3A_121 : i32 to index
      %swap3A_191 = tpu.vector_load %arg7[%swap3A_189, %swap3A_190] {strides = array<i32>} : memref<16x2048xf32, #tpu.memory_space<vmem>>, vector<1x16xf32>,
      %swap3A_192 = vector.shape_cast %swap3A_191 : vector<1x16xf32> to vector<16xf32>
      %swap3A_193 = vector.shape_cast %get3A_140 : vector<16xf32> to vector<1x16xf32>
      tpu.vector_store %arg7[%swap3A_189, %swap3A_190], %swap3A_193 {add = true, strides = array<i32>} : memref<16x2048xf32, #tpu.memory_space<vmem>>, vector<1x16xf32>,
      %swap3A_194 = arith.constant 4 : i32
      %swap3A_195 = arith.index_cast %swap3A_194 : i32 to index
      %swap3A_196 = arith.index_cast %mul3A_121 : i32 to index
      %swap3A_197 = tpu.vector_load %arg7[%swap3A_195, %swap3A_196] {strides = array<i32>} : memref<16x2048xf32, #tpu.memory_space<vmem>>, vector<1x16xf32>,
      %swap3A_198 = vector.shape_cast %swap3A_197 : vector<1x16xf32> to vector<16xf32>
      %swap3A_199 = vector.shape_cast %get3A_145 : vector<16xf32> to vector<1x16xf32>
      tpu.vector_store %arg7[%swap3A_195, %swap3A_196], %swap3A_199 {add = true, strides = array<i32>} : memref<16x2048xf32, #tpu.memory_space<vmem>>, vector<1x16xf32>,
      %swap3A_200 = arith.constant 5 : i32
      %swap3A_201 = arith.index_cast %swap3A_200 : i32 to index
      %swap3A_202 = arith.index_cast %mul3A_121 : i32 to index
      %swap3A_203 = tpu.vector_load %arg7[%swap3A_201, %swap3A_202] {strides = array<i32>} : memref<16x2048xf32, #tpu.memory_space<vmem>>, vector<1x16xf32>,
      %swap3A_204 = vector.shape_cast %swap3A_203 : vector<1x16xf32> to vector<16xf32>
      %swap3A_205 = vector.shape_cast %get3A_150 : vector<16xf32> to vector<1x16xf32>
      tpu.vector_store %arg7[%swap3A_201, %swap3A_202], %swap3A_205 {add = true, strides = array<i32>} : memref<16x2048xf32, #tpu.memory_space<vmem>>, vector<1x16xf32>,
      %swap3A_206 = arith.constant 6 : i32
      %swap3A_207 = arith.index_cast %swap3A_206 : i32 to index
      %swap3A_208 = arith.index_cast %mul3A_121 : i32 to index
      %swap3A_209 = tpu.vector_load %arg7[%swap3A_207, %swap3A_208] {strides = array<i32>} : memref<16x2048xf32, #tpu.memory_space<vmem>>, vector<1x16xf32>,
      %swap3A_210 = vector.shape_cast %swap3A_209 : vector<1x16xf32> to vector<16xf32>
      %swap3A_211 = vector.shape_cast %get3A_155 : vector<16xf32> to vector<1x16xf32>
      tpu.vector_store %arg7[%swap3A_207, %swap3A_208], %swap3A_211 {add = true, strides = array<i32>} : memref<16x2048xf32, #tpu.memory_space<vmem>>, vector<1x16xf32>,
      %swap3A_212 = arith.constant 7 : i32
      %swap3A_213 = arith.index_cast %swap3A_212 : i32 to index
      %swap3A_214 = arith.index_cast %mul3A_121 : i32 to index
      %swap3A_215 = tpu.vector_load %arg7[%swap3A_213, %swap3A_214] {strides = array<i32>} : memref<16x2048xf32, #tpu.memory_space<vmem>>, vector<1x16xf32>,
      %swap3A_216 = vector.shape_cast %swap3A_215 : vector<1x16xf32> to vector<16xf32>
      %swap3A_217 = vector.shape_cast %get3A_160 : vector<16xf32> to vector<1x16xf32>
      tpu.vector_store %arg7[%swap3A_213, %swap3A_214], %swap3A_217 {add = true, strides = array<i32>} : memref<16x2048xf32, #tpu.memory_space<vmem>>, vector<1x16xf32>,
      %swap3A_218 = arith.constant 8 : i32
      %swap3A_219 = arith.index_cast %swap3A_218 : i32 to index
      %swap3A_220 = arith.index_cast %mul3A_121 : i32 to index
      %swap3A_221 = tpu.vector_load %arg7[%swap3A_219, %swap3A_220] {strides = array<i32>} : memref<16x2048xf32, #tpu.memory_space<vmem>>, vector<1x16xf32>,
      %swap3A_222 = vector.shape_cast %swap3A_221 : vector<1x16xf32> to vector<16xf32>
      %swap3A_223 = vector.shape_cast %get3A_165 : vector<16xf32> to vector<1x16xf32>
      tpu.vector_store %arg7[%swap3A_219, %swap3A_220], %swap3A_223 {add = true, strides = array<i32>} : memref<16x2048xf32, #tpu.memory_space<vmem>>, vector<1x16xf32>,
      %swap3A_224 = arith.constant 9 : i32
      %swap3A_225 = arith.index_cast %swap3A_224 : i32 to index
      %swap3A_226 = arith.index_cast %mul3A_121 : i32 to index
      %swap3A_227 = tpu.vector_load %arg7[%swap3A_225, %swap3A_226] {strides = array<i32>} : memref<16x2048xf32, #tpu.memory_space<vmem>>, vector<1x16xf32>,
      %swap3A_228 = vector.shape_cast %swap3A_227 : vector<1x16xf32> to vector<16xf32>
      %swap3A_229 = vector.shape_cast %get3A_170 : vector<16xf32> to vector<1x16xf32>
      tpu.vector_store %arg7[%swap3A_225, %swap3A_226], %swap3A_229 {add = true, strides = array<i32>} : memref<16x2048xf32, #tpu.memory_space<vmem>>, vector<1x16xf32>,
      %swap3A_230 = arith.constant 10 : i32
      %swap3A_231 = arith.index_cast %swap3A_230 : i32 to index
      %swap3A_232 = arith.index_cast %mul3A_121 : i32 to index
      %swap3A_233 = tpu.vector_load %arg7[%swap3A_231, %swap3A_232] {strides = array<i32>} : memref<16x2048xf32, #tpu.memory_space<vmem>>, vector<1x16xf32>,
      %swap3A_234 = vector.shape_cast %swap3A_233 : vector<1x16xf32> to vector<16xf32>
      %swap3A_235 = vector.shape_cast %get3A_125 : vector<16xf32> to vector<1x16xf32>
      tpu.vector_store %arg7[%swap3A_231, %swap3A_232], %swap3A_235 {add = true, strides = array<i32>} : memref<16x2048xf32, #tpu.memory_space<vmem>>, vector<1x16xf32>,
      %swap3A_236 = arith.constant 11 : i32
      %swap3A_237 = arith.index_cast %swap3A_236 : i32 to index
      %swap3A_238 = arith.index_cast %mul3A_121 : i32 to index
      %swap3A_239 = tpu.vector_load %arg7[%swap3A_237, %swap3A_238] {strides = array<i32>} : memref<16x2048xf32, #tpu.memory_space<vmem>>, vector<1x16xf32>,
      %swap3A_240 = vector.shape_cast %swap3A_239 : vector<1x16xf32> to vector<16xf32>
      %swap3A_241 = vector.shape_cast %get3A_130 : vector<16xf32> to vector<1x16xf32>
      tpu.vector_store %arg7[%swap3A_237, %swap3A_238], %swap3A_241 {add = true, strides = array<i32>} : memref<16x2048xf32, #tpu.memory_space<vmem>>, vector<1x16xf32>,
      %swap3A_242 = arith.constant 12 : i32
      %swap3A_243 = arith.index_cast %swap3A_242 : i32 to index
      %swap3A_244 = arith.index_cast %mul3A_121 : i32 to index
      %swap3A_245 = tpu.vector_load %arg7[%swap3A_243, %swap3A_244] {strides = array<i32>} : memref<16x2048xf32, #tpu.memory_space<vmem>>, vector<1x16xf32>,
      %swap3A_246 = vector.shape_cast %swap3A_245 : vector<1x16xf32> to vector<16xf32>
      %swap3A_247 = vector.shape_cast %get3A_135 : vector<16xf32> to vector<1x16xf32>
      tpu.vector_store %arg7[%swap3A_243, %swap3A_244], %swap3A_247 {add = true, strides = array<i32>} : memref<16x2048xf32, #tpu.memory_space<vmem>>, vector<1x16xf32>,
      %swap3A_248 = arith.constant 13 : i32
      %swap3A_249 = arith.index_cast %swap3A_248 : i32 to index
      %swap3A_250 = arith.index_cast %mul3A_121 : i32 to index
      %swap3A_251 = tpu.vector_load %arg7[%swap3A_249, %swap3A_250] {strides = array<i32>} : memref<16x2048xf32, #tpu.memory_space<vmem>>, vector<1x16xf32>,
      %swap3A_252 = vector.shape_cast %swap3A_251 : vector<1x16xf32> to vector<16xf32>
      %swap3A_253 = vector.shape_cast %get3A_140 : vector<16xf32> to vector<1x16xf32>
      tpu.vector_store %arg7[%swap3A_249, %swap3A_250], %swap3A_253 {add = true, strides = array<i32>} : memref<16x2048xf32, #tpu.memory_space<vmem>>, vector<1x16xf32>,
      %swap3A_254 = arith.constant 14 : i32
      %swap3A_255 = arith.index_cast %swap3A_254 : i32 to index
      %swap3A_256 = arith.index_cast %mul3A_121 : i32 to index
      %swap3A_257 = tpu.vector_load %arg7[%swap3A_255, %swap3A_256] {strides = array<i32>} : memref<16x2048xf32, #tpu.memory_space<vmem>>, vector<1x16xf32>,
      %swap3A_258 = vector.shape_cast %swap3A_257 : vector<1x16xf32> to vector<16xf32>
      %swap3A_259 = vector.shape_cast %get3A_145 : vector<16xf32> to vector<1x16xf32>
      tpu.vector_store %arg7[%swap3A_255, %swap3A_256], %swap3A_259 {add = true, strides = array<i32>} : memref<16x2048xf32, #tpu.memory_space<vmem>>, vector<1x16xf32>,
      %swap3A_260 = arith.constant 15 : i32
      %swap3A_261 = arith.index_cast %swap3A_260 : i32 to index
      %swap3A_262 = arith.index_cast %mul3A_121 : i32 to index
      %swap3A_263 = tpu.vector_load %arg7[%swap3A_261, %swap3A_262] {strides = array<i32>} : memref<16x2048xf32, #tpu.memory_space<vmem>>, vector<1x16xf32>,
      %swap3A_264 = vector.shape_cast %swap3A_263 : vector<1x16xf32> to vector<16xf32>
      %swap3A_265 = vector.shape_cast %get3A_150 : vector<16xf32> to vector<1x16xf32>
      tpu.vector_store %arg7[%swap3A_261, %swap3A_262], %swap3A_265 {add = true, strides = array<i32>} : memref<16x2048xf32, #tpu.memory_space<vmem>>, vector<1x16xf32>,
    }
    %scan3A_90 = arith.constant 128 : i32
    %add3A_91 = arith.constant 496 : i32
    %add3A_92 = arith.addi %mul3A_2, %add3A_91 : i32
    %dma_start3A_93 = arith.constant 0 : i32
    %dma_start3A_94 = tpu.memref_slice %arg4[%add3A_92, %dma_start3A_93] : memref<16384x2048xf32, #tpu.memory_space<hbm>> -> memref<16x2048xf32, #tpu.memory_space<hbm>>
    %dma_start3A_95 = arith.constant 0 : i32
    %dma_start3A_96 = tpu.memref_slice %arg4[%add3A_92, %dma_start3A_95] : memref<16384x2048xf32, #tpu.memory_space<hbm>> -> memref<16x2048xf32, #tpu.memory_space<hbm>>
    tpu.enqueue_dma source(%arg7 : memref<16x2048xf32, #tpu.memory_space<vmem>>) target(%dma_start3A_96 : memref<16x2048xf32, #tpu.memory_space<hbm>>) target_semaphore(%arg13 : memref<!tpu.dma_semaphore, #tpu.memory_space<semaphore_mem>>)
    %add3A_97 = arith.constant 464 : i32
    %add3A_98 = arith.addi %mul3A_2, %add3A_97 : i32
    %dma_wait3A_99 = arith.constant 0 : i32
    %dma_wait3A_100 = tpu.memref_slice %arg4[%add3A_98, %dma_wait3A_99] : memref<16384x2048xf32, #tpu.memory_space<hbm>> -> memref<16x2048xf32, #tpu.memory_space<hbm>>
    %dma_wait3A_101 = arith.constant 0 : i32
    %dma_wait3A_102 = tpu.memref_slice %arg4[%add3A_98, %dma_wait3A_101] : memref<16384x2048xf32, #tpu.memory_space<hbm>> -> memref<16x2048xf32, #tpu.memory_space<hbm>>
    tpu.wait_dma2 semaphore(%arg14 : memref<!tpu.dma_semaphore, #tpu.memory_space<semaphore_mem>>) src(%arg8 : memref<16x2048xf32, #tpu.memory_space<vmem>>) dst(%dma_wait3A_102 : memref<16x2048xf32, #tpu.memory_space<hbm>>)
    %add3A_103 = arith.constant 480 : i32
    %add3A_104 = arith.addi %mul3A_2, %add3A_103 : i32
    %dma_wait3A_105 = arith.constant 0 : i32
    %dma_wait3A_106 = tpu.memref_slice %arg4[%add3A_104, %dma_wait3A_105] : memref<16384x2048xf32, #tpu.memory_space<hbm>> -> memref<16x2048xf32, #tpu.memory_space<hbm>>
    %dma_wait3A_107 = arith.constant 0 : i32
    %dma_wait3A_108 = tpu.memref_slice %arg4[%add3A_104, %dma_wait3A_107] : memref<16384x2048xf32, #tpu.memory_space<hbm>> -> memref<16x2048xf32, #tpu.memory_space<hbm>>
    tpu.wait_dma2 semaphore(%arg12 : memref<!tpu.dma_semaphore, #tpu.memory_space<semaphore_mem>>) src(%arg6 : memref<16x2048xf32, #tpu.memory_space<vmem>>) dst(%dma_wait3A_108 : memref<16x2048xf32, #tpu.memory_space<hbm>>)
    %add3A_109 = arith.constant 496 : i32
    %add3A_110 = arith.addi %mul3A_2, %add3A_109 : i32
    %dma_wait3A_111 = arith.constant 0 : i32
    %dma_wait3A_112 = tpu.memref_slice %arg4[%add3A_110, %dma_wait3A_111] : memref<16384x2048xf32, #tpu.memory_space<hbm>> -> memref<16x2048xf32, #tpu.memory_space<hbm>>
    %dma_wait3A_113 = arith.constant 0 : i32
    %dma_wait3A_114 = tpu.memref_slice %arg4[%add3A_110, %dma_wait3A_113] : memref<16384x2048xf32, #tpu.memory_space<hbm>> -> memref<16x2048xf32, #tpu.memory_space<hbm>>
    tpu.wait_dma2 semaphore(%arg13 : memref<!tpu.dma_semaphore, #tpu.memory_space<semaphore_mem>>) src(%arg7 : memref<16x2048xf32, #tpu.memory_space<vmem>>) dst(%dma_wait3A_114 : memref<16x2048xf32, #tpu.memory_space<hbm>>)
    return
  }
}

</mosaic_0001>

<sc_bundles>
// kernel: kernel.3.cloned.1.call-start
scs
__scs_entry_jumppad:
0x0: {  	(pc) =	sbr.rel $0x88, $3  }
0x1: {  	(tag) =	ssettag $0x0;
	lr =	simm.s32 $0x1  }
0x2: {  	[smem:$0x3F9F] =	sst lr;
	_ =	strace $0xD0000000  }
0x3: {  	_ = 	snop  }
0x4: {  	_ = 	snop  }
0x5: {  	_ = 	snop  }
0x6: {  	_ = 	snop  }
0x7: {  	_ = 	snop  }
__scs_overlays_trampoline_lowered:
0x8: {  	[smem:$0x3FAE] =	sst s0  }
0x9: {  	[smem:$0x3FAF] =	sst s1  }
0xa: {  	[smem:$0x3FB0] =	sst s2  }
0xb: {  	[smem:$0x3FB1] =	sst s3  }
0xc: {  	[smem:$0x3FB2] =	sst s4  }
0xd: {  	[smem:$0x3FB3] =	sst s5  }
0xe: {  	[smem:$0x3FB4] =	sst s6  }
0xf: {  	[smem:$0x3FB5] =	sst s7  }
0x10: {  	[smem:$0x3FB6] =	sst s8  }
0x11: {  	[smem:$0x3FB7] =	sst s9;
	s0 =	simm.s32 @!p0 $0x0  }
0x12: {  	s1 =	sld [smem:$0x3F9D];
	s0 =	simm.s32 @p0 $0x1  }
0x13: {  	[smem:$0x3FB8] =	sst s0;
	s0 =	simm.s32 @!p1 $0x0  }
0x14: {  	s2 =	sld [smem:$0x3F9C];
	s0 =	simm.s32 @p1 $0x1  }
0x15: {  	[smem:$0x3FB9] =	sst s0;
	s0 =	simm.s32 @!p2 $0x0  }
0x16: {  	s3 =	sld [smem:$0x3FDB];
	s0 =	simm.s32 @p2 $0x1  }
0x17: {  	s4 =	simm.s32 $0x1BF5;
	[smem:$0x3FBB] =	sst s0  }
0x18: {  	s0 =	sld [smem:$0x3F9E];
	_ =	swait.ge [sflag:s4], $0x0  }
0x19: {  	s7 =	sld [smem:$0x3F9F]  }
0x1a: {  	s8 =	sadd.s32 $0xFFFFE003, lr  }
0x1b: {  	s9 =	sadd.s32 $0xFFFFFEF7, lr;
	s5 =	simm.s32 $0xFFFFFFFF;
	p2 =	slt.u32 s8, $0xFFFFF086  }
0x1c: {  	p1 =	slt.u32 s9, $0xF7A;
	s5 =	simm.s32 @!p2 $0x0  }
0x1d: {  	s5 =	simm.s32 @p1 $0x1;
	p0 =	seq.s32 s7, s2  }
0x1e: {  	s7 =	smul.u32 @!p0 $0xF7A, s2;
	p2 =	seq.s32 @!p0 s5, $0x0  }
0x1f: {  	s9 =	smul.u32 $0xF7A, s1;
	s8 =	simm.s32 @!p0 $0x1BF5;
	p2 =	por !p2, p0  }
0x20: {  	[sflag:s8] =	ssyncset.s32 @!p0 $0xFFFFF086;
	s6 =	sadd.s32 @!p0 s3, s7;
	s7 =	simm.s32 @!p0 $0x108  }
0x21: {  	s3 =	sadd.s32 s3, s9;
	s6 =	sadd.s32 @!p0 $0x88, s6;
	s7 =	simm.s32 @p2 $0x1082  }
0x22: {  	[simem:s7], [sflag:s8] =	dma.local @!p0 [hbm:s6], $0xF7A  }
0x23: {  	s9 =	sor.u32 $0xD0000000, s2;
	s6 =	simm.s32 $0x108;
	_ =	swait.ge @!p0 [sflag:s8], $0x0  }
0x24: {  	s3 =	sadd.s32 $0x88, s3;
	s6 =	simm.s32 @!p1 $0x1082;
	[sflag:s4] =	ssyncset.s32 $0xFFFFF086  }
0x25: {  	[simem:s6], [sflag:s4] =	dma.local [hbm:s3], $0xF7A  }
0x26: {  	[smem:$0x3F9F] =	sst s1;
	(tag) =	ssettag s2;
	_ =	strace s9  }
0x27: {  	s1 =	sld [smem:$0x3FAF]  }
0x28: {  	s2 =	sld [smem:$0x3FB0]  }
0x29: {  	s4 =	sld [smem:$0x3FB2]  }
0x2a: {  	p0 =	seq.s32 s5, $0x0;
	s5 =	sld [smem:$0x3FB3]  }
0x2b: {  	s6 =	sld [smem:$0x3FB4]  }
0x2c: {  	s7 =	sld [smem:$0x3FB5]  }
0x2d: {  	s3 =	simm.s32 $0x108;
	s8 =	sld [smem:$0x3FB6]  }
0x2e: {  	s3 =	simm.s32 @!p0 $0x1082;
	s9 =	sld [smem:$0x3FB7]  }
0x2f: {  	lr =	sadd.s32 s0, s3;
	s0 =	sld [smem:$0x3FAE]  }
0x30: {  	s3 =	sld [smem:$0x3FB1]  }
0x31: {  	[smem:$0x3FBA] =	sst s10  }
0x32: {  	s10 =	sld [smem:$0x3FB8];
	_ =	sdelay $0x3  }
0x33: {  	p0 =	seq.s32 s10, $0x1;
	s10 =	sld [smem:$0x3FBA];
	_ =	sdelay $0x3  }
0x34: {  	[smem:$0x3FBA] =	sst s10  }
0x35: {  	s10 =	sld [smem:$0x3FB9];
	_ =	sdelay $0x3  }
0x36: {  	p1 =	seq.s32 s10, $0x1;
	s10 =	sld [smem:$0x3FBA];
	_ =	sdelay $0x3  }
0x37: {  	[smem:$0x3FBA] =	sst s10  }
0x38: {  	s10 =	sld [smem:$0x3FBB]  }
0x39: {  	_ = 	snop;
	(pc) =	sbr.ind lr, $3  }
0x3a: {  	_ = 	snop  }
0x3b: {  	_ = 	snop  }
0x3c: {  	p2 =	seq.s32 s10, $0x1;
	s10 =	sld [smem:$0x3FBA]  }
0x3d: {  	_ =	shalt  }
0x3e: {  	_ =	shalt  }
0x3f: {  	_ =	shalt  }
0x40: {  	_ =	shalt  }
0x41: {  	_ =	shalt  }
0x42: {  	_ =	shalt  }
0x43: {  	_ =	shalt  }
0x44: {  	_ =	shalt  }
0x45: {  	_ =	shalt  }
0x46: {  	_ =	shalt  }
0x47: {  	_ =	shalt  }
0x48: {  	_ =	shalt  }
0x49: {  	_ =	shalt  }
0x4a: {  	_ =	shalt  }
0x4b: {  	_ =	shalt  }
0x4c: {  	_ =	shalt  }
0x4d: {  	_ =	shalt  }
0x4e: {  	_ =	shalt  }
0x4f: {  	_ =	shalt  }
0x50: {  	_ =	shalt  }
0x51: {  	_ =	shalt  }
0x52: {  	_ =	shalt  }
0x53: {  	_ =	shalt  }
0x54: {  	_ =	shalt  }
0x55: {  	_ =	shalt  }
0x56: {  	_ =	shalt  }
0x57: {  	_ =	shalt  }
0x58: {  	_ =	shalt  }
0x59: {  	_ =	shalt  }
0x5a: {  	_ =	shalt  }
0x5b: {  	_ =	shalt  }
0x5c: {  	_ =	shalt  }
0x5d: {  	_ =	shalt  }
0x5e: {  	_ =	shalt  }
0x5f: {  	_ =	shalt  }
0x60: {  	_ =	shalt  }
0x61: {  	_ =	shalt  }
0x62: {  	_ =	shalt  }
0x63: {  	_ =	shalt  }
0x64: {  	_ =	shalt  }
0x65: {  	_ =	shalt  }
0x66: {  	_ =	shalt  }
0x67: {  	_ =	shalt  }
0x68: {  	_ =	shalt  }
0x69: {  	_ =	shalt  }
0x6a: {  	_ =	shalt  }
0x6b: {  	_ =	shalt  }
0x6c: {  	_ =	shalt  }
0x6d: {  	_ =	shalt  }
0x6e: {  	_ =	shalt  }
0x6f: {  	_ =	shalt  }
0x70: {  	_ =	shalt  }
0x71: {  	_ =	shalt  }
0x72: {  	_ =	shalt  }
0x73: {  	_ =	shalt  }
0x74: {  	_ =	shalt  }
0x75: {  	_ =	shalt  }
0x76: {  	_ =	shalt  }
0x77: {  	_ =	shalt  }
0x78: {  	_ =	shalt  }
0x79: {  	_ =	shalt  }
0x7a: {  	_ =	shalt  }
0x7b: {  	_ =	shalt  }
0x7c: {  	_ =	shalt  }
0x7d: {  	_ =	shalt  }
0x7e: {  	_ =	shalt  }
0x7f: {  	_ =	shalt  }
0x80: {  	_ =	shalt  }
0x81: {  	_ =	shalt  }
0x82: {  	_ =	shalt  }
0x83: {  	_ =	shalt  }
0x84: {  	_ =	shalt  }
0x85: {  	_ =	shalt  }
0x86: {  	_ =	shalt  }
0x87: {  	_ =	shalt  }
.Lfunc_end0:
.L_simem_size_0:
called_computation_lowered:
.L_overlay_start_0:
0x88: {  	s2 =	sld [smem:$0x3FD9]  }
0x89: {  	s3 =	sld [smem:$0x3FFE];
	_ =	sdelay $0x1  }
0x8a: {  	s1 =	srdreg.scid  }
0x8b: {  	s0 =	sand.u32 $0x1, s1  }
0x8c: {  	s17 =	sshll.u32 s0, $0xA;
	s2 =	sadd.s32 s3, s2  }
0x8d: {  	s2 =	sadd.s32 s2, s17  }
0x8e: {  	[smem:$0x3FC6] =	sst s2  }
0x8f: {  	_ = 	snop  }
0x90: {  	s2 =	sld [smem:$0x3FC9]  }
0x91: {  	s18 =	sld [smem:$0x3FD0];
	(tm) =	ssettm $0x1  }
0x92: {  	s4 =	sld [smem:$0x3FFB];
	_ =	sdelay $0x3  }
0x93: {  	_ =	strace s4  }
0x94: {  	s4 =	sld [smem:$0x3FFC];
	_ =	sdelay $0x3  }
0x95: {  	_ =	strace s4  }
0x96: {  	s4 =	sld [smem:$0x3FFD];
	_ =	sdelay $0x3  }
0x97: {  	_ =	strace s4  }
0x98: {  	_ =	strace $0x8FFFFFFF  }
0x99: {  	s19 =	sld [smem:$0x3FDB];
	_ =	sdelay $0x1  }
0x9a: {  	s5 =	simm.s32 $_scs_section_size  }
0x9b: {  	s6 =	simm.s32 $_size__tile_overlayer_lowered;
	s7 =	simm.s32 $_tile_overlayer_lowered  }
0x9c: {  	s22 =	simm.s32 $0x1BFF;
	s21 =	sshll.u32 s7, $0x1;
	s4 =	sadd.s32 s5, s19  }
0x9d: {  	s8 =	simm.s32 $0x0;
	s20 =	sshll.u32 s6, $0x1;
	s6 =	sadd.s32 s21, s4  }
0x9e: {  	[timem:s8], [sflag:s22] =	dma.local [hbm:s6], s20  }
0x9f: {  	_ =	swait.ge [sflag:s22], s20  }
0xa0: {  	s5 =	ssub.s32 $0x0, s20;
	[sflag:s22] =	ssyncset.done $0x0  }
0xa1: {  	[sflag:s22] =	ssyncadd.s32 s5;
	_ =	sdelay $0x1  }
0xa2: {  	s23 =	simm.s32 $0x1B8B  }
0xa3: {  	_ =	swait.ge [sflag:s23], $0x1  }
0xa4: {  	[sflag:s23] =	ssyncset.done $0x0  }
0xa5: {  	s25 =	simm.s32 $0x1B8E;
	s24 =	sld [smem:$0x3FFE];
	[sflag:s23] =	ssyncadd.s32 $0xFFFFFFFF  }
0xa6: {  	s26 =	simm.s32 $execute0_lowered;
	[smem:$0x3FD2] =	sst s25  }
0xa7: {  	s6 =	sshll.u32 s26, $0x1;
	_ =	strace $0x80000046;
	[dreg:$0x1] =	wrdreg $0xFFFFFFFF  }
0xa8: {  	s28 =	simm.s32 $_size_execute0_lowered;
	s4 =	sadd.s32 s4, s6;
	[dreg:$0x0] =	wrdreg $0x0  }
0xa9: {  	s6 =	sshll.u32 s28, $0x1;
	[dreg:$0x2] =	wrdreg s4  }
0xaa: {  	[dreg:$0x3] =	wrdreg s6  }
0xab: {  	[dreg:$0x4] =	wrdreg $0xC0  }
0xac: {  	_ =	task [dreg:s8], $0x5FFFF  }
0xad: {  	[dreg:$0x1] =	wrdreg $0xFFFFFFFF  }
0xae: {  	[dreg:$0x0] =	wrdreg $0x60  }
0xaf: {  	[dreg:$0x2] =	wrdreg s2  }
0xb0: {  	[dreg:$0x3] =	wrdreg s24  }
0xb1: {  	[dreg:$0x4] =	wrdreg s18  }
0xb2: {  	[dreg:$0x5] =	wrdreg $0x9  }
0xb3: {  	_ =	task.clear_ibuf [dreg:s8], $0x6FFFF;
	_ =	strace $0x90000046  }
0xb4: {  	s29 =	simm.s32 $0x9;
	_ =	strace $0x80000048  }
0xb5: {  	_ =	swait.ge [sflag:s29], $0x1  }
0xb6: {  	[sflag:s29] =	ssyncadd.s32 $0xFFFFFFFF  }
0xb7: {  	_ =	strace $0x90000048  }
0xb8: {  	_ =	sfence  }
0xb9: {  	s30 =	sld [smem:$0x0];
	_ =	sdelay $0x2  }
0xba: {  	s31 =	sshll.u32 s1, $0xD;
	s1 =	sshrl.u32 s1, $0x2  }
0xbb: {  	s3 =	sand.u32 $0x4000, s31;
	s1 =	sadd.s32 s1, s30  }
0xbc: {  	s0 =	sor.u32 s3, s0;
	s1 =	sshll.u32 s1, $0x11  }
0xbd: {  	s0 =	sor.u32 s1, s0  }
0xbe: {  	s0 =	sadd.s32 $0x8F2B, s0  }
0xbf: {  	[sflag:s0] =	ssyncadd.remote.s32 $0x1  }
0xc0: {  	_ =	sfence.sel $0xFFFF  }
0xc1: {  	[dreg:$0x0] =	wrdreg $0xFFFFFFFF;
	(pc) =	sbr.abs _section_cstart, $3  }
0xc2: {  	[dreg:$0x1] =	wrdreg $0xFFFFFFFF  }
0xc3: {  	_ =	task.clear_ibuf [dreg:s8], $0x2FFFF;
	_ =	strace $0x9FFFFFFF  }
0xc4: {  	(tm) =	ssettm $0x7FFFFFFF  }
0xc5: {  	_ =	shalt  }
tec
execute0_lowered:
.L_overlay_start_1:
0x0: {  	(tag) =	ssettag $0x1  }
0x1: {  	s0 =	srdreg.scid  }
0x2: {  	s1 =	stileid.u32;
	s0 =	sand.u32 $0x1, s0  }
0x3: {  	s4 =	rddreg [dreg:$0x0];
	s2 =	sshll.u32 s1, $0xA;
	s3 =	sshll.u32 s0, $0x9  }
0x4: {  	s25 =	rddreg [dreg:$0x1];
	s3 =	sor.u32 s3, s2  }
0x5: {  	s5 =	simm.s32 $0x0;
	s1 =	rddreg [dreg:$0x2];
	s6 =	sand.u32 $0xE00, s3  }
0x6: {  	[smem:$0x7FF] =	sst s5;
	s7 =	smul.u32 $0x199A, s6;
	s8 =	sor.u32 $0x1, s6  }
0x7: {  	_ =	strace $0x80000047;
	s10 =	sor.u32 $0x2, s6;
	s9 =	smul.u32 $0x199A, s8  }
0x8: {  	s2 =	sadd.s32 $0x400, s25;
	s12 =	sor.u32 $0x3, s6;
	s11 =	smul.u32 $0x199A, s10  }
0x9: {  	[smem:$0x7F6] =	sst s2;
	s13 =	sor.u32 $0x4, s6;
	s26 =	smul.u32 $0x199A, s12  }
0xa: {  	s2 =	sshll.u32 s3, $0x8;
	s16 =	sor.u32 $0x5, s6;
	s15 =	smul.u32 $0x199A, s13  }
0xb: {  	s4 =	sadd.s32 s4, s2;
	s18 =	sor.u32 $0x6, s6;
	s17 =	smul.u32 $0x199A, s16  }
0xc: {  	s19 =	sor.u32 $0x7, s6;
	s20 =	sor.u32 $0x8, s6;
	s30 =	smul.u32 $0x199A, s18  }
0xd: {  	[smem:$0x7F7] =	sst s4;
	s4 =	sadd.s32 $0x1000, s4;
	s31 =	smul.u32 $0x199A, s19  }
0xe: {  	s7 =	sshrl.u32 s7, $0x10;
	[smem:$0x7F8] =	sst s4;
	s4 =	smul.u32 $0x199A, s20  }
0xf: {  	s28 =	simm.s32 $0x10000;
	s7 =	smul.u32 $0xA, s7;
	s9 =	sshrl.u32 s9, $0x10  }
0x10: {  	s0 =	ssub.s32 $0x2, s0;
	s11 =	sshrl.u32 s11, $0x10;
	s9 =	smul.u32 $0xA, s9  }
0x11: {  	s14 =	sshrl.u32 s0, $0x1;
	s29 =	sshrl.u32 s26, $0x10;
	s11 =	smul.u32 $0xA, s11  }
0x12: {  	s0 =	ssub.s32 s0, s14;
	s15 =	sshrl.u32 s15, $0x10;
	s14 =	smul.u32 $0xA, s29  }
0x13: {  	s0 =	smax.u32 s0, $0x1;
	s17 =	sshrl.u32 s17, $0x10;
	s15 =	smul.u32 $0xA, s15  }
0x14: {  	s2 =	sadd.s32 s2, s1;
	[smem:$0x7FD] =	sst s0;
	s17 =	smul.u32 $0xA, s17  }
0x15: {  	s7 =	ssub.s32 s6, s7;
	s6 =	sor.u32 $0x9, s6;
	s8 =	ssub.s32 s8, s9  }
0x16: {  	s10 =	ssub.s32 s10, s11;
	s12 =	ssub.s32 s12, s14;
	s9 =	sshrl.u32 s30, $0x10  }
0x17: {  	s11 =	sshrl.u32 s31, $0x10;
	s13 =	ssub.s32 s13, s15;
	s9 =	smul.u32 $0xA, s9  }
0x18: {  	s14 =	sshrl.u32 s4, $0x10;
	s15 =	ssub.s32 s16, s17;
	s11 =	smul.u32 $0xA, s11  }
0x19: {  	s14 =	smul.u32 $0xA, s14;
	s21 =	sshll.u32 s10, $0xB;
	s10 =	sshll.u32 s10, $0x7  }
0x1a: {  	s24 =	sshll.u32 s12, $0xB;
	s12 =	sshll.u32 s12, $0x7;
	s31 =	sshll.u32 s13, $0xB  }
0x1b: {  	s4 =	sshll.u32 s13, $0x7;
	s13 =	sshll.u32 s15, $0xB;
	s16 =	sshll.u32 s15, $0x7  }
0x1c: {  	s23 =	sor.u32 s10, s21;
	s26 =	sor.u32 s12, s24;
	s12 =	sor.u32 s4, s31  }
0x1d: {  	s4 =	smov.u32 s1;
	s31 =	sadd.s32 $0x1F000, s2;
	s1 =	simm.s32 $0x0  }
0x1e: {  	s9 =	ssub.s32 s18, s9;
	s11 =	ssub.s32 s19, s11;
	s18 =	sshll.u32 s7, $0xB  }
0x1f: {  	s7 =	sshll.u32 s7, $0x7;
	s14 =	ssub.s32 s20, s14;
	s19 =	sshll.u32 s8, $0xB  }
0x20: {  	s8 =	sshll.u32 s8, $0x7;
	s20 =	smul.u32 $0x199A, s6;
	s30 =	sand.u32 $0x4380, s26  }
0x21: {  	s26 =	sor.u32 $0x30, s3;
	[smem:$0x7FC] =	sst s31;
	s7 =	sor.u32 s7, s18  }
0x22: {  	s8 =	sor.u32 s8, s19;
	s17 =	sshll.u32 s9, $0xB;
	s9 =	sshll.u32 s9, $0x7  }
0x23: {  	s21 =	sshll.u32 s11, $0xB;
	s24 =	sshll.u32 s14, $0x7;
	[smem:$0x7F9] =	sst s26  }
0x24: {  	s7 =	sand.u32 $0x4300, s7;
	s8 =	sand.u32 $0x4380, s8;
	s29 =	sshrl.u32 s20, $0x10  }
0x25: {  	s9 =	sor.u32 s9, s17;
	s7 =	sor.u32 $0x18000, s7;
	s22 =	sor.u32 $0x18000, s8  }
0x26: {  	s8 =	sand.u32 $0x4300, s23;
	s10 =	smul.u32 $0xA, s29;
	[dreg:$0x4] =	wrdreg s7  }
0x27: {  	s19 =	sand.u32 $0x4300, s9;
	s29 =	sor.u32 $0x40, s3;
	[dreg:$0x5] =	wrdreg s22  }
0x28: {  	s23 =	sshll.u32 s14, $0xB;
	s25 =	sor.u32 $0x18000, s8;
	[smem:$0x7FA] =	sst s29  }
0x29: {  	s7 =	sor.u32 $0x18000, s30;
	s8 =	sor.u32 s16, s13;
	[dreg:$0x6] =	wrdreg s25  }
0x2a: {  	s20 =	sor.u32 $0x18000, s19;
	s22 =	sshll.u32 s11, $0x7;
	[dreg:$0x7] =	wrdreg s7  }
0x2b: {  	s30 =	sadd.s32 $0x1E000, s2;
	s7 =	sand.u32 $0x4300, s12;
	[dreg:$0xa] =	wrdreg s20  }
0x2c: {  	s8 =	sand.u32 $0x4380, s8;
	s6 =	ssub.s32 s6, s10;
	[smem:$0x7FB] =	sst s30  }
0x2d: {  	s7 =	sor.u32 $0x18000, s7;
	s18 =	sor.u32 $0x18000, s8;
	s8 =	sor.u32 s24, s23  }
0x2e: {  	s25 =	sshll.u32 s6, $0xB;
	s6 =	sshll.u32 s6, $0x7;
	[dreg:$0x8] =	wrdreg s7  }
0x2f: {  	s23 =	simm.s32 $0x4;
	s24 =	simm.s32 $0x3;
	[dreg:$0x9] =	wrdreg s18  }
0x30: {  	s7 =	sor.u32 s22, s21;
	s8 =	sand.u32 $0x4300, s8;
	s6 =	sor.u32 s6, s25  }
0x31: {  	s18 =	simm.s32 $0x18000;
	s21 =	simm.s32 $0x1;
	s22 =	simm.s32 $0x2  }
0x32: {  	s25 =	simm.s32 $0x5;
	s7 =	sand.u32 $0x4380, s7;
	s6 =	sand.u32 $0x4380, s6  }
0x33: {  	s10 =	sor.u32 $0x18000, s8;
	s9 =	sor.u32 $0x18000, s7;
	s11 =	sor.u32 $0x18000, s6  }
.LBB2_1:
0x34: {  	s0 =	sld [smem:$0x7F7];
	_ =	sdelay $0x1  }
0x35: {  	s19 =	simm.s32 $0x8000;
	s20 =	sld [smem:$0x7F8]  }
0x36: {  	[tilespmem:s19], [sflag:$0x1] =	stream.linear.gather [hbm4b:s0+s5], $0x8000, $0x38;
	v63 =	vld [tilespmem:$0x0]  }
0x37: {  	s26 =	sld [smem:$0x7F6]  }
0x38: {  	[tilespmem:s28], [sflag:$0x2] =	stream.linear.gather [hbm4b:s20+s5], $0x8000, $0x38;
	v63 =	vld [tilespmem:$0x0]  }
0x39: {  	[smem:$0x7F5] =	sst s1;
	s28 =	simm.s32 $0x7  }
0x3a: {  	[tilespmem:s18], [sflag:$0x7] =	stream.linear.gather [hbm4b:s26+s5], $0x8000, $0x38;
	v63 =	vld [tilespmem:$0x0]  }
0x3b: {  	_ =	swait.ge [sflag:s28], $0x8000  }
0x3c: {  	s29 =	rddreg [dreg:$0x5]  }
0x3d: {  	s6 =	sand.u32 $0x3C00, s5;
	s8 =	sand.u32 $0x70, s5;
	s2 =	rddreg [dreg:$0x6]  }
0x3e: {  	[sflag:s28] =	ssyncset.done $0x0;
	s7 =	rddreg [dreg:$0x7];
	s0 =	sadd.s32 s6, s29  }
0x3f: {  	[sflag:s28] =	ssyncadd.s32 $0xFFFF8000;
	s2 =	sadd.s32 s6, s2;
	s0 =	sadd.s32 s8, s0  }
0x40: {  	s14 =	rddreg [dreg:$0x8];
	s31 =	sadd.s32 s6, s7;
	s30 =	sadd.s32 s8, s2;
	v0 =	vld [tilespmem:s0+$0x0]  }
0x41: {  	s15 =	rddreg [dreg:$0x4];
	s12 =	sadd.s32 s6, s14;
	s2 =	sadd.s32 s8, s31;
	v1 =	vld [tilespmem:s30+$0x0]  }
0x42: {  	s13 =	rddreg [dreg:$0xa];
	s15 =	sadd.s32 s6, s15;
	s16 =	sadd.s32 s8, s12;
	v2 =	vld [tilespmem:s2+$0x0]  }
0x43: {  	s20 =	sadd.s32 s6, s13;
	s17 =	sadd.s32 s8, s15;
	v3 =	vld [tilespmem:s16+$0x0]  }
0x44: {  	s1 =	rddreg [dreg:$0x9];
	s28 =	sadd.s32 s6, s9;
	s26 =	sadd.s32 s8, s20;
	v4 =	vld [tilespmem:s17+$0x0]  }
0x45: {  	s19 =	sadd.s32 s6, s1;
	s1 =	sadd.s32 s6, s11;
	s29 =	sadd.s32 s8, s28;
	v6 =	vld [tilespmem:s26+$0x0]  }
0x46: {  	s7 =	sadd.s32 s8, s1;
	v7 =	vld [tilespmem:s29+$0x0]  }
0x47: {  	s0 =	sadd.s32 s8, s19;
	s30 =	sadd.s32 s6, s10;
	v9 =	vld [tilespmem:s7+$0x0]  }
0x48: {  	s12 =	sor.u32 s8, s6;
	v5 =	vld [tilespmem:s0+$0x0];
	s31 =	sadd.s32 s8, s30  }
0x49: {  	v8 =	vld [tilespmem:s31+$0x0];
	[tilespmem:s12+$0x0] =	vst v4  }
0x4a: {  	[tilespmem:s12+$0x80] =	vst v0  }
0x4b: {  	[tilespmem:s12+$0x100] =	vst v1  }
0x4c: {  	s13 =	sand.u32 $0x7, s5;
	[tilespmem:s12+$0x180] =	vst v2  }
0x4d: {  	s0 =	sshll.u32 s13, $0x4;
	[tilespmem:s12+$0x200] =	vst v3  }
0x4e: {  	s0 =	sadd.s32 $0x0, s0;
	[tilespmem:s12+$0x300] =	vst v6  }
0x4f: {  	s19 =	sor.u32 $0x380, s0;
	s0 =	simm.s32 $0x80;
	[tilespmem:s12+$0x280] =	vst v5  }
0x50: {  	s14 =	rddreg [dreg:$0x5];
	s20 =	simm.s32 $0x10;
	s2 =	sand.u32 $0x3C00, s0;
	[tilespmem:s19+$0x0] =	vst v7  }
0x51: {  	s17 =	rddreg [dreg:$0x6];
	s6 =	sand.u32 $0x70, s20;
	s8 =	sadd.s32 s2, s14;
	[tilespmem:s12+$0x4080] =	vst v9  }
0x52: {  	s16 =	rddreg [dreg:$0x7];
	s14 =	sadd.s32 s2, s17;
	s8 =	sadd.s32 s6, s8;
	[tilespmem:s12+$0x4000] =	vst v8  }
0x53: {  	s26 =	rddreg [dreg:$0x8];
	s29 =	sadd.s32 s2, s16;
	s28 =	sadd.s32 s6, s14;
	v0 =	vld [tilespmem:s8+$0x0]  }
0x54: {  	s20 =	rddreg [dreg:$0x4];
	s1 =	sadd.s32 s2, s26;
	s31 =	sadd.s32 s6, s29;
	v1 =	vld [tilespmem:s28+$0x0]  }
0x55: {  	s30 =	rddreg [dreg:$0x9];
	s13 =	sadd.s32 s2, s20;
	s17 =	sadd.s32 s6, s1;
	v2 =	vld [tilespmem:s31+$0x0]  }
0x56: {  	s20 =	sadd.s32 s2, s30;
	s19 =	sadd.s32 s6, s13;
	v3 =	vld [tilespmem:s17+$0x0]  }
0x57: {  	s7 =	sadd.s32 s6, s20;
	s29 =	sadd.s32 s2, s9;
	s12 =	rddreg [dreg:$0xa];
	v7 =	vld [tilespmem:s19+$0x0]  }
0x58: {  	s26 =	sadd.s32 s2, s12;
	v4 =	vld [tilespmem:s7+$0x0];
	s31 =	sadd.s32 s6, s29  }
0x59: {  	s30 =	sadd.s32 s2, s10;
	s15 =	sadd.s32 s2, s11;
	s28 =	sadd.s32 s6, s26;
	v5 =	vld [tilespmem:s31+$0x0]  }
0x5a: {  	s14 =	sadd.s32 s6, s30;
	s8 =	simm.s32 $0x20;
	s7 =	simm.s32 $0x0;
	v6 =	vld [tilespmem:s28+$0x0]  }
.LBB2_2:
0x5b: {  	v8 =	vld [tilespmem:s14+$0x0];
	s31 =	sadd.s32 s6, s15;
	s1 =	sor.u32 s6, s2  }
0x5c: {  	v9 =	vld [tilespmem:s31+$0x0];
	[tilespmem:s1+$0x100] =	vst v1  }
0x5d: {  	[tilespmem:s1+$0x80] =	vst v0  }
0x5e: {  	s7 =	sadd.s32 $0x1, s7;
	[tilespmem:s1+$0x180] =	vst v2  }
0x5f: {  	s12 =	sand.u32 $0x7, s7;
	[tilespmem:s1+$0x0] =	vst v7  }
0x60: {  	s2 =	sshll.u32 s12, $0x4;
	[tilespmem:s1+$0x200] =	vst v3  }
0x61: {  	s2 =	sadd.s32 s2, s0;
	[tilespmem:s1+$0x280] =	vst v4  }
0x62: {  	s0 =	sadd.s32 $0x80, s0;
	[tilespmem:s1+$0x300] =	vst v6;
	s17 =	sor.u32 $0x380, s2  }
0x63: {  	p0 =	sne.s32 s8, $0x7F0;
	s13 =	rddreg [dreg:$0x5];
	s2 =	sand.u32 $0x3C00, s0;
	[tilespmem:s17+$0x0] =	vst v5  }
0x64: {  	s16 =	rddreg [dreg:$0x6];
	s6 =	sand.u32 $0x70, s8;
	s14 =	sadd.s32 s2, s13;
	[tilespmem:s1+$0x4080] =	vst v9  }
0x65: {  	s20 =	rddreg [dreg:$0x7];
	s16 =	sadd.s32 s2, s16;
	s14 =	sadd.s32 s6, s14;
	[tilespmem:s1+$0x4000] =	vst v8  }
0x66: {  	s29 =	rddreg [dreg:$0x4];
	s28 =	sadd.s32 s2, s20;
	s19 =	sadd.s32 s6, s16;
	v0 =	vld [tilespmem:s14+$0x0]  }
0x67: {  	s26 =	rddreg [dreg:$0x8];
	s13 =	sadd.s32 s2, s29;
	s31 =	sadd.s32 s6, s28;
	v1 =	vld [tilespmem:s19+$0x0]  }
0x68: {  	s12 =	rddreg [dreg:$0xa];
	s1 =	sadd.s32 s2, s26;
	s17 =	sadd.s32 s6, s13;
	v2 =	vld [tilespmem:s31+$0x0]  }
.Ltmp0:
0x69: {  	s26 =	sadd.s32 s2, s12;
	s15 =	sadd.s32 s6, s1;
	v7 =	vld [tilespmem:s17+$0x0];
	(pc) =	sbr.rel @p0 .LBB2_2-.Ltmp0, $4  }
0x6a: {  	s30 =	rddreg [dreg:$0x9];
	s29 =	sadd.s32 s2, s9;
	s28 =	sadd.s32 s6, s26;
	v3 =	vld [tilespmem:s15+$0x0]  }
0x6b: {  	s19 =	sadd.s32 s2, s30;
	s30 =	sadd.s32 s6, s29;
	v6 =	vld [tilespmem:s28+$0x0]  }
0x6c: {  	s31 =	sadd.s32 s2, s10;
	s14 =	sadd.s32 s6, s19;
	v5 =	vld [tilespmem:s30+$0x0]  }
0x6d: {  	s8 =	sadd.s32 $0x10, s8;
	s15 =	sadd.s32 s2, s11;
	v4 =	vld [tilespmem:s14+$0x0];
	s14 =	sadd.s32 s6, s31  }
0x6e: {  	v8 =	vld [tilespmem:s14+$0x0];
	s8 =	sadd.s32 s6, s15;
	s2 =	sor.u32 s6, s2  }
0x6f: {  	v9 =	vld [tilespmem:s8+$0x0];
	[tilespmem:s2+$0x0] =	vst v7  }
0x70: {  	[tilespmem:s2+$0x80] =	vst v0  }
0x71: {  	s31 =	sadd.s32 $0x1, s7;
	[tilespmem:s2+$0x100] =	vst v1  }
0x72: {  	s6 =	sand.u32 $0x7, s31;
	[tilespmem:s2+$0x180] =	vst v2  }
0x73: {  	[tilespmem:s2+$0x200] =	vst v3;
	s6 =	sshll.u32 s6, $0x4  }
0x74: {  	[tilespmem:s2+$0x300] =	vst v6;
	s0 =	sadd.s32 s6, s0  }
0x75: {  	[tilespmem:s2+$0x280] =	vst v4;
	s0 =	sor.u32 $0x380, s0  }
0x76: {  	[tilespmem:s0+$0x0] =	vst v5  }
0x77: {  	[tilespmem:s2+$0x4080] =	vst v9  }
0x78: {  	s29 =	simm.s32 $0x0;
	s30 =	simm.s32 $0x0;
	[tilespmem:s2+$0x4000] =	vst v8  }
.LBB2_4:
0x79: {  	s31 =	smul.u32 $0x30, s30  }
0x7a: {  	s2 =	smul.u32 $0x266670, s30;
	_ =	sdelay $0x1  }
0x7b: {  	s0 =	sor.u32 $0x1, s31;
	s2 =	sshrl.u32 s2, $0x13  }
0x7c: {  	s7 =	sor.u32 $0x2, s31;
	s6 =	sand.u32 $0xFFF1, s0;
	s2 =	smul.u32 $0xA, s2  }
0x7d: {  	s14 =	sor.u32 $0x3, s31;
	s8 =	sand.u32 $0xFFF2, s7;
	s6 =	smul.u32 $0xCCCD, s6  }
0x7e: {  	s16 =	sor.u32 $0x4, s31;
	s15 =	sand.u32 $0xFFF3, s14;
	s8 =	smul.u32 $0xCCCD, s8  }
0x7f: {  	s26 =	sor.u32 $0x5, s31;
	s20 =	sand.u32 $0xFFF4, s16;
	s15 =	smul.u32 $0xCCCD, s15  }
0x80: {  	s12 =	sor.u32 $0x6, s31;
	s28 =	sand.u32 $0xFFF5, s26;
	s20 =	smul.u32 $0xCCCD, s20  }
0x81: {  	s19 =	sor.u32 $0x7, s31;
	s13 =	sand.u32 $0xFFF6, s12;
	s28 =	smul.u32 $0xCCCD, s28  }
0x82: {  	s17 =	sand.u32 $0xFFF7, s19;
	s13 =	smul.u32 $0xCCCD, s13  }
0x83: {  	s17 =	smul.u32 $0xCCCD, s17;
	s6 =	sshrl.u32 s6, $0x13  }
0x84: {  	s8 =	sshrl.u32 s8, $0x13;
	s6 =	smul.u32 $0xA, s6  }
0x85: {  	_ =	swait.ge [sflag:s21], $0x8000;
	s15 =	sshrl.u32 s15, $0x13;
	s8 =	smul.u32 $0xA, s8  }
0x86: {  	s2 =	ssub.s32 s31, s2;
	s20 =	sshrl.u32 s20, $0x13;
	s15 =	smul.u32 $0xA, s15  }
0x87: {  	s1 =	sshrl.u32 s28, $0x13;
	s13 =	sshrl.u32 s13, $0x13;
	s20 =	smul.u32 $0xA, s20  }
0x88: {  	s28 =	sshrl.u32 s17, $0x13;
	s0 =	ssub.s32 s0, s6;
	s6 =	smul.u32 $0xA, s1  }
0x89: {  	s17 =	sor.u32 $0x8, s31;
	s7 =	ssub.s32 s7, s8;
	s8 =	smul.u32 $0xA, s13  }
0x8a: {  	s14 =	ssub.s32 s14, s15;
	s13 =	smul.u32 $0xA, s28;
	s1 =	sand.u32 $0xFFF8, s17  }
0x8b: {  	s16 =	ssub.s32 s16, s20;
	s28 =	sshll.u32 s2, $0xB;
	s2 =	sshll.u32 s2, $0x7  }
0x8c: {  	s15 =	smul.u32 $0xCCCD, s1;
	s2 =	sor.u32 s2, s28;
	s1 =	sshll.u32 s0, $0xB  }
0x8d: {  	s0 =	sshll.u32 s0, $0x7;
	s28 =	sshll.u32 s14, $0x7;
	s6 =	ssub.s32 s26, s6  }
0x8e: {  	s8 =	ssub.s32 s12, s8;
	s12 =	ssub.s32 s19, s13;
	s2 =	sand.u32 $0x4300, s2  }
0x8f: {  	s0 =	sor.u32 s0, s1;
	s19 =	sshll.u32 s7, $0xB;
	s7 =	sshll.u32 s7, $0x7  }
0x90: {  	s26 =	sshrl.u32 s15, $0x13;
	[dreg:$0xb] =	wrdreg s2;
	s0 =	sand.u32 $0x4380, s0  }
0x91: {  	s15 =	sor.u32 $0x9, s31;
	s20 =	sor.u32 s7, s19;
	s7 =	sshll.u32 s16, $0xB  }
0x92: {  	s16 =	sshll.u32 s16, $0x7;
	s19 =	sshll.u32 s6, $0xB;
	s6 =	sshll.u32 s6, $0x7  }
0x93: {  	s13 =	smul.u32 $0xA, s26;
	[dreg:$0xc] =	wrdreg s0;
	s0 =	sand.u32 $0x4300, s20  }
0x94: {  	s26 =	sshll.u32 s14, $0xB;
	s1 =	sand.u32 $0xFFF9, s15;
	[dreg:$0xd] =	wrdreg s0  }
0x95: {  	s2 =	sor.u32 s28, s26;
	s14 =	smul.u32 $0xCCCD, s1;
	s26 =	sor.u32 s6, s19  }
0x96: {  	s28 =	sshll.u32 s8, $0xB;
	s1 =	sshll.u32 s8, $0x7;
	s13 =	ssub.s32 s17, s13  }
0x97: {  	s0 =	sand.u32 $0x4380, s2;
	s17 =	sor.u32 s16, s7;
	s8 =	sor.u32 s1, s28  }
0x98: {  	s16 =	sshll.u32 s12, $0x7;
	[dreg:$0xe] =	wrdreg s0;
	s0 =	sand.u32 $0x4300, s17  }
0x99: {  	s20 =	sshrl.u32 s14, $0x13;
	s14 =	sshll.u32 s12, $0xB;
	s19 =	sshll.u32 s13, $0xB  }
0x9a: {  	[dreg:$0xf] =	wrdreg s0;
	s0 =	sand.u32 $0x4380, s26;
	s7 =	smul.u32 $0xA, s20  }
0x9b: {  	s17 =	sor.u32 s16, s14;
	s20 =	sshll.u32 s13, $0x7;
	[dreg:$0x10] =	wrdreg s0  }
0x9c: {  	s0 =	sand.u32 $0x4300, s8;
	s2 =	sor.u32 s20, s19;
	s7 =	ssub.s32 s15, s7  }
0x9d: {  	[dreg:$0x11] =	wrdreg s0;
	s0 =	sand.u32 $0x4380, s17;
	s28 =	sand.u32 $0x4300, s2  }
0x9e: {  	s26 =	sshll.u32 s7, $0xB;
	s7 =	sshll.u32 s7, $0x7;
	[dreg:$0x12] =	wrdreg s0  }
0x9f: {  	[dreg:$0x13] =	wrdreg s28;
	s1 =	sor.u32 s7, s26  }
0xa0: {  	[sflag:s21] =	ssyncset.done $0x0;
	s7 =	rddreg [dreg:$0xb];
	s6 =	sand.u32 $0x4380, s1  }
0xa1: {  	[sflag:s21] =	ssyncadd.s32 $0xFFFF8000;
	[dreg:$0x14] =	wrdreg s6;
	s6 =	sand.u32 $0x3C00, s29  }
0xa2: {  	s12 =	sand.u32 $0x70, s29;
	s8 =	rddreg [dreg:$0x11];
	s0 =	sadd.s32 s6, s7  }
0xa3: {  	s13 =	rddreg [dreg:$0x12];
	s2 =	sadd.s32 s6, s8;
	s0 =	sadd.s32 s12, s0  }
0xa4: {  	s14 =	rddreg [dreg:$0x13];
	s7 =	sadd.s32 s6, s13;
	s2 =	sadd.s32 s12, s2;
	v0 =	vld [tilespmem:s0+$0x0]  }
0xa5: {  	s15 =	rddreg [dreg:$0x10];
	s8 =	sadd.s32 s6, s14;
	s7 =	sadd.s32 s12, s7;
	v8 =	vld [tilespmem:s2+$0x0]  }
0xa6: {  	s17 =	rddreg [dreg:$0xc];
	s13 =	sadd.s32 s6, s15;
	s19 =	sadd.s32 s12, s8;
	v9 =	vld [tilespmem:s7+$0x0]  }
0xa7: {  	s20 =	rddreg [dreg:$0xd];
	s14 =	sadd.s32 s6, s17;
	s13 =	sadd.s32 s12, s13;
	v6 =	vld [tilespmem:s19+$0x0]  }
0xa8: {  	s16 =	rddreg [dreg:$0xe];
	s8 =	sadd.s32 s6, s20;
	s1 =	sadd.s32 s12, s14;
	v1 =	vld [tilespmem:s13+$0x0]  }
0xa9: {  	s28 =	rddreg [dreg:$0xf];
	s0 =	sadd.s32 s6, s16;
	s8 =	sadd.s32 s12, s8;
	v5 =	vld [tilespmem:s1+$0x0]  }
0xaa: {  	s26 =	rddreg [dreg:$0x14];
	s2 =	sadd.s32 s6, s28;
	s0 =	sadd.s32 s12, s0;
	v4 =	vld [tilespmem:s8+$0x0]  }
0xab: {  	s7 =	sadd.s32 s6, s26;
	s2 =	sadd.s32 s12, s2;
	v2 =	vld [tilespmem:s0+$0x0]  }
0xac: {  	s6 =	sor.u32 s12, s6;
	s0 =	sadd.s32 s12, s7;
	v3 =	vld [tilespmem:s2+$0x0]  }
0xad: {  	s13 =	sor.u32 $0x8000, s6;
	v7 =	vld [tilespmem:s0+$0x0]  }
0xae: {  	s14 =	sor.u32 $0x8080, s6;
	[tilespmem:s13+$0x0] =	vst.add.f32.msk $0xffff, v0  }
0xaf: {  	s15 =	sor.u32 $0x8100, s6;
	[tilespmem:s14+$0x0] =	vst.add.f32.msk $0xffff, v5  }
0xb0: {  	p0 =	por $0x1, $0x1;
	s16 =	sor.u32 $0x8180, s6;
	[tilespmem:s15+$0x0] =	vst.add.f32.msk $0xffff, v4  }
.Ltmp1:
0xb1: {  	s17 =	sand.u32 $0x7, s29;
	s19 =	sor.u32 $0x8200, s6;
	[tilespmem:s16+$0x0] =	vst.add.f32.msk $0xffff, v2;
	(pc) =	sbr.rel @!p0 .LBB2_6-.Ltmp1, $4  }
0xb2: {  	s20 =	sor.u32 $0x8280, s6;
	s2 =	sshll.u32 s17, $0x4;
	[tilespmem:s19+$0x0] =	vst.add.f32.msk $0xffff, v3  }
0xb3: {  	s8 =	sor.u32 $0xC080, s6;
	s26 =	sor.u32 $0x8300, s6;
	s2 =	sadd.s32 $0x0, s2;
	[tilespmem:s20+$0x0] =	vst.add.f32.msk $0xffff, v1  }
0xb4: {  	s7 =	simm.s32 $0x80;
	s0 =	simm.s32 $0x10;
	s28 =	sor.u32 $0x380, s2;
	[tilespmem:s26+$0x0] =	vst.add.f32.msk $0xffff, v8  }
0xb5: {  	s2 =	simm.s32 $0x1;
	s14 =	sor.u32 $0xC380, s6;
	s15 =	sor.u32 $0xC000, s6;
	[tilespmem:s28+$0x8000] =	vst.add.f32.msk $0xffff, v9  }
.LBB2_5:
0xb6: {  	[tilespmem:s15+$0x0] =	vst.add.f32.msk $0xffff, v6  }
0xb7: {  	s1 =	sor.u32 $0xC100, s6;
	[tilespmem:s8+$0x0] =	vst.add.f32.msk $0xffff, v7  }
0xb8: {  	s12 =	rddreg [dreg:$0xb];
	s13 =	sor.u32 $0xC280, s6;
	s8 =	sor.u32 $0xC180, s6;
	[tilespmem:s1+$0x0] =	vst.add.f32.msk $0xffff, v0  }
0xb9: {  	s15 =	sor.u32 $0xC300, s6;
	s16 =	rddreg [dreg:$0x13];
	s17 =	sor.u32 $0xC200, s6;
	[tilespmem:s8+$0x0] =	vst.add.f32.msk $0xffff, v5  }
0xba: {  	s19 =	sand.u32 $0x3C00, s7;
	s20 =	rddreg [dreg:$0x14];
	s26 =	sand.u32 $0x70, s0;
	[tilespmem:s17+$0x0] =	vst.add.f32.msk $0xffff, v4  }
0xbb: {  	s28 =	sadd.s32 s19, s12;
	s16 =	sadd.s32 s19, s16;
	s1 =	rddreg [dreg:$0x12];
	[tilespmem:s13+$0x0] =	vst.add.f32.msk $0xffff, v2  }
0xbc: {  	s20 =	sadd.s32 s19, s20;
	s6 =	sadd.s32 s26, s28;
	s8 =	rddreg [dreg:$0x11];
	[tilespmem:s15+$0x0] =	vst.add.f32.msk $0xffff, v3  }
0xbd: {  	s28 =	rddreg [dreg:$0x10];
	s16 =	sadd.s32 s26, s16;
	s8 =	sadd.s32 s19, s8;
	[tilespmem:s14+$0x0] =	vst.add.f32.msk $0xffff, v1  }
0xbe: {  	s12 =	sadd.s32 s19, s1;
	s1 =	rddreg [dreg:$0xf];
	s8 =	sadd.s32 s26, s8;
	v0 =	vld [tilespmem:s6+$0x0]  }
0xbf: {  	s28 =	sadd.s32 s19, s28;
	s12 =	sadd.s32 s26, s12;
	s17 =	rddreg [dreg:$0xc];
	v8 =	vld [tilespmem:s8+$0x0]  }
0xc0: {  	s20 =	sadd.s32 s26, s20;
	s28 =	sadd.s32 s26, s28;
	s13 =	rddreg [dreg:$0xd];
	v9 =	vld [tilespmem:s12+$0x0]  }
0xc1: {  	s1 =	sadd.s32 s19, s1;
	s13 =	sadd.s32 s19, s13;
	s14 =	rddreg [dreg:$0xe];
	v6 =	vld [tilespmem:s16+$0x0]  }
0xc2: {  	s15 =	sadd.s32 s19, s14;
	s14 =	sadd.s32 s26, s1;
	s1 =	sadd.s32 s19, s17;
	v1 =	vld [tilespmem:s28+$0x0]  }
0xc3: {  	s12 =	sadd.s32 s26, s13;
	v7 =	vld [tilespmem:s20+$0x0];
	s13 =	sadd.s32 s26, s15;
	s15 =	sadd.s32 s26, s1  }
0xc4: {  	v5 =	vld [tilespmem:s15+$0x0]  }
0xc5: {  	v4 =	vld [tilespmem:s12+$0x0]  }
0xc6: {  	s6 =	sor.u32 s26, s19;
	v2 =	vld [tilespmem:s13+$0x0]  }
0xc7: {  	v3 =	vld [tilespmem:s14+$0x0];
	s13 =	sor.u32 $0x8000, s6  }
0xc8: {  	s14 =	sor.u32 $0x8080, s6;
	[tilespmem:s13+$0x0] =	vst.add.f32.msk $0xffff, v0  }
0xc9: {  	s15 =	sor.u32 $0x8100, s6;
	[tilespmem:s14+$0x0] =	vst.add.f32.msk $0xffff, v5  }
0xca: {  	p0 =	sne.s32 s0, $0x7F0;
	s16 =	sor.u32 $0x8180, s6;
	[tilespmem:s15+$0x0] =	vst.add.f32.msk $0xffff, v4  }
.Ltmp2:
0xcb: {  	s17 =	sand.u32 $0x7, s2;
	s19 =	sor.u32 $0x8200, s6;
	[tilespmem:s16+$0x0] =	vst.add.f32.msk $0xffff, v2;
	(pc) =	sbr.rel @p0 .LBB2_5-.Ltmp2, $4  }
0xcc: {  	s20 =	sor.u32 $0x8280, s6;
	s13 =	sshll.u32 s17, $0x4;
	[tilespmem:s19+$0x0] =	vst.add.f32.msk $0xffff, v3  }
0xcd: {  	s0 =	sadd.s32 $0x10, s0;
	s26 =	sor.u32 $0x8300, s6;
	s13 =	sadd.s32 s13, s7;
	[tilespmem:s20+$0x0] =	vst.add.f32.msk $0xffff, v1  }
0xce: {  	s2 =	sadd.s32 $0x1, s2;
	s8 =	sor.u32 $0xC080, s6;
	s28 =	sor.u32 $0x380, s13;
	[tilespmem:s26+$0x0] =	vst.add.f32.msk $0xffff, v8  }
0xcf: {  	s7 =	sadd.s32 $0x80, s7;
	s14 =	sor.u32 $0xC380, s6;
	s15 =	sor.u32 $0xC000, s6;
	[tilespmem:s28+$0x8000] =	vst.add.f32.msk $0xffff, v9  }
.LBB2_6:
0xd0: {  	[tilespmem:s15+$0x0] =	vst.add.f32.msk $0xffff, v6  }
0xd1: {  	s0 =	sor.u32 $0xC100, s6;
	[tilespmem:s8+$0x0] =	vst.add.f32.msk $0xffff, v7  }
0xd2: {  	s7 =	sor.u32 $0xC180, s6;
	s2 =	sor.u32 $0xC200, s6;
	[tilespmem:s0+$0x0] =	vst.add.f32.msk $0xffff, v0  }
0xd3: {  	s12 =	sor.u32 $0xC300, s6;
	s13 =	sadd.s32 s3, s31;
	s19 =	sadd.s32 $0x14, s31;
	[tilespmem:s7+$0x0] =	vst.add.f32.msk $0xffff, v5  }
0xd4: {  	p0 =	seq.s32 s30, $0x0;
	s8 =	sor.u32 $0xC280, s6;
	s20 =	smulhi.u32 $0xCCCCCCCD, s19;
	[tilespmem:s2+$0x0] =	vst.add.f32.msk $0xffff, v4  }
0xd5: {  	s1 =	simm.s32 $0x8000;
	s26 =	sadd.s32 $0x15, s31;
	s6 =	simm.s32 @!p0 $0x6;
	[tilespmem:s8+$0x0] =	vst.add.f32.msk $0xffff, v2  }
0xd6: {  	s28 =	smulhi.u32 $0xCCCCCCCD, s26;
	s0 =	sshll.u32 s13, $0x8;
	s20 =	sshrl.u32 s20, $0x3;
	[tilespmem:s12+$0x0] =	vst.add.f32.msk $0xffff, v3  }
0xd7: {  	s0 =	sadd.s32 s4, s0;
	s20 =	smul.u32 $0xA, s20;
	s12 =	sadd.s32 $0x11, s31;
	[tilespmem:s14+$0x0] =	vst.add.f32.msk $0xffff, v1  }
0xd8: {  	[hbm4b:s0+s5] =	stream.linear.scatter [tilespmem:s1], [sflag:$0x4], $0x8000, $0x38;
	v63 =	vld [tilespmem:$0x0]  }
0xd9: {  	s13 =	smulhi.u32 $0xCCCCCCCD, s12;
	s0 =	sadd.s32 $0x20, s31;
	_ =	swait.ge @!p0 [sflag:s6], $0x8000  }
0xda: {  	s8 =	simm.s32 $0x0;
	s15 =	sadd.s32 s3, s0;
	[sflag:s6] =	ssyncset.done @!p0 $0x0  }
0xdb: {  	s13 =	sshrl.u32 s13, $0x3;
	s2 =	sshll.u32 s15, $0x8;
	[sflag:s6] =	ssyncadd.s32 @!p0 $0xFFFF8000  }
0xdc: {  	s13 =	smul.u32 $0xA, s13;
	s6 =	sadd.s32 $0x10, s31;
	s16 =	rddreg [dreg:$0x0]  }
0xdd: {  	s14 =	sadd.s32 $0x12, s31;
	s7 =	smulhi.u32 $0xCCCCCCCD, s6;
	s17 =	sadd.s32 s16, s2  }
0xde: {  	[tilespmem:s18], [sflag:$0x3] =	stream.linear.gather [hbm4b:s17+s8], $0x8000, $0x38;
	v63 =	vld [tilespmem:$0x0]  }
0xdf: {  	s16 =	sadd.s32 $0x13, s31;
	s18 =	smulhi.u32 $0xCCCCCCCD, s14  }
0xe0: {  	s1 =	sadd.s32 $0x17, s31;
	s7 =	sshrl.u32 s7, $0x3;
	s17 =	smulhi.u32 $0xCCCCCCCD, s16  }
0xe1: {  	s12 =	ssub.s32 s12, s13;
	s7 =	smul.u32 $0xA, s7;
	s15 =	sshrl.u32 s18, $0x3  }
0xe2: {  	_ =	swait.ge [sflag:s22], $0x8000;
	s17 =	sshrl.u32 s17, $0x3;
	s15 =	smul.u32 $0xA, s15  }
0xe3: {  	s18 =	sadd.s32 $0x16, s31;
	[sflag:s22] =	ssyncset.done $0x0;
	s17 =	smul.u32 $0xA, s17  }
0xe4: {  	s13 =	smulhi.u32 $0xCCCCCCCD, s18;
	s7 =	ssub.s32 s6, s7;
	[sflag:s22] =	ssyncadd.s32 $0xFFFF8000  }
0xe5: {  	s14 =	ssub.s32 s14, s15;
	s15 =	sshrl.u32 s28, $0x3;
	s28 =	smulhi.u32 $0xCCCCCCCD, s1  }
0xe6: {  	s16 =	ssub.s32 s16, s17;
	s13 =	sshrl.u32 s13, $0x3;
	s15 =	smul.u32 $0xA, s15  }
0xe7: {  	s17 =	ssub.s32 s19, s20;
	s13 =	smul.u32 $0xA, s13;
	s20 =	sshrl.u32 s28, $0x3  }
0xe8: {  	s15 =	ssub.s32 s26, s15;
	s19 =	smul.u32 $0xA, s20;
	s20 =	sadd.s32 $0x18, s31  }
0xe9: {  	s13 =	ssub.s32 s18, s13;
	s26 =	sshll.u32 s7, $0xB;
	s7 =	sshll.u32 s7, $0x7  }
0xea: {  	s28 =	smulhi.u32 $0xCCCCCCCD, s20;
	s7 =	sor.u32 s7, s26;
	s26 =	sshll.u32 s16, $0xB  }
0xeb: {  	s1 =	ssub.s32 s1, s19;
	s7 =	sand.u32 $0x4300, s7;
	s19 =	sshll.u32 s14, $0xB  }
0xec: {  	s18 =	sshrl.u32 s28, $0x3;
	s28 =	sshll.u32 s12, $0xB;
	s12 =	sshll.u32 s12, $0x7  }
0xed: {  	s14 =	sshll.u32 s14, $0x7;
	s18 =	smul.u32 $0xA, s18;
	s12 =	sor.u32 s12, s28  }
0xee: {  	[dreg:$0x15] =	wrdreg s7;
	s28 =	sshll.u32 s16, $0x7;
	s7 =	sand.u32 $0x4380, s12  }
0xef: {  	s16 =	sadd.s32 $0x19, s31;
	s18 =	ssub.s32 s20, s18;
	[dreg:$0x16] =	wrdreg s7  }
0xf0: {  	s20 =	sor.u32 s14, s19;
	s19 =	sor.u32 s28, s26;
	s26 =	sshll.u32 s17, $0x7  }
0xf1: {  	s28 =	smulhi.u32 $0xCCCCCCCD, s16;
	s14 =	sshll.u32 s15, $0xB;
	s15 =	sshll.u32 s15, $0x7  }
0xf2: {  	s7 =	sand.u32 $0x4300, s20;
	s20 =	sshll.u32 s17, $0xB;
	s17 =	sshll.u32 s18, $0xB  }
0xf3: {  	[dreg:$0x17] =	wrdreg s7;
	s7 =	sand.u32 $0x4380, s19;
	s12 =	sor.u32 s26, s20  }
0xf4: {  	s19 =	sshrl.u32 s28, $0x3;
	s20 =	sor.u32 s15, s14;
	s26 =	sshll.u32 s13, $0xB  }
0xf5: {  	s13 =	sshll.u32 s13, $0x7;
	s15 =	sshll.u32 s1, $0xB;
	s1 =	sshll.u32 s1, $0x7  }
0xf6: {  	[dreg:$0x18] =	wrdreg s7;
	s7 =	sand.u32 $0x4300, s12;
	s28 =	smul.u32 $0xA, s19  }
0xf7: {  	s1 =	sor.u32 s1, s15;
	[dreg:$0x19] =	wrdreg s7;
	s7 =	sand.u32 $0x4380, s20  }
0xf8: {  	s13 =	sor.u32 s13, s26;
	s1 =	sand.u32 $0x4380, s1;
	[dreg:$0x1a] =	wrdreg s7  }
0xf9: {  	s7 =	sand.u32 $0x4300, s13;
	s16 =	ssub.s32 s16, s28;
	[dreg:$0x1c] =	wrdreg s1  }
0xfa: {  	[dreg:$0x1b] =	wrdreg s7;
	s20 =	sshll.u32 s16, $0xB;
	s13 =	sshll.u32 s16, $0x7  }
0xfb: {  	s19 =	sshll.u32 s18, $0x7;
	s15 =	rddreg [dreg:$0x1c];
	s28 =	sor.u32 s13, s20  }
0xfc: {  	s7 =	sor.u32 s19, s17;
	s13 =	rddreg [dreg:$0x15];
	s12 =	sand.u32 $0x4380, s28  }
0xfd: {  	s16 =	sand.u32 $0x70, s8;
	[dreg:$0x1e] =	wrdreg s12;
	s12 =	sand.u32 $0x3C00, s8  }
0xfe: {  	s26 =	sand.u32 $0x4300, s7;
	s14 =	rddreg [dreg:$0x1b];
	s1 =	sadd.s32 s12, s13  }
0xff: {  	[dreg:$0x1d] =	wrdreg s26;
	s7 =	sadd.s32 s12, s14;
	s1 =	sadd.s32 s16, s1  }
0x100: {  	s17 =	rddreg [dreg:$0x1d];
	s13 =	sadd.s32 s12, s15;
	s7 =	sadd.s32 s16, s7;
	v0 =	vld [tilespmem:s1+$0x0]  }
0x101: {  	s18 =	rddreg [dreg:$0x1a];
	s14 =	sadd.s32 s12, s17;
	s13 =	sadd.s32 s16, s13;
	v8 =	vld [tilespmem:s7+$0x0]  }
0x102: {  	s20 =	rddreg [dreg:$0x16];
	s15 =	sadd.s32 s12, s18;
	s26 =	sadd.s32 s16, s14;
	v9 =	vld [tilespmem:s13+$0x0]  }
0x103: {  	s28 =	rddreg [dreg:$0x17];
	s17 =	sadd.s32 s12, s20;
	s15 =	sadd.s32 s16, s15;
	v6 =	vld [tilespmem:s26+$0x0]  }
0x104: {  	s19 =	rddreg [dreg:$0x18];
	s14 =	sadd.s32 s12, s28;
	s20 =	sadd.s32 s16, s17;
	v1 =	vld [tilespmem:s15+$0x0]  }
0x105: {  	s18 =	rddreg [dreg:$0x1e];
	s1 =	sadd.s32 s12, s19;
	s28 =	sadd.s32 s16, s14;
	v5 =	vld [tilespmem:s20+$0x0]  }
0x106: {  	s19 =	rddreg [dreg:$0x19];
	s26 =	sadd.s32 s12, s18;
	s1 =	sadd.s32 s16, s1;
	v4 =	vld [tilespmem:s28+$0x0]  }
0x107: {  	s7 =	sadd.s32 s12, s19;
	v2 =	vld [tilespmem:s1+$0x0];
	s1 =	sadd.s32 s16, s26  }
0x108: {  	s15 =	sor.u32 s16, s12;
	s7 =	sadd.s32 s16, s7;
	v7 =	vld [tilespmem:s1+$0x0]  }
0x109: {  	s13 =	sor.u32 $0x10000, s15;
	v3 =	vld [tilespmem:s7+$0x0]  }
0x10a: {  	s14 =	sor.u32 $0x10080, s15;
	[tilespmem:s13+$0x0] =	vst.add.f32.msk $0xffff, v0  }
0x10b: {  	s16 =	sor.u32 $0x10100, s15;
	[tilespmem:s14+$0x0] =	vst.add.f32.msk $0xffff, v5  }
0x10c: {  	s17 =	sor.u32 $0x10180, s15;
	[tilespmem:s16+$0x0] =	vst.add.f32.msk $0xffff, v4  }
0x10d: {  	s18 =	sand.u32 $0x7, s8;
	s19 =	sor.u32 $0x10200, s15;
	[tilespmem:s17+$0x0] =	vst.add.f32.msk $0xffff, v2  }
0x10e: {  	s20 =	sor.u32 $0x10280, s15;
	s7 =	sshll.u32 s18, $0x4;
	[tilespmem:s19+$0x0] =	vst.add.f32.msk $0xffff, v3  }
0x10f: {  	s8 =	simm.s32 $0x10;
	s26 =	sor.u32 $0x10300, s15;
	s7 =	sadd.s32 $0x0, s7;
	[tilespmem:s20+$0x0] =	vst.add.f32.msk $0xffff, v1  }
0x110: {  	s28 =	sor.u32 $0x380, s7;
	s7 =	simm.s32 $0x1;
	s14 =	simm.s32 $0x80;
	[tilespmem:s26+$0x0] =	vst.add.f32.msk $0xffff, v8  }
0x111: {  	s16 =	sor.u32 $0x14080, s15;
	s20 =	sor.u32 $0x14380, s15;
	s26 =	sor.u32 $0x14000, s15;
	[tilespmem:s28+$0x10000] =	vst.add.f32.msk $0xffff, v9  }
.LBB2_7:
0x112: {  	[tilespmem:s26+$0x0] =	vst.add.f32.msk $0xffff, v6  }
0x113: {  	s12 =	sor.u32 $0x14280, s15;
	s28 =	sor.u32 $0x14100, s15;
	[tilespmem:s16+$0x0] =	vst.add.f32.msk $0xffff, v7  }
0x114: {  	s13 =	sor.u32 $0x14300, s15;
	s18 =	sor.u32 $0x14200, s15;
	s15 =	sor.u32 $0x14180, s15;
	[tilespmem:s28+$0x0] =	vst.add.f32.msk $0xffff, v0  }
0x115: {  	[tilespmem:s15+$0x0] =	vst.add.f32.msk $0xffff, v5  }
0x116: {  	[tilespmem:s18+$0x0] =	vst.add.f32.msk $0xffff, v4  }
0x117: {  	s1 =	rddreg [dreg:$0x15];
	s19 =	sand.u32 $0x3C00, s14;
	[tilespmem:s12+$0x0] =	vst.add.f32.msk $0xffff, v2  }
0x118: {  	s1 =	sadd.s32 s19, s1;
	s28 =	sand.u32 $0x70, s8;
	s15 =	rddreg [dreg:$0x1b];
	[tilespmem:s13+$0x0] =	vst.add.f32.msk $0xffff, v3  }
0x119: {  	s16 =	rddreg [dreg:$0x1c];
	s1 =	sadd.s32 s28, s1;
	s15 =	sadd.s32 s19, s15;
	[tilespmem:s20+$0x0] =	vst.add.f32.msk $0xffff, v1  }
0x11a: {  	s17 =	rddreg [dreg:$0x1d];
	s16 =	sadd.s32 s19, s16;
	s15 =	sadd.s32 s28, s15;
	v0 =	vld [tilespmem:s1+$0x0]  }
0x11b: {  	s17 =	sadd.s32 s19, s17;
	s16 =	sadd.s32 s28, s16;
	s18 =	rddreg [dreg:$0x1a];
	v8 =	vld [tilespmem:s15+$0x0]  }
0x11c: {  	s17 =	sadd.s32 s28, s17;
	s12 =	rddreg [dreg:$0x17];
	s18 =	sadd.s32 s19, s18;
	v9 =	vld [tilespmem:s16+$0x0]  }
0x11d: {  	s12 =	sadd.s32 s19, s12;
	s18 =	sadd.s32 s28, s18;
	s20 =	rddreg [dreg:$0x16];
	v6 =	vld [tilespmem:s17+$0x0]  }
0x11e: {  	s26 =	rddreg [dreg:$0x1e];
	s12 =	sadd.s32 s28, s12;
	s20 =	sadd.s32 s19, s20;
	v1 =	vld [tilespmem:s18+$0x0]  }
0x11f: {  	s26 =	sadd.s32 s19, s26;
	s1 =	rddreg [dreg:$0x18];
	v4 =	vld [tilespmem:s12+$0x0];
	s17 =	sadd.s32 s28, s20  }
0x120: {  	s26 =	sadd.s32 s28, s26;
	s13 =	rddreg [dreg:$0x19];
	s1 =	sadd.s32 s19, s1;
	v5 =	vld [tilespmem:s17+$0x0]  }
0x121: {  	s13 =	sadd.s32 s19, s13;
	v7 =	vld [tilespmem:s26+$0x0];
	s1 =	sadd.s32 s28, s1  }
0x122: {  	s15 =	sor.u32 s28, s19;
	s13 =	sadd.s32 s28, s13;
	v2 =	vld [tilespmem:s1+$0x0]  }
0x123: {  	v3 =	vld [tilespmem:s13+$0x0];
	s28 =	sor.u32 $0x10000, s15  }
0x124: {  	s12 =	sor.u32 $0x10080, s15;
	[tilespmem:s28+$0x0] =	vst.add.f32.msk $0xffff, v0  }
0x125: {  	s13 =	sor.u32 $0x10100, s15;
	[tilespmem:s12+$0x0] =	vst.add.f32.msk $0xffff, v5  }
0x126: {  	p0 =	sne.s32 s8, $0x7F0;
	s17 =	sor.u32 $0x10180, s15;
	[tilespmem:s13+$0x0] =	vst.add.f32.msk $0xffff, v4  }
.Ltmp3:
0x127: {  	s18 =	sand.u32 $0x7, s7;
	s19 =	sor.u32 $0x10200, s15;
	[tilespmem:s17+$0x0] =	vst.add.f32.msk $0xffff, v2;
	(pc) =	sbr.rel @p0 .LBB2_7-.Ltmp3, $4  }
0x128: {  	s20 =	sor.u32 $0x10280, s15;
	s12 =	sshll.u32 s18, $0x4;
	[tilespmem:s19+$0x0] =	vst.add.f32.msk $0xffff, v3  }
0x129: {  	s8 =	sadd.s32 $0x10, s8;
	s26 =	sor.u32 $0x10300, s15;
	s12 =	sadd.s32 s12, s14;
	[tilespmem:s20+$0x0] =	vst.add.f32.msk $0xffff, v1  }
0x12a: {  	s7 =	sadd.s32 $0x1, s7;
	s16 =	sor.u32 $0x14080, s15;
	s28 =	sor.u32 $0x380, s12;
	[tilespmem:s26+$0x0] =	vst.add.f32.msk $0xffff, v8  }
0x12b: {  	s14 =	sadd.s32 $0x80, s14;
	s20 =	sor.u32 $0x14380, s15;
	s26 =	sor.u32 $0x14000, s15;
	[tilespmem:s28+$0x10000] =	vst.add.f32.msk $0xffff, v9  }
0x12c: {  	[tilespmem:s26+$0x0] =	vst.add.f32.msk $0xffff, v6  }
0x12d: {  	s1 =	sor.u32 $0x14100, s15;
	[tilespmem:s16+$0x0] =	vst.add.f32.msk $0xffff, v7  }
0x12e: {  	s26 =	sor.u32 $0x14180, s15;
	[tilespmem:s1+$0x0] =	vst.add.f32.msk $0xffff, v0  }
0x12f: {  	s7 =	sor.u32 $0x14200, s15;
	[tilespmem:s26+$0x0] =	vst.add.f32.msk $0xffff, v5  }
0x130: {  	s8 =	sor.u32 $0x14280, s15;
	[tilespmem:s7+$0x0] =	vst.add.f32.msk $0xffff, v4  }
0x131: {  	s12 =	sor.u32 $0x14300, s15;
	s13 =	sadd.s32 s3, s6;
	[tilespmem:s8+$0x0] =	vst.add.f32.msk $0xffff, v2  }
0x132: {  	s1 =	sshll.u32 s13, $0x8;
	[tilespmem:s12+$0x0] =	vst.add.f32.msk $0xffff, v3  }
0x133: {  	s6 =	simm.s32 $0x0;
	s28 =	simm.s32 $0x10000;
	s1 =	sadd.s32 s4, s1;
	[tilespmem:s20+$0x0] =	vst.add.f32.msk $0xffff, v1  }
0x134: {  	[hbm4b:s1+s6] =	stream.linear.scatter [tilespmem:s28], [sflag:$0x5], $0x8000, $0x38;
	v63 =	vld [tilespmem:$0x0]  }
0x135: {  	s7 =	sadd.s32 $0x21, s31;
	_ =	swait.ge [sflag:s23], $0x8000  }
0x136: {  	s8 =	smulhi.u32 $0xCCCCCCCD, s7;
	s14 =	sld [smem:$0x7F9]  }
0x137: {  	s17 =	smulhi.u32 $0xCCCCCCCD, s0;
	s16 =	simm.s32 $0x8000;
	s12 =	sadd.s32 $0x22, s31  }
0x138: {  	s8 =	sshrl.u32 s8, $0x3;
	s13 =	smulhi.u32 $0xCCCCCCCD, s12;
	[sflag:s23] =	ssyncset.done $0x0  }
0x139: {  	s8 =	smul.u32 $0xA, s8;
	[sflag:s23] =	ssyncadd.s32 $0xFFFF8000;
	s1 =	sadd.s32 s31, s14  }
0x13a: {  	s13 =	sshrl.u32 s13, $0x3;
	s15 =	rddreg [dreg:$0x0];
	s1 =	sshll.u32 s1, $0x8  }
0x13b: {  	s13 =	smul.u32 $0xA, s13;
	s14 =	sadd.s32 $0x23, s31;
	s1 =	sadd.s32 s15, s1  }
0x13c: {  	[tilespmem:s16], [sflag:$0x1] =	stream.linear.gather [hbm4b:s1+s6], $0x8000, $0x38;
	v63 =	vld [tilespmem:$0x0]  }
0x13d: {  	s18 =	smulhi.u32 $0xCCCCCCCD, s14;
	s1 =	sshrl.u32 s17, $0x3  }
0x13e: {  	s16 =	sadd.s32 $0x24, s31;
	s1 =	smul.u32 $0xA, s1  }
0x13f: {  	s15 =	sshrl.u32 s18, $0x3;
	s17 =	smulhi.u32 $0xCCCCCCCD, s16  }
0x140: {  	s26 =	sadd.s32 $0x27, s31;
	s18 =	sadd.s32 $0x25, s31;
	s15 =	smul.u32 $0xA, s15  }
0x141: {  	s20 =	sadd.s32 $0x26, s31;
	s7 =	ssub.s32 s7, s8;
	s19 =	smulhi.u32 $0xCCCCCCCD, s18  }
0x142: {  	_ =	swait.ge [sflag:s24], $0x8000;
	s0 =	ssub.s32 s0, s1;
	s1 =	smulhi.u32 $0xCCCCCCCD, s20  }
0x143: {  	s17 =	sshrl.u32 s17, $0x3;
	s8 =	sshrl.u32 s19, $0x3;
	s19 =	smulhi.u32 $0xCCCCCCCD, s26  }
0x144: {  	s12 =	ssub.s32 s12, s13;
	[sflag:s24] =	ssyncset.done $0x0;
	s17 =	smul.u32 $0xA, s17  }
0x145: {  	s13 =	ssub.s32 s14, s15;
	s8 =	smul.u32 $0xA, s8;
	s1 =	sshrl.u32 s1, $0x3  }
0x146: {  	s19 =	sshrl.u32 s19, $0x3;
	s1 =	smul.u32 $0xA, s1;
	s15 =	ssub.s32 s16, s17  }
0x147: {  	s14 =	smul.u32 $0xA, s19;
	s16 =	sadd.s32 $0x28, s31;
	s8 =	ssub.s32 s18, s8  }
0x148: {  	s18 =	sshll.u32 s12, $0xB;
	s12 =	sshll.u32 s12, $0x7;
	s19 =	smulhi.u32 $0xCCCCCCCD, s16  }
0x149: {  	s1 =	ssub.s32 s20, s1;
	s14 =	ssub.s32 s26, s14;
	s20 =	sshll.u32 s0, $0xB  }
0x14a: {  	s0 =	sshll.u32 s0, $0x7;
	s26 =	sshll.u32 s7, $0xB;
	s7 =	sshll.u32 s7, $0x7  }
0x14b: {  	s17 =	sshrl.u32 s19, $0x3;
	s0 =	sor.u32 s0, s20;
	s7 =	sor.u32 s7, s26  }
0x14c: {  	s19 =	sor.u32 s12, s18;
	s20 =	sshll.u32 s13, $0xB;
	s26 =	sshll.u32 s13, $0x7  }
0x14d: {  	s13 =	sadd.s32 $0x29, s31;
	s0 =	sand.u32 $0x4300, s0;
	s17 =	smul.u32 $0xA, s17  }
0x14e: {  	s12 =	sshll.u32 s15, $0xB;
	s18 =	smulhi.u32 $0xCCCCCCCD, s13;
	[dreg:$0x1f] =	wrdreg s0  }
0x14f: {  	s0 =	sand.u32 $0x4380, s7;
	s7 =	sor.u32 s26, s20;
	s20 =	sshll.u32 s8, $0xB  }
0x150: {  	s8 =	sshll.u32 s8, $0x7;
	s16 =	ssub.s32 s16, s17;
	[smem:$0x7F1] =	sst s0  }
0x151: {  	s0 =	sand.u32 $0x4300, s19;
	s17 =	sshll.u32 s15, $0x7;
	s26 =	sshrl.u32 s18, $0x3  }
0x152: {  	s15 =	sor.u32 s8, s20;
	s20 =	sshll.u32 s14, $0xB;
	[smem:$0x7F2] =	sst s0  }
0x153: {  	s0 =	sand.u32 $0x4380, s7;
	s19 =	sor.u32 s17, s12;
	s17 =	sshll.u32 s1, $0xB  }
0x154: {  	s1 =	sshll.u32 s1, $0x7;
	s18 =	smul.u32 $0xA, s26;
	[smem:$0x7F0] =	sst s0  }
0x155: {  	s0 =	sand.u32 $0x4300, s19;
	s19 =	sor.u32 s1, s17;
	s17 =	rddreg [dreg:$0x1f]  }
0x156: {  	s26 =	sshll.u32 s14, $0x7;
	[smem:$0x7F4] =	sst s0;
	s0 =	sand.u32 $0x4380, s15  }
0x157: {  	s7 =	sshll.u32 s16, $0xB;
	[smem:$0x7EF] =	sst s0;
	s0 =	sand.u32 $0x4300, s19  }
0x158: {  	s12 =	sshll.u32 s16, $0x7;
	s1 =	sor.u32 s26, s20;
	[smem:$0x7EC] =	sst s0  }
0x159: {  	s8 =	ssub.s32 s13, s18;
	s0 =	sand.u32 $0x4380, s1;
	s26 =	sld [smem:$0x7EF]  }
0x15a: {  	s13 =	sshll.u32 s8, $0xB;
	s8 =	sshll.u32 s8, $0x7;
	[smem:$0x7ED] =	sst s0  }
0x15b: {  	s1 =	sor.u32 s12, s7;
	s15 =	sor.u32 s8, s13;
	s18 =	sld [smem:$0x7EC]  }
0x15c: {  	s14 =	sand.u32 $0x4300, s1;
	s16 =	sand.u32 $0x4380, s15;
	s15 =	sld [smem:$0x7F0]  }
0x15d: {  	[sflag:s24] =	ssyncadd.s32 $0xFFFF8000;
	s7 =	sand.u32 $0x3C00, s6;
	[smem:$0x7EE] =	sst s14  }
0x15e: {  	s13 =	sand.u32 $0x70, s6;
	s0 =	sadd.s32 s7, s17;
	[smem:$0x7F3] =	sst s16  }
0x15f: {  	s19 =	sld [smem:$0x7ED];
	s0 =	sadd.s32 s13, s0;
	s14 =	sadd.s32 s7, s26  }
0x160: {  	s16 =	sld [smem:$0x7F1];
	v0 =	vld [tilespmem:s0+$0x0];
	s1 =	sadd.s32 s7, s18;
	s14 =	sadd.s32 s13, s14  }
0x161: {  	s20 =	sld [smem:$0x7EE];
	s0 =	sadd.s32 s7, s15;
	s1 =	sadd.s32 s13, s1;
	v1 =	vld [tilespmem:s14+$0x0]  }
0x162: {  	s18 =	sld [smem:$0x7F2];
	s8 =	sadd.s32 s7, s19;
	s0 =	sadd.s32 s13, s0;
	v8 =	vld [tilespmem:s1+$0x0]  }
0x163: {  	s19 =	sld [smem:$0x7F3];
	s15 =	sadd.s32 s7, s16;
	s8 =	sadd.s32 s13, s8;
	v2 =	vld [tilespmem:s0+$0x0]  }
0x164: {  	s12 =	sadd.s32 s7, s20;
	s20 =	sld [smem:$0x7F4];
	s26 =	sadd.s32 s13, s15;
	v9 =	vld [tilespmem:s8+$0x0]  }
0x165: {  	s17 =	sadd.s32 s13, s12;
	s12 =	sadd.s32 s7, s18;
	v5 =	vld [tilespmem:s26+$0x0]  }
0x166: {  	v6 =	vld [tilespmem:s17+$0x0];
	s8 =	sadd.s32 s7, s19;
	s12 =	sadd.s32 s13, s12  }
0x167: {  	s0 =	sadd.s32 s13, s8;
	s1 =	sadd.s32 s7, s20;
	v4 =	vld [tilespmem:s12+$0x0]  }
0x168: {  	s8 =	sor.u32 s13, s7;
	s1 =	sadd.s32 s13, s1;
	v7 =	vld [tilespmem:s0+$0x0]  }
0x169: {  	s14 =	sor.u32 $0x18000, s8;
	v3 =	vld [tilespmem:s1+$0x0]  }
0x16a: {  	s15 =	sor.u32 $0x18080, s8;
	[tilespmem:s14+$0x0] =	vst.add.f32.msk $0xffff, v0  }
0x16b: {  	s16 =	sor.u32 $0x18100, s8;
	[tilespmem:s15+$0x0] =	vst.add.f32.msk $0xffff, v5  }
0x16c: {  	s17 =	sor.u32 $0x18180, s8;
	[tilespmem:s16+$0x0] =	vst.add.f32.msk $0xffff, v4  }
0x16d: {  	s18 =	sand.u32 $0x7, s6;
	s19 =	sor.u32 $0x18200, s8;
	[tilespmem:s17+$0x0] =	vst.add.f32.msk $0xffff, v2  }
0x16e: {  	s20 =	sor.u32 $0x18280, s8;
	s1 =	sshll.u32 s18, $0x4;
	[tilespmem:s19+$0x0] =	vst.add.f32.msk $0xffff, v3  }
0x16f: {  	s6 =	simm.s32 $0x1;
	s26 =	sor.u32 $0x18300, s8;
	s1 =	sadd.s32 $0x0, s1;
	[tilespmem:s20+$0x0] =	vst.add.f32.msk $0xffff, v1  }
0x170: {  	s7 =	simm.s32 $0x80;
	s0 =	simm.s32 $0x10;
	s1 =	sor.u32 $0x380, s1;
	[tilespmem:s26+$0x0] =	vst.add.f32.msk $0xffff, v8  }
0x171: {  	s14 =	sor.u32 $0x1C080, s8;
	s15 =	sor.u32 $0x1C380, s8;
	s16 =	sor.u32 $0x1C000, s8;
	[tilespmem:s1+$0x18000] =	vst.add.f32.msk $0xffff, v9  }
.LBB2_9:
0x172: {  	s1 =	rddreg [dreg:$0x1f];
	[tilespmem:s16+$0x0] =	vst.add.f32.msk $0xffff, v6  }
0x173: {  	s16 =	sld [smem:$0x7EE];
	s20 =	sor.u32 $0x1C100, s8;
	[tilespmem:s14+$0x0] =	vst.add.f32.msk $0xffff, v7  }
0x174: {  	s12 =	sor.u32 $0x1C280, s8;
	s19 =	sld [smem:$0x7F3];
	s26 =	sor.u32 $0x1C180, s8;
	[tilespmem:s20+$0x0] =	vst.add.f32.msk $0xffff, v0  }
0x175: {  	s13 =	sor.u32 $0x1C300, s8;
	s17 =	sor.u32 $0x1C200, s8;
	s8 =	sld [smem:$0x7EC];
	[tilespmem:s26+$0x0] =	vst.add.f32.msk $0xffff, v5  }
0x176: {  	s18 =	sand.u32 $0x3C00, s7;
	s14 =	sld [smem:$0x7ED];
	[tilespmem:s17+$0x0] =	vst.add.f32.msk $0xffff, v4  }
0x177: {  	s1 =	sadd.s32 s18, s1;
	s20 =	sand.u32 $0x70, s0;
	s26 =	sld [smem:$0x7EF];
	[tilespmem:s12+$0x0] =	vst.add.f32.msk $0xffff, v2  }
0x178: {  	s1 =	sadd.s32 s20, s1;
	s16 =	sadd.s32 s18, s16;
	s12 =	sld [smem:$0x7F2];
	[tilespmem:s13+$0x0] =	vst.add.f32.msk $0xffff, v3  }
0x179: {  	s8 =	sadd.s32 s18, s8;
	s14 =	sadd.s32 s18, s14;
	s13 =	sld [smem:$0x7F4];
	[tilespmem:s15+$0x0] =	vst.add.f32.msk $0xffff, v1  }
0x17a: {  	s8 =	sadd.s32 s20, s8;
	s17 =	sadd.s32 s18, s26;
	s26 =	sld [smem:$0x7F1];
	v0 =	vld [tilespmem:s1+$0x0]  }
0x17b: {  	s19 =	sadd.s32 s18, s19;
	s14 =	sadd.s32 s20, s14;
	s1 =	sld [smem:$0x7F0];
	v8 =	vld [tilespmem:s8+$0x0]  }
0x17c: {  	s16 =	sadd.s32 s20, s16;
	s19 =	sadd.s32 s20, s19;
	v9 =	vld [tilespmem:s14+$0x0]  }
0x17d: {  	s15 =	sadd.s32 s20, s17;
	s12 =	sadd.s32 s18, s12;
	s8 =	sor.u32 s20, s18;
	v6 =	vld [tilespmem:s16+$0x0]  }
0x17e: {  	v1 =	vld [tilespmem:s15+$0x0];
	s13 =	sadd.s32 s18, s13;
	s1 =	sadd.s32 s18, s1;
	s18 =	sadd.s32 s18, s26  }
0x17f: {  	v7 =	vld [tilespmem:s19+$0x0];
	s26 =	sadd.s32 s20, s18  }
0x180: {  	s12 =	sadd.s32 s20, s12;
	v5 =	vld [tilespmem:s26+$0x0]  }
0x181: {  	v4 =	vld [tilespmem:s12+$0x0];
	s1 =	sadd.s32 s20, s1  }
0x182: {  	s13 =	sadd.s32 s20, s13;
	v2 =	vld [tilespmem:s1+$0x0]  }
0x183: {  	s12 =	sor.u32 $0x18000, s8;
	v3 =	vld [tilespmem:s13+$0x0]  }
0x184: {  	s13 =	sor.u32 $0x18080, s8;
	[tilespmem:s12+$0x0] =	vst.add.f32.msk $0xffff, v0  }
0x185: {  	s15 =	sor.u32 $0x18100, s8;
	[tilespmem:s13+$0x0] =	vst.add.f32.msk $0xffff, v5  }
0x186: {  	p0 =	sne.s32 s0, $0x7F0;
	s16 =	sor.u32 $0x18180, s8;
	[tilespmem:s15+$0x0] =	vst.add.f32.msk $0xffff, v4  }
.Ltmp4:
0x187: {  	s17 =	sand.u32 $0x7, s6;
	s18 =	sor.u32 $0x18200, s8;
	[tilespmem:s16+$0x0] =	vst.add.f32.msk $0xffff, v2;
	(pc) =	sbr.rel @p0 .LBB2_9-.Ltmp4, $4  }
0x188: {  	s19 =	sor.u32 $0x18280, s8;
	s12 =	sshll.u32 s17, $0x4;
	[tilespmem:s18+$0x0] =	vst.add.f32.msk $0xffff, v3  }
0x189: {  	s0 =	sadd.s32 $0x10, s0;
	s20 =	sor.u32 $0x18300, s8;
	s12 =	sadd.s32 s12, s7;
	[tilespmem:s19+$0x0] =	vst.add.f32.msk $0xffff, v1  }
0x18a: {  	s6 =	sadd.s32 $0x1, s6;
	s14 =	sor.u32 $0x1C080, s8;
	s26 =	sor.u32 $0x380, s12;
	[tilespmem:s20+$0x0] =	vst.add.f32.msk $0xffff, v8  }
0x18b: {  	s7 =	sadd.s32 $0x80, s7;
	s15 =	sor.u32 $0x1C380, s8;
	s16 =	sor.u32 $0x1C000, s8;
	[tilespmem:s26+$0x18000] =	vst.add.f32.msk $0xffff, v9  }
0x18c: {  	[tilespmem:s16+$0x0] =	vst.add.f32.msk $0xffff, v6  }
0x18d: {  	s0 =	sor.u32 $0x1C100, s8;
	[tilespmem:s14+$0x0] =	vst.add.f32.msk $0xffff, v7  }
0x18e: {  	s17 =	sor.u32 $0x1C180, s8;
	[tilespmem:s0+$0x0] =	vst.add.f32.msk $0xffff, v0  }
0x18f: {  	s1 =	sor.u32 $0x1C200, s8;
	[tilespmem:s17+$0x0] =	vst.add.f32.msk $0xffff, v5  }
0x190: {  	s18 =	sor.u32 $0x1C280, s8;
	[tilespmem:s1+$0x0] =	vst.add.f32.msk $0xffff, v4  }
0x191: {  	s19 =	sor.u32 $0x1C300, s8;
	[tilespmem:s18+$0x0] =	vst.add.f32.msk $0xffff, v2  }
0x192: {  	[tilespmem:s19+$0x0] =	vst.add.f32.msk $0xffff, v3  }
0x193: {  	s20 =	sadd.s32 s4, s2;
	s18 =	simm.s32 $0x18000;
	[tilespmem:s15+$0x0] =	vst.add.f32.msk $0xffff, v1  }
0x194: {  	[hbm4b:s20+s5] =	stream.linear.scatter [tilespmem:s18], [sflag:$0x6], $0x8000, $0x38;
	v63 =	vld [tilespmem:$0x0]  }
0x195: {  	_ =	swait.ge [sflag:s25], $0x8000  }
0x196: {  	s30 =	sadd.s32 $0x1, s30;
	s26 =	sld [smem:$0x7FA]  }
0x197: {  	p0 =	sne.s32 s30, $0xA  }
.Ltmp5:
0x198: {  	[sflag:s25] =	ssyncset.done $0x0;
	(pc) =	sbr.rel @p0 .LBB2_4-.Ltmp5, $4  }
0x199: {  	[sflag:s25] =	ssyncadd.s32 $0xFFFF8000;
	s0 =	sadd.s32 s31, s26  }
0x19a: {  	s31 =	rddreg [dreg:$0x0];
	s0 =	sshll.u32 s0, $0x8  }
0x19b: {  	s0 =	sadd.s32 s31, s0  }
0x19c: {  	[tilespmem:s28], [sflag:$0x2] =	stream.linear.gather [hbm4b:s0+s5], $0x8000, $0x38;
	v63 =	vld [tilespmem:$0x0]  }
0x19d: {  	_ =	swait.ge [sflag:s21], $0x8000;
	s0 =	simm.s32 $0x0  }
0x19e: {  	[sflag:s21] =	ssyncset.done $0x0;
	s1 =	sand.u32 $0x70, s0;
	s2 =	sand.u32 $0x3C00, s0  }
0x19f: {  	[sflag:s21] =	ssyncadd.s32 $0xFFFF8000;
	s1 =	sor.u32 s1, s2  }
0x1a0: {  	v2 =	vld [tilespmem:s1+$0x180]  }
0x1a1: {  	v3 =	vld [tilespmem:s1+$0x4080]  }
0x1a2: {  	v0 =	vld [tilespmem:s1+$0x280]  }
0x1a3: {  	v4 =	vld [tilespmem:s1+$0x80]  }
0x1a4: {  	v5 =	vld [tilespmem:s1+$0x100]  }
0x1a5: {  	s0 =	sand.u32 $0x7, s0;
	v6 =	vld [tilespmem:s1+$0x0]  }
0x1a6: {  	s0 =	sshll.u32 s0, $0x4;
	v1 =	vld [tilespmem:s1+$0x200]  }
0x1a7: {  	s0 =	sadd.s32 $0x0, s0;
	v7 =	vld [tilespmem:s1+$0x300]  }
0x1a8: {  	v9 =	vld [tilespmem:s1+$0x4000];
	s0 =	sor.u32 $0x380, s0  }
0x1a9: {  	s2 =	sor.u32 $0x8000, s1;
	v8 =	vld [tilespmem:s0+$0x0]  }
0x1aa: {  	s6 =	sor.u32 $0x8080, s1;
	[tilespmem:s2+$0x0] =	vst.add.f32.msk $0xffff, v6  }
0x1ab: {  	s13 =	sor.u32 $0x8100, s1;
	[tilespmem:s6+$0x0] =	vst.add.f32.msk $0xffff, v4  }
0x1ac: {  	s14 =	sor.u32 $0x8180, s1;
	[tilespmem:s13+$0x0] =	vst.add.f32.msk $0xffff, v5  }
0x1ad: {  	s15 =	sor.u32 $0x8200, s1;
	[tilespmem:s14+$0x0] =	vst.add.f32.msk $0xffff, v2  }
0x1ae: {  	s16 =	sor.u32 $0x8280, s1;
	[tilespmem:s15+$0x0] =	vst.add.f32.msk $0xffff, v1  }
0x1af: {  	s17 =	sor.u32 $0x8300, s1;
	[tilespmem:s16+$0x0] =	vst.add.f32.msk $0xffff, v0  }
0x1b0: {  	[tilespmem:s17+$0x0] =	vst.add.f32.msk $0xffff, v7  }
0x1b1: {  	s19 =	sor.u32 $0xC000, s1;
	[tilespmem:s0+$0x8000] =	vst.add.f32.msk $0xffff, v8  }
0x1b2: {  	s20 =	sor.u32 $0xC080, s1;
	[tilespmem:s19+$0x0] =	vst.add.f32.msk $0xffff, v9  }
0x1b3: {  	s26 =	sor.u32 $0xC100, s1;
	[tilespmem:s20+$0x0] =	vst.add.f32.msk $0xffff, v3  }
0x1b4: {  	s29 =	sor.u32 $0xC180, s1;
	[tilespmem:s26+$0x0] =	vst.add.f32.msk $0xffff, v6  }
0x1b5: {  	s30 =	sor.u32 $0xC200, s1;
	[tilespmem:s29+$0x0] =	vst.add.f32.msk $0xffff, v4  }
0x1b6: {  	s31 =	sor.u32 $0xC280, s1;
	s8 =	sor.u32 $0xC380, s1;
	s2 =	simm.s32 $0x1;
	[tilespmem:s30+$0x0] =	vst.add.f32.msk $0xffff, v5  }
0x1b7: {  	s14 =	simm.s32 $0x10;
	s15 =	sor.u32 $0xC300, s1;
	s0 =	simm.s32 $0x80;
	[tilespmem:s31+$0x0] =	vst.add.f32.msk $0xffff, v2  }
.LBB2_12:
0x1b8: {  	s6 =	smov.u32 s14  }
0x1b9: {  	s1 =	sand.u32 $0x70, s14;
	s7 =	sand.u32 $0x3C00, s0;
	[tilespmem:s15+$0x0] =	vst.add.f32.msk $0xffff, v1;
	s6 =	sadd.s32 $0x10, s14  }
0x1ba: {  	p0 =	sne.s32 s14, $0x7F0;
	s7 =	sor.u32 s1, s7;
	[tilespmem:s8+$0x0] =	vst.add.f32.msk $0xffff, v0  }
0x1bb: {  	s1 =	sand.u32 $0x7, s2;
	v2 =	vld [tilespmem:s7+$0x180]  }
0x1bc: {  	s1 =	sshll.u32 s1, $0x4;
	v3 =	vld [tilespmem:s7+$0x4080]  }
0x1bd: {  	s1 =	sadd.s32 s1, s0;
	v0 =	vld [tilespmem:s7+$0x280]  }
0x1be: {  	s1 =	sor.u32 $0x380, s1;
	v4 =	vld [tilespmem:s7+$0x80]  }
0x1bf: {  	v5 =	vld [tilespmem:s7+$0x100]  }
0x1c0: {  	v6 =	vld [tilespmem:s7+$0x0]  }
0x1c1: {  	v1 =	vld [tilespmem:s7+$0x200]  }
0x1c2: {  	v7 =	vld [tilespmem:s7+$0x300]  }
0x1c3: {  	s8 =	sor.u32 $0x8000, s7;
	v8 =	vld [tilespmem:s1+$0x0]  }
0x1c4: {  	s12 =	sor.u32 $0x8080, s7;
	v9 =	vld [tilespmem:s7+$0x4000]  }
0x1c5: {  	[tilespmem:s8+$0x0] =	vst.add.f32.msk $0xffff, v6;
	s8 =	sor.u32 $0x8100, s7  }
0x1c6: {  	[tilespmem:s12+$0x0] =	vst.add.f32.msk $0xffff, v4;
	s12 =	sor.u32 $0x8180, s7  }
0x1c7: {  	[tilespmem:s8+$0x0] =	vst.add.f32.msk $0xffff, v5;
	s8 =	sor.u32 $0x8200, s7  }
0x1c8: {  	[tilespmem:s12+$0x0] =	vst.add.f32.msk $0xffff, v2;
	s12 =	sor.u32 $0x8280, s7  }
0x1c9: {  	[tilespmem:s8+$0x0] =	vst.add.f32.msk $0xffff, v1;
	s8 =	sor.u32 $0x8300, s7  }
0x1ca: {  	[tilespmem:s12+$0x0] =	vst.add.f32.msk $0xffff, v0  }
0x1cb: {  	[tilespmem:s8+$0x0] =	vst.add.f32.msk $0xffff, v7;
	s8 =	sor.u32 $0xC000, s7  }
0x1cc: {  	[tilespmem:s1+$0x8000] =	vst.add.f32.msk $0xffff, v8;
	s1 =	sor.u32 $0xC080, s7  }
0x1cd: {  	[tilespmem:s8+$0x0] =	vst.add.f32.msk $0xffff, v9;
	s8 =	sor.u32 $0xC100, s7  }
.Ltmp6:
0x1ce: {  	[tilespmem:s1+$0x0] =	vst.add.f32.msk $0xffff, v3;
	s1 =	sor.u32 $0xC180, s7;
	(pc) =	sbr.rel @p0 .LBB2_12-.Ltmp6, $4  }
0x1cf: {  	[tilespmem:s8+$0x0] =	vst.add.f32.msk $0xffff, v6;
	s8 =	sor.u32 $0xC200, s7  }
0x1d0: {  	[tilespmem:s1+$0x0] =	vst.add.f32.msk $0xffff, v4;
	s1 =	sor.u32 $0xC280, s7  }
0x1d1: {  	s2 =	sadd.s32 $0x1, s2;
	s15 =	sor.u32 $0xC300, s7;
	[tilespmem:s8+$0x0] =	vst.add.f32.msk $0xffff, v5  }
0x1d2: {  	s14 =	smov.u32 s6;
	s0 =	sadd.s32 $0x80, s0;
	s8 =	sor.u32 $0xC380, s7;
	[tilespmem:s1+$0x0] =	vst.add.f32.msk $0xffff, v2  }
0x1d3: {  	s1 =	sld [smem:$0x7FB]  }
0x1d4: {  	[tilespmem:s15+$0x0] =	vst.add.f32.msk $0xffff, v1  }
0x1d5: {  	s0 =	simm.s32 $0x0;
	s2 =	simm.s32 $0x8000;
	[tilespmem:s8+$0x0] =	vst.add.f32.msk $0xffff, v0  }
0x1d6: {  	[hbm4b:s1+s0] =	stream.linear.scatter [tilespmem:s2], [sflag:$0x4], $0x8000, $0x38;
	v63 =	vld [tilespmem:$0x0]  }
0x1d7: {  	_ =	swait.ge [sflag:s22], $0x8000  }
0x1d8: {  	s7 =	sand.u32 $0x70, s0;
	s8 =	sand.u32 $0x3C00, s0;
	[sflag:s22] =	ssyncset.done $0x0  }
0x1d9: {  	s2 =	sor.u32 s7, s8;
	[sflag:s22] =	ssyncadd.s32 $0xFFFF8000  }
0x1da: {  	v3 =	vld [tilespmem:s2+$0x280]  }
0x1db: {  	v4 =	vld [tilespmem:s2+$0x200]  }
0x1dc: {  	s12 =	sand.u32 $0x7, s0;
	v5 =	vld [tilespmem:s2+$0x180]  }
0x1dd: {  	s1 =	sshll.u32 s12, $0x4;
	v0 =	vld [tilespmem:s2+$0x4080]  }
0x1de: {  	s1 =	sadd.s32 $0x0, s1;
	v6 =	vld [tilespmem:s2+$0x4000]  }
0x1df: {  	s1 =	sor.u32 $0x380, s1;
	v7 =	vld [tilespmem:s2+$0x300]  }
0x1e0: {  	v8 =	vld [tilespmem:s1+$0x0]  }
0x1e1: {  	v2 =	vld [tilespmem:s2+$0x0]  }
0x1e2: {  	v1 =	vld [tilespmem:s2+$0x80]  }
0x1e3: {  	s6 =	sor.u32 $0x10000, s2;
	v9 =	vld [tilespmem:s2+$0x100]  }
0x1e4: {  	s13 =	sor.u32 $0x10080, s2;
	[tilespmem:s6+$0x0] =	vst.add.f32.msk $0xffff, v7  }
0x1e5: {  	s14 =	sor.u32 $0x10100, s2;
	[tilespmem:s13+$0x0] =	vst.add.f32.msk $0xffff, v8  }
0x1e6: {  	s15 =	sor.u32 $0x10180, s2;
	[tilespmem:s14+$0x0] =	vst.add.f32.msk $0xffff, v6  }
0x1e7: {  	s16 =	sor.u32 $0x10200, s2;
	[tilespmem:s15+$0x0] =	vst.add.f32.msk $0xffff, v0  }
0x1e8: {  	s17 =	sor.u32 $0x10280, s2;
	[tilespmem:s16+$0x0] =	vst.add.f32.msk $0xffff, v2  }
0x1e9: {  	s19 =	sor.u32 $0x10300, s2;
	[tilespmem:s17+$0x0] =	vst.add.f32.msk $0xffff, v1  }
0x1ea: {  	[tilespmem:s19+$0x0] =	vst.add.f32.msk $0xffff, v9  }
0x1eb: {  	s20 =	sor.u32 $0x14000, s2;
	[tilespmem:s1+$0x10000] =	vst.add.f32.msk $0xffff, v5  }
0x1ec: {  	s26 =	sor.u32 $0x14080, s2;
	[tilespmem:s20+$0x0] =	vst.add.f32.msk $0xffff, v4  }
0x1ed: {  	s29 =	sor.u32 $0x14100, s2;
	[tilespmem:s26+$0x0] =	vst.add.f32.msk $0xffff, v3  }
0x1ee: {  	s30 =	sor.u32 $0x14180, s2;
	[tilespmem:s29+$0x0] =	vst.add.f32.msk $0xffff, v7  }
0x1ef: {  	s8 =	simm.s32 $0x1;
	s31 =	sor.u32 $0x14200, s2;
	[tilespmem:s30+$0x0] =	vst.add.f32.msk $0xffff, v8  }
0x1f0: {  	s7 =	sor.u32 $0x14300, s2;
	s6 =	simm.s32 $0x10;
	s14 =	sor.u32 $0x14280, s2;
	[tilespmem:s31+$0x0] =	vst.add.f32.msk $0xffff, v6  }
.LBB2_14:
0x1f1: {  	s1 =	sand.u32 $0x7, s8;
	[tilespmem:s14+$0x0] =	vst.add.f32.msk $0xffff, v0;
	s12 =	sor.u32 $0x14380, s2;
	s0 =	sadd.s32 $0x80, s0  }
0x1f2: {  	s2 =	sand.u32 $0x70, s6;
	s1 =	sshll.u32 s1, $0x4;
	s13 =	sand.u32 $0x3C00, s0;
	[tilespmem:s7+$0x0] =	vst.add.f32.msk $0xffff, v2  }
0x1f3: {  	p0 =	sne.s32 s6, $0x7F0;
	s1 =	sadd.s32 s1, s0;
	s2 =	sor.u32 s2, s13;
	[tilespmem:s12+$0x0] =	vst.add.f32.msk $0xffff, v1  }
0x1f4: {  	s6 =	sadd.s32 $0x10, s6;
	s1 =	sor.u32 $0x380, s1;
	v3 =	vld [tilespmem:s2+$0x280];
	s7 =	sor.u32 $0x14300, s2  }
0x1f5: {  	v4 =	vld [tilespmem:s2+$0x200]  }
0x1f6: {  	v5 =	vld [tilespmem:s2+$0x180]  }
0x1f7: {  	v0 =	vld [tilespmem:s2+$0x4080]  }
0x1f8: {  	v6 =	vld [tilespmem:s2+$0x4000]  }
0x1f9: {  	v7 =	vld [tilespmem:s2+$0x300]  }
0x1fa: {  	v8 =	vld [tilespmem:s1+$0x0]  }
0x1fb: {  	v2 =	vld [tilespmem:s2+$0x0]  }
0x1fc: {  	v1 =	vld [tilespmem:s2+$0x80]  }
0x1fd: {  	s12 =	sor.u32 $0x10000, s2;
	v9 =	vld [tilespmem:s2+$0x100]  }
0x1fe: {  	[tilespmem:s12+$0x0] =	vst.add.f32.msk $0xffff, v7;
	s12 =	sor.u32 $0x10080, s2  }
0x1ff: {  	[tilespmem:s12+$0x0] =	vst.add.f32.msk $0xffff, v8;
	s12 =	sor.u32 $0x10100, s2  }
0x200: {  	[tilespmem:s12+$0x0] =	vst.add.f32.msk $0xffff, v6;
	s12 =	sor.u32 $0x10180, s2  }
0x201: {  	[tilespmem:s12+$0x0] =	vst.add.f32.msk $0xffff, v0;
	s12 =	sor.u32 $0x10200, s2  }
0x202: {  	[tilespmem:s12+$0x0] =	vst.add.f32.msk $0xffff, v2;
	s12 =	sor.u32 $0x10280, s2  }
0x203: {  	[tilespmem:s12+$0x0] =	vst.add.f32.msk $0xffff, v1;
	s12 =	sor.u32 $0x10300, s2  }
0x204: {  	[tilespmem:s12+$0x0] =	vst.add.f32.msk $0xffff, v9  }
0x205: {  	[tilespmem:s1+$0x10000] =	vst.add.f32.msk $0xffff, v5;
	s1 =	sor.u32 $0x14000, s2  }
.Ltmp7:
0x206: {  	[tilespmem:s1+$0x0] =	vst.add.f32.msk $0xffff, v4;
	s1 =	sor.u32 $0x14080, s2;
	(pc) =	sbr.rel @p0 .LBB2_14-.Ltmp7, $4  }
0x207: {  	[tilespmem:s1+$0x0] =	vst.add.f32.msk $0xffff, v3;
	s1 =	sor.u32 $0x14100, s2  }
0x208: {  	[tilespmem:s1+$0x0] =	vst.add.f32.msk $0xffff, v7;
	s1 =	sor.u32 $0x14180, s2  }
0x209: {  	[tilespmem:s1+$0x0] =	vst.add.f32.msk $0xffff, v8;
	s1 =	sor.u32 $0x14200, s2  }
0x20a: {  	s8 =	sadd.s32 $0x1, s8;
	s14 =	sor.u32 $0x14280, s2;
	[tilespmem:s1+$0x0] =	vst.add.f32.msk $0xffff, v6  }
0x20b: {  	[tilespmem:s14+$0x0] =	vst.add.f32.msk $0xffff, v0;
	s29 =	sld [smem:$0x7FC]  }
0x20c: {  	s0 =	sor.u32 $0x14380, s2;
	[tilespmem:s7+$0x0] =	vst.add.f32.msk $0xffff, v2  }
0x20d: {  	s30 =	simm.s32 $0x6;
	[tilespmem:s0+$0x0] =	vst.add.f32.msk $0xffff, v1  }
0x20e: {  	[hbm4b:s29+s5] =	stream.linear.scatter [tilespmem:s28], [sflag:$0x5], $0x8000, $0x38;
	v63 =	vld [tilespmem:$0x0]  }
0x20f: {  	_ =	swait.ge [sflag:s30], $0x8000  }
0x210: {  	[sflag:s30] =	ssyncset.done $0x0  }
0x211: {  	[sflag:s30] =	ssyncadd.s32 $0xFFFF8000  }
0x212: {  	_ =	swait.ge [sflag:s23], $0x8000  }
0x213: {  	[sflag:s23] =	ssyncset.done $0x0  }
0x214: {  	[sflag:s23] =	ssyncadd.s32 $0xFFFF8000  }
0x215: {  	_ =	swait.ge [sflag:s25], $0x8000  }
0x216: {  	s1 =	sld [smem:$0x7F5]  }
0x217: {  	s31 =	sld [smem:$0x7FD];
	_ =	sdelay $0x1  }
0x218: {  	s1 =	sadd.s32 $0x1, s1  }
0x219: {  	p0 =	sne.s32 s1, s31  }
.Ltmp8:
0x21a: {  	_ = 	snop;
	(pc) =	sbr.rel @p0 .LBB2_1-.Ltmp8, $3  }
0x21b: {  	_ =	sdelay $0x1  }
0x21c: {  	[sflag:s25] =	ssyncset.done $0x0  }
0x21d: {  	[sflag:s25] =	ssyncadd.s32 $0xFFFF8000  }
0x21e: {  	_ =	sfence.sel $0x180000  }
0x21f: {  	[bflag:$0x0] =	sbarrier.arrive $0xFFFF  }
0x220: {  	_ =	strace $0x90000047  }
0x221: {  	s0 =	stileid.u32;
	[bflag:$0x2] =	sbarrier.arrive $0xFFFF  }
0x222: {  	p0 =	sne.s32 s0, $0x0;
	s0 =	rddreg [dreg:$0x3]  }
0x223: {  	s0 =	sadd.s32 @!p0 $0x100000, s0  }
0x224: {  	[sflag:s0] =	ssyncadd.tile.s32 @!p0 $0x1;
	_ =	shalt  }
.Lfunc_end2:
_tile_overlayer_lowered:
.L_overlay_start_2:
0x225: {  	(tag) =	ssettag $0x2  }
0x226: {  	s0 =	rddreg [dreg:$0x0];
	s2 =	stileid.u32  }
0x227: {  	s1 =	rddreg [dreg:$0x1];
	p0 =	sne.s32 s2, $0x0  }
0x228: {  	s3 =	rddreg [dreg:$0x2];
	[bflag:$0x3] =	sbarrier.arrive $0xFFFF;
	s2 =	simm.s32 @!p0 $0x1C07  }
0x229: {  	[timem:s3], [sflag:s2] =	dma.local @!p0 [hbm:s0], s1  }
0x22a: {  	s0 =	simm.s32 @!p0 $0x7  }
0x22b: {  	_ =	swait.ge @!p0 [sflag:s0], s1  }
0x22c: {  	s1 =	ssub.s32 @!p0 $0x0, s1;
	[sflag:s0] =	ssyncset.done @!p0 $0x0  }
0x22d: {  	[sflag:s0] =	ssyncadd.s32 @!p0 s1  }
0x22e: {  	[bflag:$0x3] =	sbarrier.arrive $0xFFFF  }
0x22f: {  	_ =	shalt  }

</sc_bundles>
